<compile_context>
chip_gen: v7x
topology: tpu7x:2x2x1
jax: 0.10.2.dev20260603
libtpu: 0.0.44.dev20260713+nightly
codegen_flags: <defaults>
</compile_context>

<pallas_src>
import functools
import math

import jax
import jax.numpy as jnp
from jax import lax
from jax.experimental import pallas as pl
from jax.experimental.pallas import tpu as pltpu
from jax.experimental.pallas import tpu_sc as plsc


def _silu(x):
    return x * jax.nn.sigmoid(x)


def _up_kernel(nf_ref, w_ref, o_ref, *, scale):
    o_ref[...] = jnp.dot(nf_ref[...], w_ref[...]) * scale


def _edge_kernel(eft_ref, eat_ref, w1_ref, w2_ref, w3_ref, w4_ref, wdt_ref,
                 w_ref, dpt_ref, *, s_in, s_mid):
    eft = eft_ref[...]
    ef = jnp.transpose(eft)
    h = _silu(jnp.dot(ef, w1_ref[...]) * s_in)
    h = _silu(jnp.dot(h, w2_ref[...]) * s_mid)
    h = _silu(jnp.dot(h, w3_ref[...]) * s_mid)
    tw = jnp.dot(h, w4_ref[...]) * s_mid
    w_ref[...] = tw * jnp.transpose(eat_ref[...])
    dpt_ref[...] = jnp.tanh((jnp.dot(wdt_ref[...], eft) * s_in) ** 2)


def _tail_kernel(msgp_ref, densp_ref, attr_ref, fr_ref, wsin_ref, wcos_ref,
                 wlin_ref, ws_ref, o_ref, *, s_lin, s_skip, n_attr):
    msg = msgp_ref[0] + msgp_ref[1]
    dens = densp_ref[0] + densp_ref[1]
    message = msg / (dens + 1.0)
    args = dens * fr_ref[...]
    message = (message
               + jnp.dot(jnp.sin(args), wsin_ref[...])
               + jnp.dot(jnp.cos(args), wcos_ref[...]))
    t = jnp.dot(message, wlin_ref[...]) * s_lin
    p = jnp.concatenate([t * attr_ref[:, v:v + 1] for v in range(n_attr)],
                        axis=1)
    o_ref[...] = jnp.dot(p, ws_ref[...]) * s_skip


def _make_sc_scatter(n_nodes, d_feat, n_edges, nc, ns):
    nw = nc * ns
    ept = n_edges // nw
    K = 80
    n_chunks = ept // K
    share = (n_nodes // ns) // 8 * 8
    extra = n_nodes - share * ns
    ZR = 16
    nz = share // ZR

    mesh = plsc.VectorSubcoreMesh(core_axis_name="c", subcore_axis_name="s")

    @functools.partial(
        pl.kernel, mesh=mesh,
        out_type=[jax.ShapeDtypeStruct((nc, n_nodes, d_feat), jnp.float32),
                  jax.ShapeDtypeStruct((nc * n_nodes,), jnp.float32)],
        scratch_types=[
            pltpu.VMEM((K, d_feat), jnp.float32),
            pltpu.VMEM((K, d_feat), jnp.float32),
            pltpu.VMEM((K, d_feat), jnp.float32),
            pltpu.VMEM((K, d_feat), jnp.float32),
            pltpu.VMEM((K,), jnp.float32),
            pltpu.VMEM((K,), jnp.float32),
            pltpu.VMEM((K,), jnp.int32),
            pltpu.VMEM((K,), jnp.int32),
            pltpu.VMEM((K,), jnp.int32),
            pltpu.VMEM((K,), jnp.int32),
            pltpu.VMEM((ZR, d_feat), jnp.float32),
            pltpu.VMEM((share,), jnp.float32),
            pltpu.VMEM_SHARED((n_nodes, d_feat), jnp.float32),
            pltpu.VMEM_SHARED((n_nodes,), jnp.float32),
            pltpu.SemaphoreType.DMA,
            pltpu.SemaphoreType.DMA,
            pltpu.SemaphoreType.DMA,
            pltpu.SemaphoreType.DMA,
        ],
    )
    def sc_scatter(x_hbm, w_hbm, d_hbm, snd_hbm, rcv_hbm, msg_out, dens_out,
          xrows0, xrows1, wrows0, wrows1, drows0, drows1,
          sidx0, sidx1, ridx0, ridx1, zbuf, zdbuf, msg_acc, dens_acc,
          sem0, sem1, isem0, isem1):
        cid = lax.axis_index("c")
        sid = lax.axis_index("s")
        wid = sid * nc + cid
        bufs = ((xrows0, wrows0, drows0, sidx0, ridx0, sem0, isem0),
                (xrows1, wrows1, drows1, sidx1, ridx1, sem1, isem1))
        zero16 = jnp.zeros((16,), jnp.float32)

        def zb(r, _):
            for g in range(d_feat // 16):
                zbuf[r, pl.ds(g * 16, 16)] = zero16
            return 0
        lax.fori_loop(0, ZR, zb, 0)

        def zd(r, _):
            zdbuf[pl.ds(r * 16, 16)] = zero16
            return 0
        lax.fori_loop(0, share // 16, zd, 0)

        row0 = sid * share
        for t in range(nz):
            pltpu.sync_copy(zbuf, msg_acc.at[pl.ds(row0 + t * ZR, ZR), :])
        pltpu.sync_copy(zdbuf, dens_acc.at[pl.ds(row0, share)])

        @pl.when(sid == ns - 1)
        def _zt():
            pltpu.sync_copy(zbuf.at[pl.ds(0, extra), :],
                            msg_acc.at[pl.ds(ns * share, extra), :])
            pltpu.sync_copy(zdbuf.at[pl.ds(0, extra)],
                            dens_acc.at[pl.ds(ns * share, extra)])

        plsc.subcore_barrier()

        base = wid * ept

        def fire_idx(i, b):
            sidx, ridx, isem = bufs[b][3], bufs[b][4], bufs[b][6]
            e0 = base + i * K
            pltpu.async_copy(snd_hbm.at[pl.ds(e0, K)], sidx, isem)
            pltpu.async_copy(rcv_hbm.at[pl.ds(e0, K)], ridx, isem)

        def drain_idx(i, b):
            sidx, ridx, isem = bufs[b][3], bufs[b][4], bufs[b][6]
            e0 = base + i * K
            pltpu.make_async_copy(snd_hbm.at[pl.ds(e0, K)], sidx, isem).wait()
            pltpu.make_async_copy(rcv_hbm.at[pl.ds(e0, K)], ridx, isem).wait()

        def fire_data(i, b):
            xrows, wrows, drows, sidx = bufs[b][0], bufs[b][1], bufs[b][2], bufs[b][3]
            sem = bufs[b][5]
            e0 = base + i * K
            pltpu.async_copy(x_hbm.at[sidx], xrows, sem)
            pltpu.async_copy(w_hbm.at[pl.ds(e0, K), :], wrows, sem)
            pltpu.async_copy(d_hbm.at[pl.ds(e0, K)], drows, sem)

        def process(i, b):
            xrows, wrows, drows, sidx, ridx, sem, isem = bufs[b]
            bo = 1 - b
            e0 = base + i * K
            pltpu.make_async_copy(x_hbm.at[sidx], xrows, sem).wait()
            pltpu.make_async_copy(w_hbm.at[pl.ds(e0, K), :], wrows, sem).wait()
            pltpu.make_async_copy(d_hbm.at[pl.ds(e0, K)], drows, sem).wait()

            def mulrow(r, _):
                for g in range(d_feat // 16):
                    c = g * 16
                    wrows[r, pl.ds(c, 16)] = (wrows[r, pl.ds(c, 16)]
                                              * xrows[r, pl.ds(c, 16)])
                return 0
            lax.fori_loop(0, K, mulrow, 0)
            pltpu.sync_copy(wrows, msg_acc.at[ridx], add=True)
            pltpu.sync_copy(drows, dens_acc.at[ridx], add=True)

            @pl.when(i + 2 < n_chunks)
            def _pfi():
                fire_idx(i + 2, b)

            @pl.when(i + 1 < n_chunks)
            def _pfd():
                drain_idx(i + 1, bo)
                fire_data(i + 1, bo)

        fire_idx(0, 0)
        fire_idx(1, 1)
        drain_idx(0, 0)
        fire_data(0, 0)

        n_even = n_chunks // 2 * 2

        @pl.loop(0, n_even, step=2)
        def _(i):
            process(i, 0)
            process(i + 1, 1)

        if n_chunks % 2:
            process(n_chunks - 1, 0)

        plsc.subcore_barrier()
        pltpu.sync_copy(msg_acc.at[pl.ds(row0, share), :],
                        msg_out.at[cid, pl.ds(row0, share), :])
        pltpu.sync_copy(dens_acc.at[pl.ds(row0, share)], zdbuf)
        pltpu.sync_copy(zdbuf, dens_out.at[pl.ds(cid * n_nodes + row0, share)])

        @pl.when(sid == ns - 1)
        def _pt():
            pltpu.sync_copy(msg_acc.at[pl.ds(ns * share, extra), :],
                            msg_out.at[cid, pl.ds(ns * share, extra), :])
            pltpu.sync_copy(dens_acc.at[pl.ds(ns * share, extra)],
                            zdbuf.at[pl.ds(0, extra)])
            pltpu.sync_copy(zdbuf.at[pl.ds(0, extra)],
                            dens_out.at[pl.ds(cid * n_nodes + ns * share, extra)])

    return sc_scatter


def kernel(node_attrs, node_feats, edge_attrs, edge_feats, edge_index,
           W_up, W_mlp1, W_mlp2, W_mlp3, W_mlp4, W_lin, W_skip, W_dens,
           W_demb):
    n_nodes, d_feat = node_feats.shape
    n_edges, d_edge = edge_feats.shape
    d_attr = node_attrs.shape[1]

    f32 = jnp.float32
    s_feat = 1.0 / math.sqrt(d_feat)
    s_edge = 1.0 / math.sqrt(d_edge)
    s_mid = 1.0 / math.sqrt(64.0)
    s_skip = 1.0 / math.sqrt(d_feat * d_attr)
    wskip2 = jnp.transpose(W_skip, (1, 0, 2)).reshape(d_attr * d_feat, d_feat)
    half = 16
    freqs = jnp.exp(-math.log(100.0)
                    * jnp.arange(half, dtype=f32) / half).reshape(1, half)
    wsin = W_demb[:half]
    wcos = W_demb[half:]

    BN = 1000
    x = pl.pallas_call(
        functools.partial(_up_kernel, scale=s_feat),
        grid=(n_nodes // BN,),
        in_specs=[
            pl.BlockSpec((BN, d_feat), lambda i: (i, 0)),
            pl.BlockSpec((d_feat, d_feat), lambda i: (0, 0)),
        ],
        out_specs=pl.BlockSpec((BN, d_feat), lambda i: (i, 0)),
        out_shape=jax.ShapeDtypeStruct((n_nodes, d_feat), f32),
    )(node_feats, W_up)

    EB = 2560
    w_edges, dens_t = pl.pallas_call(
        functools.partial(_edge_kernel, s_in=s_edge, s_mid=s_mid),
        grid=(n_edges // EB,),
        in_specs=[
            pl.BlockSpec((d_edge, EB), lambda i: (0, i)),
            pl.BlockSpec((1, EB), lambda i: (0, i)),
            pl.BlockSpec((d_edge, 64), lambda i: (0, 0)),
            pl.BlockSpec((64, 64), lambda i: (0, 0)),
            pl.BlockSpec((64, 64), lambda i: (0, 0)),
            pl.BlockSpec((64, d_feat), lambda i: (0, 0)),
            pl.BlockSpec((1, d_edge), lambda i: (0, 0)),
        ],
        out_specs=[
            pl.BlockSpec((EB, d_feat), lambda i: (i, 0)),
            pl.BlockSpec((1, EB), lambda i: (0, i)),
        ],
        out_shape=[
            jax.ShapeDtypeStruct((n_edges, d_feat), f32),
            jax.ShapeDtypeStruct((1, n_edges), f32),
        ],
    )(edge_feats.T, edge_attrs.T, W_mlp1, W_mlp2, W_mlp3, W_mlp4, W_dens.T)

    info = plsc.get_sparse_core_info()
    nc, ns = info.num_cores, info.num_subcores
    sender = edge_index[0]
    receiver = edge_index[1]
    sc = _make_sc_scatter(n_nodes, d_feat, n_edges, nc, ns)
    msg_p, dens_p = sc(x, w_edges, dens_t.reshape(n_edges),
                       sender, receiver)
    dens_p = dens_p.reshape(nc, n_nodes, 1)

    out = pl.pallas_call(
        functools.partial(_tail_kernel, s_lin=s_feat, s_skip=s_skip,
                          n_attr=d_attr),
        grid=(n_nodes // BN,),
        in_specs=[
            pl.BlockSpec((nc, BN, d_feat), lambda i: (0, i, 0)),
            pl.BlockSpec((nc, BN, 1), lambda i: (0, i, 0)),
            pl.BlockSpec((BN, d_attr), lambda i: (i, 0)),
            pl.BlockSpec((1, half), lambda i: (0, 0)),
            pl.BlockSpec((half, d_feat), lambda i: (0, 0)),
            pl.BlockSpec((half, d_feat), lambda i: (0, 0)),
            pl.BlockSpec((d_feat, d_feat), lambda i: (0, 0)),
            pl.BlockSpec((d_attr * d_feat, d_feat), lambda i: (0, 0)),
        ],
        out_specs=pl.BlockSpec((BN, d_feat), lambda i: (i, 0)),
        out_shape=jax.ShapeDtypeStruct((n_nodes, d_feat), f32),
    )(msg_p, dens_p, node_attrs, freqs, wsin, wcos, W_lin, wskip2)

    return out[:, :, None]

# --- scband reference (transcript-rebuilt; emitter-appended) ---
"""Pipeline reference for scband-real-agnostic-density-injucted-no-scale-no-bias-interaction-gate-block-21766894256494 (READ-ONLY COPY).

The authoritative reference and input builder live on the scoring server;
editing this copy changes nothing except your own understanding.
"""

import jax, jax.numpy as jnp
import numpy as np
import math

N_NODES = 10000
N_EDGES = 320000
D_FEAT = 128
D_ATTR = 10
D_EDGE_FEAT = 8

def _silu(x):
    return x * jax.nn.sigmoid(x)

def setup_inputs(seed: int = 0) -> dict:
    key = jax.random.key(seed)
    ks = jax.random.split(key, 16)
    inp = {}
    inp['node_attrs'] = jax.random.normal(ks[0], (N_NODES, D_ATTR), dtype=jnp.float32)
    inp['node_feats'] = jax.random.normal(ks[1], (N_NODES, D_FEAT), dtype=jnp.float32)
    inp['edge_attrs'] = jax.random.normal(ks[2], (N_EDGES, 1), dtype=jnp.float32)
    inp['edge_feats'] = jax.random.normal(ks[3], (N_EDGES, D_EDGE_FEAT), dtype=jnp.float32)
    inp['edge_index'] = jax.random.randint(ks[4], (2, N_EDGES), 0, N_NODES, dtype=jnp.int32)
    # learned parameters (all-scalar 0e irreps => e3nn ops reduce to dense linears / elementwise TPs)
    inp['W_up'] = jax.random.normal(ks[5], (D_FEAT, D_FEAT), dtype=jnp.float32)          # o3.Linear 128x0e->128x0e
    inp['W_mlp1'] = jax.random.normal(ks[6], (D_EDGE_FEAT, 64), dtype=jnp.float32)        # FullyConnectedNet radial MLP
    inp['W_mlp2'] = jax.random.normal(ks[7], (64, 64), dtype=jnp.float32)
    inp['W_mlp3'] = jax.random.normal(ks[8], (64, 64), dtype=jnp.float32)
    inp['W_mlp4'] = jax.random.normal(ks[9], (64, D_FEAT), dtype=jnp.float32)             # weight_numel = 128 (uvu paths)
    inp['W_lin'] = jax.random.normal(ks[10], (D_FEAT, D_FEAT), dtype=jnp.float32)         # o3.Linear irreps_mid->target
    inp['W_skip'] = jax.random.normal(ks[11], (D_FEAT, D_ATTR, D_FEAT), dtype=jnp.float32)  # FullyConnectedTensorProduct
    inp['W_dens'] = jax.random.normal(ks[12], (D_EDGE_FEAT, 1), dtype=jnp.float32)        # density_fn (single linear layer)
    inp['W_demb'] = (jax.random.normal(ks[13], (32, D_FEAT), dtype=jnp.float32) / math.sqrt(32.0))  # torch.nn.Linear(32,128,bias=False)
    return inp

def _sinous_embedding(x, dim=32, max_density=100.0):
    half = dim // 2
    freqs = jnp.exp(-math.log(max_density) * jnp.arange(half, dtype=jnp.float32) / half)
    args = x[:, None] * freqs[None, :]
    return jnp.concatenate([jnp.sin(args), jnp.cos(args)], axis=-1)

def reference(node_attrs, node_feats, edge_attrs, edge_feats, edge_index,
              W_up, W_mlp1, W_mlp2, W_mlp3, W_mlp4, W_lin, W_skip, W_dens, W_demb):
    sender = edge_index[0]
    receiver = edge_index[1]
    num_nodes = node_feats.shape[0]
    # linear_up (e3nn o3.Linear path normalization 1/sqrt(fan_in))
    x = node_feats @ W_up / jnp.sqrt(jnp.float32(D_FEAT))
    # conv_tp_weights: FullyConnectedNet([8,64,64,64,128], silu), last layer linear
    h = _silu(edge_feats @ W_mlp1 / jnp.sqrt(jnp.float32(D_EDGE_FEAT)))
    h = _silu(h @ W_mlp2 / jnp.sqrt(64.0))
    h = _silu(h @ W_mlp3 / jnp.sqrt(64.0))
    tp_w = h @ W_mlp4 / jnp.sqrt(64.0)  # [E, 128]
    # conv_tp: (128x0e) x (1x0e) -> 128x0e, 'uvu' per-edge weights; gather on sender
    mji = x[sender] * edge_attrs * tp_w  # [E, 128]
    # density_fn: FullyConnectedNet([8,1]) last layer no activation
    density = jnp.tanh((edge_feats @ W_dens / jnp.sqrt(jnp.float32(D_EDGE_FEAT))) ** 2)  # [E,1]
    # scatter_sum by receiver
    message = jax.ops.segment_sum(mji, receiver, num_segments=num_nodes)             # [N,128]
    node_local_density = jax.ops.segment_sum(density, receiver, num_segments=num_nodes)  # [N,1]
    message = message / (node_local_density + 1.0)
    sin_emb = _sinous_embedding(node_local_density.reshape(-1), dim=32, max_density=100.0)  # [N,32]
    density_embedding = sin_emb @ W_demb  # [N,128]
    # irreps_out.slices()[0] covers all 128 scalar channels
    message = message + density_embedding
    original_message = message
    # symmetric_cp branch: linear -> skip_tp(., node_attrs) -> reshape
    out = original_message @ W_lin / jnp.sqrt(jnp.float32(D_FEAT))
    out = jnp.einsum('nu,nv,uvk->nk', out, node_attrs, W_skip) / jnp.sqrt(jnp.float32(D_FEAT * D_ATTR))
    # reshape_irreps(128x0e): [N, 128] -> [N, 128, 1]
    return out[:, :, None]

if __name__ == "__main__":
    import jax
    _d = setup_inputs()
    print(jax.jit(kernel)(*tuple(_d.values())))

</pallas_src>

<mosaic_0001>
#map = affine_map<(d0, d1) -> (0, 0)>
#map1 = affine_map<(d0, d1) -> (0)>
#map2 = affine_map<(d0, d1) -> (0, 0, 0)>
module attributes {stable_mosaic.version = 14 : i64} {
  func.func @sc_scatter(%arg0: i32, %arg1: i32, %arg2: memref<10000x128xf32, #tpu.memory_space<hbm>>, %arg3: memref<320000x128xf32, #tpu.memory_space<hbm>>, %arg4: memref<320000xf32, #tpu.memory_space<hbm>>, %arg5: memref<320000xi32, #tpu.memory_space<hbm>>, %arg6: memref<320000xi32, #tpu.memory_space<hbm>>, %arg7: memref<2x10000x128xf32, #tpu.memory_space<hbm>>, %arg8: memref<20000xf32, #tpu.memory_space<hbm>>, %arg9: memref<80x128xf32, #tpu.memory_space<vmem>>, %arg10: memref<80x128xf32, #tpu.memory_space<vmem>>, %arg11: memref<80x128xf32, #tpu.memory_space<vmem>>, %arg12: memref<80x128xf32, #tpu.memory_space<vmem>>, %arg13: memref<80xf32, #tpu.memory_space<vmem>>, %arg14: memref<80xf32, #tpu.memory_space<vmem>>, %arg15: memref<80xi32, #tpu.memory_space<vmem>>, %arg16: memref<80xi32, #tpu.memory_space<vmem>>, %arg17: memref<80xi32, #tpu.memory_space<vmem>>, %arg18: memref<80xi32, #tpu.memory_space<vmem>>, %arg19: memref<16x128xf32, #tpu.memory_space<vmem>>, %arg20: memref<624xf32, #tpu.memory_space<vmem>>, %arg21: memref<10000x128xf32, #tpu.memory_space<vmem_shared>>, %arg22: memref<10000xf32, #tpu.memory_space<vmem_shared>>, %arg23: memref<!tpu.dma_semaphore, #tpu.memory_space<semaphore_mem>>, %arg24: memref<!tpu.dma_semaphore, #tpu.memory_space<semaphore_mem>>, %arg25: memref<!tpu.dma_semaphore, #tpu.memory_space<semaphore_mem>>, %arg26: memref<!tpu.dma_semaphore, #tpu.memory_space<semaphore_mem>>) attributes {dimension_semantics = [#tpu.dimension_semantics<core_parallel>, #tpu.dimension_semantics<subcore_parallel>], iteration_bounds = array<i64: 2, 16>, scalar_prefetch = 0 : i64, scratch_operands = 18 : i64, tpu.core_type = #tpu.core_type<sc_vector_subcore>, window_params = [{transform_indices = #map}, {transform_indices = #map}, {transform_indices = #map1}, {transform_indices = #map1}, {transform_indices = #map1}, {transform_indices = #map2}, {transform_indices = #map1}]} {
    %mul3A = arith.constant 2 : i32
    %mul3A_0 = arith.muli %arg1, %mul3A : i32
    %add3A = arith.addi %mul3A_0, %arg0 : i32
    %broadcast_in_dim3A = arith.constant 0.000000e+00 : f32
    %broadcast_in_dim3A_1 = vector.broadcast %broadcast_in_dim3A : f32 to vector<16xf32>
    %scan3A = arith.constant 0 : i32
    %scan3A_2 = arith.constant 0 : i32
    %scan3A_3 = arith.constant 16 : i32
    %scan3A_4 = arith.addi %scan3A_2, %scan3A_3 : i32
    %scan3A_5 = arith.constant 1 : i32
    %scan3A_6 = scf.for %scan3A_158 = %scan3A_2 to %scan3A_4 step %scan3A_5 iter_args(%scan3A_159 = %scan3A) -> (i32)  : i32 {
      %swap3A = arith.index_cast %scan3A_158 : i32 to index
      %swap3A_160 = arith.constant 0 : index
      %swap3A_161 = tpu.vector_load %arg19[%swap3A, %swap3A_160] {strides = array<i32>} : memref<16x128xf32, #tpu.memory_space<vmem>>, vector<1x16xf32>,
      %swap3A_162 = vector.shape_cast %swap3A_161 : vector<1x16xf32> to vector<16xf32>
      %swap3A_163 = vector.shape_cast %broadcast_in_dim3A_1 : vector<16xf32> to vector<1x16xf32>
      tpu.vector_store %arg19[%swap3A, %swap3A_160], %swap3A_163 {strides = array<i32>} : memref<16x128xf32, #tpu.memory_space<vmem>>, vector<1x16xf32>,
      %swap3A_164 = arith.index_cast %scan3A_158 : i32 to index
      %swap3A_165 = arith.constant 16 : index
      %swap3A_166 = tpu.vector_load %arg19[%swap3A_164, %swap3A_165] {strides = array<i32>} : memref<16x128xf32, #tpu.memory_space<vmem>>, vector<1x16xf32>,
      %swap3A_167 = vector.shape_cast %swap3A_166 : vector<1x16xf32> to vector<16xf32>
      %swap3A_168 = vector.shape_cast %broadcast_in_dim3A_1 : vector<16xf32> to vector<1x16xf32>
      tpu.vector_store %arg19[%swap3A_164, %swap3A_165], %swap3A_168 {strides = array<i32>} : memref<16x128xf32, #tpu.memory_space<vmem>>, vector<1x16xf32>,
      %swap3A_169 = arith.index_cast %scan3A_158 : i32 to index
      %swap3A_170 = arith.constant 32 : index
      %swap3A_171 = tpu.vector_load %arg19[%swap3A_169, %swap3A_170] {strides = array<i32>} : memref<16x128xf32, #tpu.memory_space<vmem>>, vector<1x16xf32>,
      %swap3A_172 = vector.shape_cast %swap3A_171 : vector<1x16xf32> to vector<16xf32>
      %swap3A_173 = vector.shape_cast %broadcast_in_dim3A_1 : vector<16xf32> to vector<1x16xf32>
      tpu.vector_store %arg19[%swap3A_169, %swap3A_170], %swap3A_173 {strides = array<i32>} : memref<16x128xf32, #tpu.memory_space<vmem>>, vector<1x16xf32>,
      %swap3A_174 = arith.index_cast %scan3A_158 : i32 to index
      %swap3A_175 = arith.constant 48 : index
      %swap3A_176 = tpu.vector_load %arg19[%swap3A_174, %swap3A_175] {strides = array<i32>} : memref<16x128xf32, #tpu.memory_space<vmem>>, vector<1x16xf32>,
      %swap3A_177 = vector.shape_cast %swap3A_176 : vector<1x16xf32> to vector<16xf32>
      %swap3A_178 = vector.shape_cast %broadcast_in_dim3A_1 : vector<16xf32> to vector<1x16xf32>
      tpu.vector_store %arg19[%swap3A_174, %swap3A_175], %swap3A_178 {strides = array<i32>} : memref<16x128xf32, #tpu.memory_space<vmem>>, vector<1x16xf32>,
      %swap3A_179 = arith.index_cast %scan3A_158 : i32 to index
      %swap3A_180 = arith.constant 64 : index
      %swap3A_181 = tpu.vector_load %arg19[%swap3A_179, %swap3A_180] {strides = array<i32>} : memref<16x128xf32, #tpu.memory_space<vmem>>, vector<1x16xf32>,
      %swap3A_182 = vector.shape_cast %swap3A_181 : vector<1x16xf32> to vector<16xf32>
      %swap3A_183 = vector.shape_cast %broadcast_in_dim3A_1 : vector<16xf32> to vector<1x16xf32>
      tpu.vector_store %arg19[%swap3A_179, %swap3A_180], %swap3A_183 {strides = array<i32>} : memref<16x128xf32, #tpu.memory_space<vmem>>, vector<1x16xf32>,
      %swap3A_184 = arith.index_cast %scan3A_158 : i32 to index
      %swap3A_185 = arith.constant 80 : index
      %swap3A_186 = tpu.vector_load %arg19[%swap3A_184, %swap3A_185] {strides = array<i32>} : memref<16x128xf32, #tpu.memory_space<vmem>>, vector<1x16xf32>,
      %swap3A_187 = vector.shape_cast %swap3A_186 : vector<1x16xf32> to vector<16xf32>
      %swap3A_188 = vector.shape_cast %broadcast_in_dim3A_1 : vector<16xf32> to vector<1x16xf32>
      tpu.vector_store %arg19[%swap3A_184, %swap3A_185], %swap3A_188 {strides = array<i32>} : memref<16x128xf32, #tpu.memory_space<vmem>>, vector<1x16xf32>,
      %swap3A_189 = arith.index_cast %scan3A_158 : i32 to index
      %swap3A_190 = arith.constant 96 : index
      %swap3A_191 = tpu.vector_load %arg19[%swap3A_189, %swap3A_190] {strides = array<i32>} : memref<16x128xf32, #tpu.memory_space<vmem>>, vector<1x16xf32>,
      %swap3A_192 = vector.shape_cast %swap3A_191 : vector<1x16xf32> to vector<16xf32>
      %swap3A_193 = vector.shape_cast %broadcast_in_dim3A_1 : vector<16xf32> to vector<1x16xf32>
      tpu.vector_store %arg19[%swap3A_189, %swap3A_190], %swap3A_193 {strides = array<i32>} : memref<16x128xf32, #tpu.memory_space<vmem>>, vector<1x16xf32>,
      %swap3A_194 = arith.index_cast %scan3A_158 : i32 to index
      %swap3A_195 = arith.constant 112 : index
      %swap3A_196 = tpu.vector_load %arg19[%swap3A_194, %swap3A_195] {strides = array<i32>} : memref<16x128xf32, #tpu.memory_space<vmem>>, vector<1x16xf32>,
      %swap3A_197 = vector.shape_cast %swap3A_196 : vector<1x16xf32> to vector<16xf32>
      %swap3A_198 = vector.shape_cast %broadcast_in_dim3A_1 : vector<16xf32> to vector<1x16xf32>
      tpu.vector_store %arg19[%swap3A_194, %swap3A_195], %swap3A_198 {strides = array<i32>} : memref<16x128xf32, #tpu.memory_space<vmem>>, vector<1x16xf32>,
      %scan3A_199 = arith.constant 0 : i32
      scf.yield %scan3A_199 : i32
    }
    %scan3A_7 = arith.constant 16 : i32
    %scan3A_8 = arith.constant 0 : i32
    %scan3A_9 = arith.constant 0 : i32
    %scan3A_10 = arith.constant 39 : i32
    %scan3A_11 = arith.addi %scan3A_9, %scan3A_10 : i32
    %scan3A_12 = arith.constant 1 : i32
    %scan3A_13 = scf.for %scan3A_158 = %scan3A_9 to %scan3A_11 step %scan3A_12 iter_args(%scan3A_159 = %scan3A_8) -> (i32)  : i32 {
      %mul3A_160 = arith.constant 16 : i32
      %mul3A_161 = arith.muli %scan3A_158, %mul3A_160 : i32
      %swap3A = arith.index_cast %mul3A_161 : i32 to index
      %swap3A_162 = tpu.vector_load %arg20[%swap3A] {strides = array<i32>} : memref<624xf32, #tpu.memory_space<vmem>>, vector<16xf32>,
      %swap3A_163 = vector.shape_cast %swap3A_162 : vector<16xf32> to vector<16xf32>
      %swap3A_164 = vector.shape_cast %broadcast_in_dim3A_1 : vector<16xf32> to vector<16xf32>
      tpu.vector_store %arg20[%swap3A], %swap3A_164 {strides = array<i32>} : memref<624xf32, #tpu.memory_space<vmem>>, vector<16xf32>,
      %scan3A_165 = arith.constant 0 : i32
      scf.yield %scan3A_165 : i32
    }
    %scan3A_14 = arith.constant 39 : i32
    %mul3A_15 = arith.constant 624 : i32
    %mul3A_16 = arith.muli %arg1, %mul3A_15 : i32
    %add3A_17 = arith.constant 0 : i32
    %add3A_18 = arith.addi %mul3A_16, %add3A_17 : i32
    "tpu.region"() ({
      %run_scoped3A = tpu.sem_alloc : memref<!tpu.dma_semaphore, #tpu.memory_space<semaphore_mem>>
      %dma_start3A_158 = arith.constant 0 : i32
      %dma_start3A_159 = tpu.memref_slice %arg21[%add3A_18, %dma_start3A_158] : memref<10000x128xf32, #tpu.memory_space<vmem_shared>> -> memref<16x128xf32, #tpu.memory_space<vmem_shared>>
      %dma_start3A_160 = arith.constant 0 : i32
      %dma_start3A_161 = tpu.memref_slice %arg21[%add3A_18, %dma_start3A_160] : memref<10000x128xf32, #tpu.memory_space<vmem_shared>> -> memref<16x128xf32, #tpu.memory_space<vmem_shared>>
      tpu.enqueue_dma source(%arg19 : memref<16x128xf32, #tpu.memory_space<vmem>>) target(%dma_start3A_161 : memref<16x128xf32, #tpu.memory_space<vmem_shared>>) target_semaphore(%run_scoped3A : memref<!tpu.dma_semaphore, #tpu.memory_space<semaphore_mem>>)
      %dma_wait3A_162 = arith.constant 0 : i32
      %dma_wait3A_163 = tpu.memref_slice %arg21[%add3A_18, %dma_wait3A_162] : memref<10000x128xf32, #tpu.memory_space<vmem_shared>> -> memref<16x128xf32, #tpu.memory_space<vmem_shared>>
      %dma_wait3A_164 = arith.constant 0 : i32
      %dma_wait3A_165 = tpu.memref_slice %arg21[%add3A_18, %dma_wait3A_164] : memref<10000x128xf32, #tpu.memory_space<vmem_shared>> -> memref<16x128xf32, #tpu.memory_space<vmem_shared>>
      tpu.wait_dma2 semaphore(%run_scoped3A : memref<!tpu.dma_semaphore, #tpu.memory_space<semaphore_mem>>) src(%arg19 : memref<16x128xf32, #tpu.memory_space<vmem>>) dst(%dma_wait3A_165 : memref<16x128xf32, #tpu.memory_space<vmem_shared>>)
      tpu.yield
    }) : () -> ()
    %add3A_19 = arith.constant 16 : i32
    %add3A_20 = arith.addi %mul3A_16, %add3A_19 : i32
    "tpu.region"() ({
      %run_scoped3A = tpu.sem_alloc : memref<!tpu.dma_semaphore, #tpu.memory_space<semaphore_mem>>
      %dma_start3A_158 = arith.constant 0 : i32
      %dma_start3A_159 = tpu.memref_slice %arg21[%add3A_20, %dma_start3A_158] : memref<10000x128xf32, #tpu.memory_space<vmem_shared>> -> memref<16x128xf32, #tpu.memory_space<vmem_shared>>
      %dma_start3A_160 = arith.constant 0 : i32
      %dma_start3A_161 = tpu.memref_slice %arg21[%add3A_20, %dma_start3A_160] : memref<10000x128xf32, #tpu.memory_space<vmem_shared>> -> memref<16x128xf32, #tpu.memory_space<vmem_shared>>
      tpu.enqueue_dma source(%arg19 : memref<16x128xf32, #tpu.memory_space<vmem>>) target(%dma_start3A_161 : memref<16x128xf32, #tpu.memory_space<vmem_shared>>) target_semaphore(%run_scoped3A : memref<!tpu.dma_semaphore, #tpu.memory_space<semaphore_mem>>)
      %dma_wait3A_162 = arith.constant 0 : i32
      %dma_wait3A_163 = tpu.memref_slice %arg21[%add3A_20, %dma_wait3A_162] : memref<10000x128xf32, #tpu.memory_space<vmem_shared>> -> memref<16x128xf32, #tpu.memory_space<vmem_shared>>
      %dma_wait3A_164 = arith.constant 0 : i32
      %dma_wait3A_165 = tpu.memref_slice %arg21[%add3A_20, %dma_wait3A_164] : memref<10000x128xf32, #tpu.memory_space<vmem_shared>> -> memref<16x128xf32, #tpu.memory_space<vmem_shared>>
      tpu.wait_dma2 semaphore(%run_scoped3A : memref<!tpu.dma_semaphore, #tpu.memory_space<semaphore_mem>>) src(%arg19 : memref<16x128xf32, #tpu.memory_space<vmem>>) dst(%dma_wait3A_165 : memref<16x128xf32, #tpu.memory_space<vmem_shared>>)
      tpu.yield
    }) : () -> ()
    %add3A_21 = arith.constant 32 : i32
    %add3A_22 = arith.addi %mul3A_16, %add3A_21 : i32
    "tpu.region"() ({
      %run_scoped3A = tpu.sem_alloc : memref<!tpu.dma_semaphore, #tpu.memory_space<semaphore_mem>>
      %dma_start3A_158 = arith.constant 0 : i32
      %dma_start3A_159 = tpu.memref_slice %arg21[%add3A_22, %dma_start3A_158] : memref<10000x128xf32, #tpu.memory_space<vmem_shared>> -> memref<16x128xf32, #tpu.memory_space<vmem_shared>>
      %dma_start3A_160 = arith.constant 0 : i32
      %dma_start3A_161 = tpu.memref_slice %arg21[%add3A_22, %dma_start3A_160] : memref<10000x128xf32, #tpu.memory_space<vmem_shared>> -> memref<16x128xf32, #tpu.memory_space<vmem_shared>>
      tpu.enqueue_dma source(%arg19 : memref<16x128xf32, #tpu.memory_space<vmem>>) target(%dma_start3A_161 : memref<16x128xf32, #tpu.memory_space<vmem_shared>>) target_semaphore(%run_scoped3A : memref<!tpu.dma_semaphore, #tpu.memory_space<semaphore_mem>>)
      %dma_wait3A_162 = arith.constant 0 : i32
      %dma_wait3A_163 = tpu.memref_slice %arg21[%add3A_22, %dma_wait3A_162] : memref<10000x128xf32, #tpu.memory_space<vmem_shared>> -> memref<16x128xf32, #tpu.memory_space<vmem_shared>>
      %dma_wait3A_164 = arith.constant 0 : i32
      %dma_wait3A_165 = tpu.memref_slice %arg21[%add3A_22, %dma_wait3A_164] : memref<10000x128xf32, #tpu.memory_space<vmem_shared>> -> memref<16x128xf32, #tpu.memory_space<vmem_shared>>
      tpu.wait_dma2 semaphore(%run_scoped3A : memref<!tpu.dma_semaphore, #tpu.memory_space<semaphore_mem>>) src(%arg19 : memref<16x128xf32, #tpu.memory_space<vmem>>) dst(%dma_wait3A_165 : memref<16x128xf32, #tpu.memory_space<vmem_shared>>)
      tpu.yield
    }) : () -> ()
    %add3A_23 = arith.constant 48 : i32
    %add3A_24 = arith.addi %mul3A_16, %add3A_23 : i32
    "tpu.region"() ({
      %run_scoped3A = tpu.sem_alloc : memref<!tpu.dma_semaphore, #tpu.memory_space<semaphore_mem>>
      %dma_start3A_158 = arith.constant 0 : i32
      %dma_start3A_159 = tpu.memref_slice %arg21[%add3A_24, %dma_start3A_158] : memref<10000x128xf32, #tpu.memory_space<vmem_shared>> -> memref<16x128xf32, #tpu.memory_space<vmem_shared>>
      %dma_start3A_160 = arith.constant 0 : i32
      %dma_start3A_161 = tpu.memref_slice %arg21[%add3A_24, %dma_start3A_160] : memref<10000x128xf32, #tpu.memory_space<vmem_shared>> -> memref<16x128xf32, #tpu.memory_space<vmem_shared>>
      tpu.enqueue_dma source(%arg19 : memref<16x128xf32, #tpu.memory_space<vmem>>) target(%dma_start3A_161 : memref<16x128xf32, #tpu.memory_space<vmem_shared>>) target_semaphore(%run_scoped3A : memref<!tpu.dma_semaphore, #tpu.memory_space<semaphore_mem>>)
      %dma_wait3A_162 = arith.constant 0 : i32
      %dma_wait3A_163 = tpu.memref_slice %arg21[%add3A_24, %dma_wait3A_162] : memref<10000x128xf32, #tpu.memory_space<vmem_shared>> -> memref<16x128xf32, #tpu.memory_space<vmem_shared>>
      %dma_wait3A_164 = arith.constant 0 : i32
      %dma_wait3A_165 = tpu.memref_slice %arg21[%add3A_24, %dma_wait3A_164] : memref<10000x128xf32, #tpu.memory_space<vmem_shared>> -> memref<16x128xf32, #tpu.memory_space<vmem_shared>>
      tpu.wait_dma2 semaphore(%run_scoped3A : memref<!tpu.dma_semaphore, #tpu.memory_space<semaphore_mem>>) src(%arg19 : memref<16x128xf32, #tpu.memory_space<vmem>>) dst(%dma_wait3A_165 : memref<16x128xf32, #tpu.memory_space<vmem_shared>>)
      tpu.yield
    }) : () -> ()
    %add3A_25 = arith.constant 64 : i32
    %add3A_26 = arith.addi %mul3A_16, %add3A_25 : i32
    "tpu.region"() ({
      %run_scoped3A = tpu.sem_alloc : memref<!tpu.dma_semaphore, #tpu.memory_space<semaphore_mem>>
      %dma_start3A_158 = arith.constant 0 : i32
      %dma_start3A_159 = tpu.memref_slice %arg21[%add3A_26, %dma_start3A_158] : memref<10000x128xf32, #tpu.memory_space<vmem_shared>> -> memref<16x128xf32, #tpu.memory_space<vmem_shared>>
      %dma_start3A_160 = arith.constant 0 : i32
      %dma_start3A_161 = tpu.memref_slice %arg21[%add3A_26, %dma_start3A_160] : memref<10000x128xf32, #tpu.memory_space<vmem_shared>> -> memref<16x128xf32, #tpu.memory_space<vmem_shared>>
      tpu.enqueue_dma source(%arg19 : memref<16x128xf32, #tpu.memory_space<vmem>>) target(%dma_start3A_161 : memref<16x128xf32, #tpu.memory_space<vmem_shared>>) target_semaphore(%run_scoped3A : memref<!tpu.dma_semaphore, #tpu.memory_space<semaphore_mem>>)
      %dma_wait3A_162 = arith.constant 0 : i32
      %dma_wait3A_163 = tpu.memref_slice %arg21[%add3A_26, %dma_wait3A_162] : memref<10000x128xf32, #tpu.memory_space<vmem_shared>> -> memref<16x128xf32, #tpu.memory_space<vmem_shared>>
      %dma_wait3A_164 = arith.constant 0 : i32
      %dma_wait3A_165 = tpu.memref_slice %arg21[%add3A_26, %dma_wait3A_164] : memref<10000x128xf32, #tpu.memory_space<vmem_shared>> -> memref<16x128xf32, #tpu.memory_space<vmem_shared>>
      tpu.wait_dma2 semaphore(%run_scoped3A : memref<!tpu.dma_semaphore, #tpu.memory_space<semaphore_mem>>) src(%arg19 : memref<16x128xf32, #tpu.memory_space<vmem>>) dst(%dma_wait3A_165 : memref<16x128xf32, #tpu.memory_space<vmem_shared>>)
      tpu.yield
    }) : () -> ()
    %add3A_27 = arith.constant 80 : i32
    %add3A_28 = arith.addi %mul3A_16, %add3A_27 : i32
    "tpu.region"() ({
      %run_scoped3A = tpu.sem_alloc : memref<!tpu.dma_semaphore, #tpu.memory_space<semaphore_mem>>
      %dma_start3A_158 = arith.constant 0 : i32
      %dma_start3A_159 = tpu.memref_slice %arg21[%add3A_28, %dma_start3A_158] : memref<10000x128xf32, #tpu.memory_space<vmem_shared>> -> memref<16x128xf32, #tpu.memory_space<vmem_shared>>
      %dma_start3A_160 = arith.constant 0 : i32
      %dma_start3A_161 = tpu.memref_slice %arg21[%add3A_28, %dma_start3A_160] : memref<10000x128xf32, #tpu.memory_space<vmem_shared>> -> memref<16x128xf32, #tpu.memory_space<vmem_shared>>
      tpu.enqueue_dma source(%arg19 : memref<16x128xf32, #tpu.memory_space<vmem>>) target(%dma_start3A_161 : memref<16x128xf32, #tpu.memory_space<vmem_shared>>) target_semaphore(%run_scoped3A : memref<!tpu.dma_semaphore, #tpu.memory_space<semaphore_mem>>)
      %dma_wait3A_162 = arith.constant 0 : i32
      %dma_wait3A_163 = tpu.memref_slice %arg21[%add3A_28, %dma_wait3A_162] : memref<10000x128xf32, #tpu.memory_space<vmem_shared>> -> memref<16x128xf32, #tpu.memory_space<vmem_shared>>
      %dma_wait3A_164 = arith.constant 0 : i32
      %dma_wait3A_165 = tpu.memref_slice %arg21[%add3A_28, %dma_wait3A_164] : memref<10000x128xf32, #tpu.memory_space<vmem_shared>> -> memref<16x128xf32, #tpu.memory_space<vmem_shared>>
      tpu.wait_dma2 semaphore(%run_scoped3A : memref<!tpu.dma_semaphore, #tpu.memory_space<semaphore_mem>>) src(%arg19 : memref<16x128xf32, #tpu.memory_space<vmem>>) dst(%dma_wait3A_165 : memref<16x128xf32, #tpu.memory_space<vmem_shared>>)
      tpu.yield
    }) : () -> ()
    %add3A_29 = arith.constant 96 : i32
    %add3A_30 = arith.addi %mul3A_16, %add3A_29 : i32
    "tpu.region"() ({
      %run_scoped3A = tpu.sem_alloc : memref<!tpu.dma_semaphore, #tpu.memory_space<semaphore_mem>>
      %dma_start3A_158 = arith.constant 0 : i32
      %dma_start3A_159 = tpu.memref_slice %arg21[%add3A_30, %dma_start3A_158] : memref<10000x128xf32, #tpu.memory_space<vmem_shared>> -> memref<16x128xf32, #tpu.memory_space<vmem_shared>>
      %dma_start3A_160 = arith.constant 0 : i32
      %dma_start3A_161 = tpu.memref_slice %arg21[%add3A_30, %dma_start3A_160] : memref<10000x128xf32, #tpu.memory_space<vmem_shared>> -> memref<16x128xf32, #tpu.memory_space<vmem_shared>>
      tpu.enqueue_dma source(%arg19 : memref<16x128xf32, #tpu.memory_space<vmem>>) target(%dma_start3A_161 : memref<16x128xf32, #tpu.memory_space<vmem_shared>>) target_semaphore(%run_scoped3A : memref<!tpu.dma_semaphore, #tpu.memory_space<semaphore_mem>>)
      %dma_wait3A_162 = arith.constant 0 : i32
      %dma_wait3A_163 = tpu.memref_slice %arg21[%add3A_30, %dma_wait3A_162] : memref<10000x128xf32, #tpu.memory_space<vmem_shared>> -> memref<16x128xf32, #tpu.memory_space<vmem_shared>>
      %dma_wait3A_164 = arith.constant 0 : i32
      %dma_wait3A_165 = tpu.memref_slice %arg21[%add3A_30, %dma_wait3A_164] : memref<10000x128xf32, #tpu.memory_space<vmem_shared>> -> memref<16x128xf32, #tpu.memory_space<vmem_shared>>
      tpu.wait_dma2 semaphore(%run_scoped3A : memref<!tpu.dma_semaphore, #tpu.memory_space<semaphore_mem>>) src(%arg19 : memref<16x128xf32, #tpu.memory_space<vmem>>) dst(%dma_wait3A_165 : memref<16x128xf32, #tpu.memory_space<vmem_shared>>)
      tpu.yield
    }) : () -> ()
    %add3A_31 = arith.constant 112 : i32
    %add3A_32 = arith.addi %mul3A_16, %add3A_31 : i32
    "tpu.region"() ({
      %run_scoped3A = tpu.sem_alloc : memref<!tpu.dma_semaphore, #tpu.memory_space<semaphore_mem>>
      %dma_start3A_158 = arith.constant 0 : i32
      %dma_start3A_159 = tpu.memref_slice %arg21[%add3A_32, %dma_start3A_158] : memref<10000x128xf32, #tpu.memory_space<vmem_shared>> -> memref<16x128xf32, #tpu.memory_space<vmem_shared>>
      %dma_start3A_160 = arith.constant 0 : i32
      %dma_start3A_161 = tpu.memref_slice %arg21[%add3A_32, %dma_start3A_160] : memref<10000x128xf32, #tpu.memory_space<vmem_shared>> -> memref<16x128xf32, #tpu.memory_space<vmem_shared>>
      tpu.enqueue_dma source(%arg19 : memref<16x128xf32, #tpu.memory_space<vmem>>) target(%dma_start3A_161 : memref<16x128xf32, #tpu.memory_space<vmem_shared>>) target_semaphore(%run_scoped3A : memref<!tpu.dma_semaphore, #tpu.memory_space<semaphore_mem>>)
      %dma_wait3A_162 = arith.constant 0 : i32
      %dma_wait3A_163 = tpu.memref_slice %arg21[%add3A_32, %dma_wait3A_162] : memref<10000x128xf32, #tpu.memory_space<vmem_shared>> -> memref<16x128xf32, #tpu.memory_space<vmem_shared>>
      %dma_wait3A_164 = arith.constant 0 : i32
      %dma_wait3A_165 = tpu.memref_slice %arg21[%add3A_32, %dma_wait3A_164] : memref<10000x128xf32, #tpu.memory_space<vmem_shared>> -> memref<16x128xf32, #tpu.memory_space<vmem_shared>>
      tpu.wait_dma2 semaphore(%run_scoped3A : memref<!tpu.dma_semaphore, #tpu.memory_space<semaphore_mem>>) src(%arg19 : memref<16x128xf32, #tpu.memory_space<vmem>>) dst(%dma_wait3A_165 : memref<16x128xf32, #tpu.memory_space<vmem_shared>>)
      tpu.yield
    }) : () -> ()
    %add3A_33 = arith.constant 128 : i32
    %add3A_34 = arith.addi %mul3A_16, %add3A_33 : i32
    "tpu.region"() ({
      %run_scoped3A = tpu.sem_alloc : memref<!tpu.dma_semaphore, #tpu.memory_space<semaphore_mem>>
      %dma_start3A_158 = arith.constant 0 : i32
      %dma_start3A_159 = tpu.memref_slice %arg21[%add3A_34, %dma_start3A_158] : memref<10000x128xf32, #tpu.memory_space<vmem_shared>> -> memref<16x128xf32, #tpu.memory_space<vmem_shared>>
      %dma_start3A_160 = arith.constant 0 : i32
      %dma_start3A_161 = tpu.memref_slice %arg21[%add3A_34, %dma_start3A_160] : memref<10000x128xf32, #tpu.memory_space<vmem_shared>> -> memref<16x128xf32, #tpu.memory_space<vmem_shared>>
      tpu.enqueue_dma source(%arg19 : memref<16x128xf32, #tpu.memory_space<vmem>>) target(%dma_start3A_161 : memref<16x128xf32, #tpu.memory_space<vmem_shared>>) target_semaphore(%run_scoped3A : memref<!tpu.dma_semaphore, #tpu.memory_space<semaphore_mem>>)
      %dma_wait3A_162 = arith.constant 0 : i32
      %dma_wait3A_163 = tpu.memref_slice %arg21[%add3A_34, %dma_wait3A_162] : memref<10000x128xf32, #tpu.memory_space<vmem_shared>> -> memref<16x128xf32, #tpu.memory_space<vmem_shared>>
      %dma_wait3A_164 = arith.constant 0 : i32
      %dma_wait3A_165 = tpu.memref_slice %arg21[%add3A_34, %dma_wait3A_164] : memref<10000x128xf32, #tpu.memory_space<vmem_shared>> -> memref<16x128xf32, #tpu.memory_space<vmem_shared>>
      tpu.wait_dma2 semaphore(%run_scoped3A : memref<!tpu.dma_semaphore, #tpu.memory_space<semaphore_mem>>) src(%arg19 : memref<16x128xf32, #tpu.memory_space<vmem>>) dst(%dma_wait3A_165 : memref<16x128xf32, #tpu.memory_space<vmem_shared>>)
      tpu.yield
    }) : () -> ()
    %add3A_35 = arith.constant 144 : i32
    %add3A_36 = arith.addi %mul3A_16, %add3A_35 : i32
    "tpu.region"() ({
      %run_scoped3A = tpu.sem_alloc : memref<!tpu.dma_semaphore, #tpu.memory_space<semaphore_mem>>
      %dma_start3A_158 = arith.constant 0 : i32
      %dma_start3A_159 = tpu.memref_slice %arg21[%add3A_36, %dma_start3A_158] : memref<10000x128xf32, #tpu.memory_space<vmem_shared>> -> memref<16x128xf32, #tpu.memory_space<vmem_shared>>
      %dma_start3A_160 = arith.constant 0 : i32
      %dma_start3A_161 = tpu.memref_slice %arg21[%add3A_36, %dma_start3A_160] : memref<10000x128xf32, #tpu.memory_space<vmem_shared>> -> memref<16x128xf32, #tpu.memory_space<vmem_shared>>
      tpu.enqueue_dma source(%arg19 : memref<16x128xf32, #tpu.memory_space<vmem>>) target(%dma_start3A_161 : memref<16x128xf32, #tpu.memory_space<vmem_shared>>) target_semaphore(%run_scoped3A : memref<!tpu.dma_semaphore, #tpu.memory_space<semaphore_mem>>)
      %dma_wait3A_162 = arith.constant 0 : i32
      %dma_wait3A_163 = tpu.memref_slice %arg21[%add3A_36, %dma_wait3A_162] : memref<10000x128xf32, #tpu.memory_space<vmem_shared>> -> memref<16x128xf32, #tpu.memory_space<vmem_shared>>
      %dma_wait3A_164 = arith.constant 0 : i32
      %dma_wait3A_165 = tpu.memref_slice %arg21[%add3A_36, %dma_wait3A_164] : memref<10000x128xf32, #tpu.memory_space<vmem_shared>> -> memref<16x128xf32, #tpu.memory_space<vmem_shared>>
      tpu.wait_dma2 semaphore(%run_scoped3A : memref<!tpu.dma_semaphore, #tpu.memory_space<semaphore_mem>>) src(%arg19 : memref<16x128xf32, #tpu.memory_space<vmem>>) dst(%dma_wait3A_165 : memref<16x128xf32, #tpu.memory_space<vmem_shared>>)
      tpu.yield
    }) : () -> ()
    %add3A_37 = arith.constant 160 : i32
    %add3A_38 = arith.addi %mul3A_16, %add3A_37 : i32
    "tpu.region"() ({
      %run_scoped3A = tpu.sem_alloc : memref<!tpu.dma_semaphore, #tpu.memory_space<semaphore_mem>>
      %dma_start3A_158 = arith.constant 0 : i32
      %dma_start3A_159 = tpu.memref_slice %arg21[%add3A_38, %dma_start3A_158] : memref<10000x128xf32, #tpu.memory_space<vmem_shared>> -> memref<16x128xf32, #tpu.memory_space<vmem_shared>>
      %dma_start3A_160 = arith.constant 0 : i32
      %dma_start3A_161 = tpu.memref_slice %arg21[%add3A_38, %dma_start3A_160] : memref<10000x128xf32, #tpu.memory_space<vmem_shared>> -> memref<16x128xf32, #tpu.memory_space<vmem_shared>>
      tpu.enqueue_dma source(%arg19 : memref<16x128xf32, #tpu.memory_space<vmem>>) target(%dma_start3A_161 : memref<16x128xf32, #tpu.memory_space<vmem_shared>>) target_semaphore(%run_scoped3A : memref<!tpu.dma_semaphore, #tpu.memory_space<semaphore_mem>>)
      %dma_wait3A_162 = arith.constant 0 : i32
      %dma_wait3A_163 = tpu.memref_slice %arg21[%add3A_38, %dma_wait3A_162] : memref<10000x128xf32, #tpu.memory_space<vmem_shared>> -> memref<16x128xf32, #tpu.memory_space<vmem_shared>>
      %dma_wait3A_164 = arith.constant 0 : i32
      %dma_wait3A_165 = tpu.memref_slice %arg21[%add3A_38, %dma_wait3A_164] : memref<10000x128xf32, #tpu.memory_space<vmem_shared>> -> memref<16x128xf32, #tpu.memory_space<vmem_shared>>
      tpu.wait_dma2 semaphore(%run_scoped3A : memref<!tpu.dma_semaphore, #tpu.memory_space<semaphore_mem>>) src(%arg19 : memref<16x128xf32, #tpu.memory_space<vmem>>) dst(%dma_wait3A_165 : memref<16x128xf32, #tpu.memory_space<vmem_shared>>)
      tpu.yield
    }) : () -> ()
    %add3A_39 = arith.constant 176 : i32
    %add3A_40 = arith.addi %mul3A_16, %add3A_39 : i32
    "tpu.region"() ({
      %run_scoped3A = tpu.sem_alloc : memref<!tpu.dma_semaphore, #tpu.memory_space<semaphore_mem>>
      %dma_start3A_158 = arith.constant 0 : i32
      %dma_start3A_159 = tpu.memref_slice %arg21[%add3A_40, %dma_start3A_158] : memref<10000x128xf32, #tpu.memory_space<vmem_shared>> -> memref<16x128xf32, #tpu.memory_space<vmem_shared>>
      %dma_start3A_160 = arith.constant 0 : i32
      %dma_start3A_161 = tpu.memref_slice %arg21[%add3A_40, %dma_start3A_160] : memref<10000x128xf32, #tpu.memory_space<vmem_shared>> -> memref<16x128xf32, #tpu.memory_space<vmem_shared>>
      tpu.enqueue_dma source(%arg19 : memref<16x128xf32, #tpu.memory_space<vmem>>) target(%dma_start3A_161 : memref<16x128xf32, #tpu.memory_space<vmem_shared>>) target_semaphore(%run_scoped3A : memref<!tpu.dma_semaphore, #tpu.memory_space<semaphore_mem>>)
      %dma_wait3A_162 = arith.constant 0 : i32
      %dma_wait3A_163 = tpu.memref_slice %arg21[%add3A_40, %dma_wait3A_162] : memref<10000x128xf32, #tpu.memory_space<vmem_shared>> -> memref<16x128xf32, #tpu.memory_space<vmem_shared>>
      %dma_wait3A_164 = arith.constant 0 : i32
      %dma_wait3A_165 = tpu.memref_slice %arg21[%add3A_40, %dma_wait3A_164] : memref<10000x128xf32, #tpu.memory_space<vmem_shared>> -> memref<16x128xf32, #tpu.memory_space<vmem_shared>>
      tpu.wait_dma2 semaphore(%run_scoped3A : memref<!tpu.dma_semaphore, #tpu.memory_space<semaphore_mem>>) src(%arg19 : memref<16x128xf32, #tpu.memory_space<vmem>>) dst(%dma_wait3A_165 : memref<16x128xf32, #tpu.memory_space<vmem_shared>>)
      tpu.yield
    }) : () -> ()
    %add3A_41 = arith.constant 192 : i32
    %add3A_42 = arith.addi %mul3A_16, %add3A_41 : i32
    "tpu.region"() ({
      %run_scoped3A = tpu.sem_alloc : memref<!tpu.dma_semaphore, #tpu.memory_space<semaphore_mem>>
      %dma_start3A_158 = arith.constant 0 : i32
      %dma_start3A_159 = tpu.memref_slice %arg21[%add3A_42, %dma_start3A_158] : memref<10000x128xf32, #tpu.memory_space<vmem_shared>> -> memref<16x128xf32, #tpu.memory_space<vmem_shared>>
      %dma_start3A_160 = arith.constant 0 : i32
      %dma_start3A_161 = tpu.memref_slice %arg21[%add3A_42, %dma_start3A_160] : memref<10000x128xf32, #tpu.memory_space<vmem_shared>> -> memref<16x128xf32, #tpu.memory_space<vmem_shared>>
      tpu.enqueue_dma source(%arg19 : memref<16x128xf32, #tpu.memory_space<vmem>>) target(%dma_start3A_161 : memref<16x128xf32, #tpu.memory_space<vmem_shared>>) target_semaphore(%run_scoped3A : memref<!tpu.dma_semaphore, #tpu.memory_space<semaphore_mem>>)
      %dma_wait3A_162 = arith.constant 0 : i32
      %dma_wait3A_163 = tpu.memref_slice %arg21[%add3A_42, %dma_wait3A_162] : memref<10000x128xf32, #tpu.memory_space<vmem_shared>> -> memref<16x128xf32, #tpu.memory_space<vmem_shared>>
      %dma_wait3A_164 = arith.constant 0 : i32
      %dma_wait3A_165 = tpu.memref_slice %arg21[%add3A_42, %dma_wait3A_164] : memref<10000x128xf32, #tpu.memory_space<vmem_shared>> -> memref<16x128xf32, #tpu.memory_space<vmem_shared>>
      tpu.wait_dma2 semaphore(%run_scoped3A : memref<!tpu.dma_semaphore, #tpu.memory_space<semaphore_mem>>) src(%arg19 : memref<16x128xf32, #tpu.memory_space<vmem>>) dst(%dma_wait3A_165 : memref<16x128xf32, #tpu.memory_space<vmem_shared>>)
      tpu.yield
    }) : () -> ()
    %add3A_43 = arith.constant 208 : i32
    %add3A_44 = arith.addi %mul3A_16, %add3A_43 : i32
    "tpu.region"() ({
      %run_scoped3A = tpu.sem_alloc : memref<!tpu.dma_semaphore, #tpu.memory_space<semaphore_mem>>
      %dma_start3A_158 = arith.constant 0 : i32
      %dma_start3A_159 = tpu.memref_slice %arg21[%add3A_44, %dma_start3A_158] : memref<10000x128xf32, #tpu.memory_space<vmem_shared>> -> memref<16x128xf32, #tpu.memory_space<vmem_shared>>
      %dma_start3A_160 = arith.constant 0 : i32
      %dma_start3A_161 = tpu.memref_slice %arg21[%add3A_44, %dma_start3A_160] : memref<10000x128xf32, #tpu.memory_space<vmem_shared>> -> memref<16x128xf32, #tpu.memory_space<vmem_shared>>
      tpu.enqueue_dma source(%arg19 : memref<16x128xf32, #tpu.memory_space<vmem>>) target(%dma_start3A_161 : memref<16x128xf32, #tpu.memory_space<vmem_shared>>) target_semaphore(%run_scoped3A : memref<!tpu.dma_semaphore, #tpu.memory_space<semaphore_mem>>)
      %dma_wait3A_162 = arith.constant 0 : i32
      %dma_wait3A_163 = tpu.memref_slice %arg21[%add3A_44, %dma_wait3A_162] : memref<10000x128xf32, #tpu.memory_space<vmem_shared>> -> memref<16x128xf32, #tpu.memory_space<vmem_shared>>
      %dma_wait3A_164 = arith.constant 0 : i32
      %dma_wait3A_165 = tpu.memref_slice %arg21[%add3A_44, %dma_wait3A_164] : memref<10000x128xf32, #tpu.memory_space<vmem_shared>> -> memref<16x128xf32, #tpu.memory_space<vmem_shared>>
      tpu.wait_dma2 semaphore(%run_scoped3A : memref<!tpu.dma_semaphore, #tpu.memory_space<semaphore_mem>>) src(%arg19 : memref<16x128xf32, #tpu.memory_space<vmem>>) dst(%dma_wait3A_165 : memref<16x128xf32, #tpu.memory_space<vmem_shared>>)
      tpu.yield
    }) : () -> ()
    %add3A_45 = arith.constant 224 : i32
    %add3A_46 = arith.addi %mul3A_16, %add3A_45 : i32
    "tpu.region"() ({
      %run_scoped3A = tpu.sem_alloc : memref<!tpu.dma_semaphore, #tpu.memory_space<semaphore_mem>>
      %dma_start3A_158 = arith.constant 0 : i32
      %dma_start3A_159 = tpu.memref_slice %arg21[%add3A_46, %dma_start3A_158] : memref<10000x128xf32, #tpu.memory_space<vmem_shared>> -> memref<16x128xf32, #tpu.memory_space<vmem_shared>>
      %dma_start3A_160 = arith.constant 0 : i32
      %dma_start3A_161 = tpu.memref_slice %arg21[%add3A_46, %dma_start3A_160] : memref<10000x128xf32, #tpu.memory_space<vmem_shared>> -> memref<16x128xf32, #tpu.memory_space<vmem_shared>>
      tpu.enqueue_dma source(%arg19 : memref<16x128xf32, #tpu.memory_space<vmem>>) target(%dma_start3A_161 : memref<16x128xf32, #tpu.memory_space<vmem_shared>>) target_semaphore(%run_scoped3A : memref<!tpu.dma_semaphore, #tpu.memory_space<semaphore_mem>>)
      %dma_wait3A_162 = arith.constant 0 : i32
      %dma_wait3A_163 = tpu.memref_slice %arg21[%add3A_46, %dma_wait3A_162] : memref<10000x128xf32, #tpu.memory_space<vmem_shared>> -> memref<16x128xf32, #tpu.memory_space<vmem_shared>>
      %dma_wait3A_164 = arith.constant 0 : i32
      %dma_wait3A_165 = tpu.memref_slice %arg21[%add3A_46, %dma_wait3A_164] : memref<10000x128xf32, #tpu.memory_space<vmem_shared>> -> memref<16x128xf32, #tpu.memory_space<vmem_shared>>
      tpu.wait_dma2 semaphore(%run_scoped3A : memref<!tpu.dma_semaphore, #tpu.memory_space<semaphore_mem>>) src(%arg19 : memref<16x128xf32, #tpu.memory_space<vmem>>) dst(%dma_wait3A_165 : memref<16x128xf32, #tpu.memory_space<vmem_shared>>)
      tpu.yield
    }) : () -> ()
    %add3A_47 = arith.constant 240 : i32
    %add3A_48 = arith.addi %mul3A_16, %add3A_47 : i32
    "tpu.region"() ({
      %run_scoped3A = tpu.sem_alloc : memref<!tpu.dma_semaphore, #tpu.memory_space<semaphore_mem>>
      %dma_start3A_158 = arith.constant 0 : i32
      %dma_start3A_159 = tpu.memref_slice %arg21[%add3A_48, %dma_start3A_158] : memref<10000x128xf32, #tpu.memory_space<vmem_shared>> -> memref<16x128xf32, #tpu.memory_space<vmem_shared>>
      %dma_start3A_160 = arith.constant 0 : i32
      %dma_start3A_161 = tpu.memref_slice %arg21[%add3A_48, %dma_start3A_160] : memref<10000x128xf32, #tpu.memory_space<vmem_shared>> -> memref<16x128xf32, #tpu.memory_space<vmem_shared>>
      tpu.enqueue_dma source(%arg19 : memref<16x128xf32, #tpu.memory_space<vmem>>) target(%dma_start3A_161 : memref<16x128xf32, #tpu.memory_space<vmem_shared>>) target_semaphore(%run_scoped3A : memref<!tpu.dma_semaphore, #tpu.memory_space<semaphore_mem>>)
      %dma_wait3A_162 = arith.constant 0 : i32
      %dma_wait3A_163 = tpu.memref_slice %arg21[%add3A_48, %dma_wait3A_162] : memref<10000x128xf32, #tpu.memory_space<vmem_shared>> -> memref<16x128xf32, #tpu.memory_space<vmem_shared>>
      %dma_wait3A_164 = arith.constant 0 : i32
      %dma_wait3A_165 = tpu.memref_slice %arg21[%add3A_48, %dma_wait3A_164] : memref<10000x128xf32, #tpu.memory_space<vmem_shared>> -> memref<16x128xf32, #tpu.memory_space<vmem_shared>>
      tpu.wait_dma2 semaphore(%run_scoped3A : memref<!tpu.dma_semaphore, #tpu.memory_space<semaphore_mem>>) src(%arg19 : memref<16x128xf32, #tpu.memory_space<vmem>>) dst(%dma_wait3A_165 : memref<16x128xf32, #tpu.memory_space<vmem_shared>>)
      tpu.yield
    }) : () -> ()
    %add3A_49 = arith.constant 256 : i32
    %add3A_50 = arith.addi %mul3A_16, %add3A_49 : i32
    "tpu.region"() ({
      %run_scoped3A = tpu.sem_alloc : memref<!tpu.dma_semaphore, #tpu.memory_space<semaphore_mem>>
      %dma_start3A_158 = arith.constant 0 : i32
      %dma_start3A_159 = tpu.memref_slice %arg21[%add3A_50, %dma_start3A_158] : memref<10000x128xf32, #tpu.memory_space<vmem_shared>> -> memref<16x128xf32, #tpu.memory_space<vmem_shared>>
      %dma_start3A_160 = arith.constant 0 : i32
      %dma_start3A_161 = tpu.memref_slice %arg21[%add3A_50, %dma_start3A_160] : memref<10000x128xf32, #tpu.memory_space<vmem_shared>> -> memref<16x128xf32, #tpu.memory_space<vmem_shared>>
      tpu.enqueue_dma source(%arg19 : memref<16x128xf32, #tpu.memory_space<vmem>>) target(%dma_start3A_161 : memref<16x128xf32, #tpu.memory_space<vmem_shared>>) target_semaphore(%run_scoped3A : memref<!tpu.dma_semaphore, #tpu.memory_space<semaphore_mem>>)
      %dma_wait3A_162 = arith.constant 0 : i32
      %dma_wait3A_163 = tpu.memref_slice %arg21[%add3A_50, %dma_wait3A_162] : memref<10000x128xf32, #tpu.memory_space<vmem_shared>> -> memref<16x128xf32, #tpu.memory_space<vmem_shared>>
      %dma_wait3A_164 = arith.constant 0 : i32
      %dma_wait3A_165 = tpu.memref_slice %arg21[%add3A_50, %dma_wait3A_164] : memref<10000x128xf32, #tpu.memory_space<vmem_shared>> -> memref<16x128xf32, #tpu.memory_space<vmem_shared>>
      tpu.wait_dma2 semaphore(%run_scoped3A : memref<!tpu.dma_semaphore, #tpu.memory_space<semaphore_mem>>) src(%arg19 : memref<16x128xf32, #tpu.memory_space<vmem>>) dst(%dma_wait3A_165 : memref<16x128xf32, #tpu.memory_space<vmem_shared>>)
      tpu.yield
    }) : () -> ()
    %add3A_51 = arith.constant 272 : i32
    %add3A_52 = arith.addi %mul3A_16, %add3A_51 : i32
    "tpu.region"() ({
      %run_scoped3A = tpu.sem_alloc : memref<!tpu.dma_semaphore, #tpu.memory_space<semaphore_mem>>
      %dma_start3A_158 = arith.constant 0 : i32
      %dma_start3A_159 = tpu.memref_slice %arg21[%add3A_52, %dma_start3A_158] : memref<10000x128xf32, #tpu.memory_space<vmem_shared>> -> memref<16x128xf32, #tpu.memory_space<vmem_shared>>
      %dma_start3A_160 = arith.constant 0 : i32
      %dma_start3A_161 = tpu.memref_slice %arg21[%add3A_52, %dma_start3A_160] : memref<10000x128xf32, #tpu.memory_space<vmem_shared>> -> memref<16x128xf32, #tpu.memory_space<vmem_shared>>
      tpu.enqueue_dma source(%arg19 : memref<16x128xf32, #tpu.memory_space<vmem>>) target(%dma_start3A_161 : memref<16x128xf32, #tpu.memory_space<vmem_shared>>) target_semaphore(%run_scoped3A : memref<!tpu.dma_semaphore, #tpu.memory_space<semaphore_mem>>)
      %dma_wait3A_162 = arith.constant 0 : i32
      %dma_wait3A_163 = tpu.memref_slice %arg21[%add3A_52, %dma_wait3A_162] : memref<10000x128xf32, #tpu.memory_space<vmem_shared>> -> memref<16x128xf32, #tpu.memory_space<vmem_shared>>
      %dma_wait3A_164 = arith.constant 0 : i32
      %dma_wait3A_165 = tpu.memref_slice %arg21[%add3A_52, %dma_wait3A_164] : memref<10000x128xf32, #tpu.memory_space<vmem_shared>> -> memref<16x128xf32, #tpu.memory_space<vmem_shared>>
      tpu.wait_dma2 semaphore(%run_scoped3A : memref<!tpu.dma_semaphore, #tpu.memory_space<semaphore_mem>>) src(%arg19 : memref<16x128xf32, #tpu.memory_space<vmem>>) dst(%dma_wait3A_165 : memref<16x128xf32, #tpu.memory_space<vmem_shared>>)
      tpu.yield
    }) : () -> ()
    %add3A_53 = arith.constant 288 : i32
    %add3A_54 = arith.addi %mul3A_16, %add3A_53 : i32
    "tpu.region"() ({
      %run_scoped3A = tpu.sem_alloc : memref<!tpu.dma_semaphore, #tpu.memory_space<semaphore_mem>>
      %dma_start3A_158 = arith.constant 0 : i32
      %dma_start3A_159 = tpu.memref_slice %arg21[%add3A_54, %dma_start3A_158] : memref<10000x128xf32, #tpu.memory_space<vmem_shared>> -> memref<16x128xf32, #tpu.memory_space<vmem_shared>>
      %dma_start3A_160 = arith.constant 0 : i32
      %dma_start3A_161 = tpu.memref_slice %arg21[%add3A_54, %dma_start3A_160] : memref<10000x128xf32, #tpu.memory_space<vmem_shared>> -> memref<16x128xf32, #tpu.memory_space<vmem_shared>>
      tpu.enqueue_dma source(%arg19 : memref<16x128xf32, #tpu.memory_space<vmem>>) target(%dma_start3A_161 : memref<16x128xf32, #tpu.memory_space<vmem_shared>>) target_semaphore(%run_scoped3A : memref<!tpu.dma_semaphore, #tpu.memory_space<semaphore_mem>>)
      %dma_wait3A_162 = arith.constant 0 : i32
      %dma_wait3A_163 = tpu.memref_slice %arg21[%add3A_54, %dma_wait3A_162] : memref<10000x128xf32, #tpu.memory_space<vmem_shared>> -> memref<16x128xf32, #tpu.memory_space<vmem_shared>>
      %dma_wait3A_164 = arith.constant 0 : i32
      %dma_wait3A_165 = tpu.memref_slice %arg21[%add3A_54, %dma_wait3A_164] : memref<10000x128xf32, #tpu.memory_space<vmem_shared>> -> memref<16x128xf32, #tpu.memory_space<vmem_shared>>
      tpu.wait_dma2 semaphore(%run_scoped3A : memref<!tpu.dma_semaphore, #tpu.memory_space<semaphore_mem>>) src(%arg19 : memref<16x128xf32, #tpu.memory_space<vmem>>) dst(%dma_wait3A_165 : memref<16x128xf32, #tpu.memory_space<vmem_shared>>)
      tpu.yield
    }) : () -> ()
    %add3A_55 = arith.constant 304 : i32
    %add3A_56 = arith.addi %mul3A_16, %add3A_55 : i32
    "tpu.region"() ({
      %run_scoped3A = tpu.sem_alloc : memref<!tpu.dma_semaphore, #tpu.memory_space<semaphore_mem>>
      %dma_start3A_158 = arith.constant 0 : i32
      %dma_start3A_159 = tpu.memref_slice %arg21[%add3A_56, %dma_start3A_158] : memref<10000x128xf32, #tpu.memory_space<vmem_shared>> -> memref<16x128xf32, #tpu.memory_space<vmem_shared>>
      %dma_start3A_160 = arith.constant 0 : i32
      %dma_start3A_161 = tpu.memref_slice %arg21[%add3A_56, %dma_start3A_160] : memref<10000x128xf32, #tpu.memory_space<vmem_shared>> -> memref<16x128xf32, #tpu.memory_space<vmem_shared>>
      tpu.enqueue_dma source(%arg19 : memref<16x128xf32, #tpu.memory_space<vmem>>) target(%dma_start3A_161 : memref<16x128xf32, #tpu.memory_space<vmem_shared>>) target_semaphore(%run_scoped3A : memref<!tpu.dma_semaphore, #tpu.memory_space<semaphore_mem>>)
      %dma_wait3A_162 = arith.constant 0 : i32
      %dma_wait3A_163 = tpu.memref_slice %arg21[%add3A_56, %dma_wait3A_162] : memref<10000x128xf32, #tpu.memory_space<vmem_shared>> -> memref<16x128xf32, #tpu.memory_space<vmem_shared>>
      %dma_wait3A_164 = arith.constant 0 : i32
      %dma_wait3A_165 = tpu.memref_slice %arg21[%add3A_56, %dma_wait3A_164] : memref<10000x128xf32, #tpu.memory_space<vmem_shared>> -> memref<16x128xf32, #tpu.memory_space<vmem_shared>>
      tpu.wait_dma2 semaphore(%run_scoped3A : memref<!tpu.dma_semaphore, #tpu.memory_space<semaphore_mem>>) src(%arg19 : memref<16x128xf32, #tpu.memory_space<vmem>>) dst(%dma_wait3A_165 : memref<16x128xf32, #tpu.memory_space<vmem_shared>>)
      tpu.yield
    }) : () -> ()
    %add3A_57 = arith.constant 320 : i32
    %add3A_58 = arith.addi %mul3A_16, %add3A_57 : i32
    "tpu.region"() ({
      %run_scoped3A = tpu.sem_alloc : memref<!tpu.dma_semaphore, #tpu.memory_space<semaphore_mem>>
      %dma_start3A_158 = arith.constant 0 : i32
      %dma_start3A_159 = tpu.memref_slice %arg21[%add3A_58, %dma_start3A_158] : memref<10000x128xf32, #tpu.memory_space<vmem_shared>> -> memref<16x128xf32, #tpu.memory_space<vmem_shared>>
      %dma_start3A_160 = arith.constant 0 : i32
      %dma_start3A_161 = tpu.memref_slice %arg21[%add3A_58, %dma_start3A_160] : memref<10000x128xf32, #tpu.memory_space<vmem_shared>> -> memref<16x128xf32, #tpu.memory_space<vmem_shared>>
      tpu.enqueue_dma source(%arg19 : memref<16x128xf32, #tpu.memory_space<vmem>>) target(%dma_start3A_161 : memref<16x128xf32, #tpu.memory_space<vmem_shared>>) target_semaphore(%run_scoped3A : memref<!tpu.dma_semaphore, #tpu.memory_space<semaphore_mem>>)
      %dma_wait3A_162 = arith.constant 0 : i32
      %dma_wait3A_163 = tpu.memref_slice %arg21[%add3A_58, %dma_wait3A_162] : memref<10000x128xf32, #tpu.memory_space<vmem_shared>> -> memref<16x128xf32, #tpu.memory_space<vmem_shared>>
      %dma_wait3A_164 = arith.constant 0 : i32
      %dma_wait3A_165 = tpu.memref_slice %arg21[%add3A_58, %dma_wait3A_164] : memref<10000x128xf32, #tpu.memory_space<vmem_shared>> -> memref<16x128xf32, #tpu.memory_space<vmem_shared>>
      tpu.wait_dma2 semaphore(%run_scoped3A : memref<!tpu.dma_semaphore, #tpu.memory_space<semaphore_mem>>) src(%arg19 : memref<16x128xf32, #tpu.memory_space<vmem>>) dst(%dma_wait3A_165 : memref<16x128xf32, #tpu.memory_space<vmem_shared>>)
      tpu.yield
    }) : () -> ()
    %add3A_59 = arith.constant 336 : i32
    %add3A_60 = arith.addi %mul3A_16, %add3A_59 : i32
    "tpu.region"() ({
      %run_scoped3A = tpu.sem_alloc : memref<!tpu.dma_semaphore, #tpu.memory_space<semaphore_mem>>
      %dma_start3A_158 = arith.constant 0 : i32
      %dma_start3A_159 = tpu.memref_slice %arg21[%add3A_60, %dma_start3A_158] : memref<10000x128xf32, #tpu.memory_space<vmem_shared>> -> memref<16x128xf32, #tpu.memory_space<vmem_shared>>
      %dma_start3A_160 = arith.constant 0 : i32
      %dma_start3A_161 = tpu.memref_slice %arg21[%add3A_60, %dma_start3A_160] : memref<10000x128xf32, #tpu.memory_space<vmem_shared>> -> memref<16x128xf32, #tpu.memory_space<vmem_shared>>
      tpu.enqueue_dma source(%arg19 : memref<16x128xf32, #tpu.memory_space<vmem>>) target(%dma_start3A_161 : memref<16x128xf32, #tpu.memory_space<vmem_shared>>) target_semaphore(%run_scoped3A : memref<!tpu.dma_semaphore, #tpu.memory_space<semaphore_mem>>)
      %dma_wait3A_162 = arith.constant 0 : i32
      %dma_wait3A_163 = tpu.memref_slice %arg21[%add3A_60, %dma_wait3A_162] : memref<10000x128xf32, #tpu.memory_space<vmem_shared>> -> memref<16x128xf32, #tpu.memory_space<vmem_shared>>
      %dma_wait3A_164 = arith.constant 0 : i32
      %dma_wait3A_165 = tpu.memref_slice %arg21[%add3A_60, %dma_wait3A_164] : memref<10000x128xf32, #tpu.memory_space<vmem_shared>> -> memref<16x128xf32, #tpu.memory_space<vmem_shared>>
      tpu.wait_dma2 semaphore(%run_scoped3A : memref<!tpu.dma_semaphore, #tpu.memory_space<semaphore_mem>>) src(%arg19 : memref<16x128xf32, #tpu.memory_space<vmem>>) dst(%dma_wait3A_165 : memref<16x128xf32, #tpu.memory_space<vmem_shared>>)
      tpu.yield
    }) : () -> ()
    %add3A_61 = arith.constant 352 : i32
    %add3A_62 = arith.addi %mul3A_16, %add3A_61 : i32
    "tpu.region"() ({
      %run_scoped3A = tpu.sem_alloc : memref<!tpu.dma_semaphore, #tpu.memory_space<semaphore_mem>>
      %dma_start3A_158 = arith.constant 0 : i32
      %dma_start3A_159 = tpu.memref_slice %arg21[%add3A_62, %dma_start3A_158] : memref<10000x128xf32, #tpu.memory_space<vmem_shared>> -> memref<16x128xf32, #tpu.memory_space<vmem_shared>>
      %dma_start3A_160 = arith.constant 0 : i32
      %dma_start3A_161 = tpu.memref_slice %arg21[%add3A_62, %dma_start3A_160] : memref<10000x128xf32, #tpu.memory_space<vmem_shared>> -> memref<16x128xf32, #tpu.memory_space<vmem_shared>>
      tpu.enqueue_dma source(%arg19 : memref<16x128xf32, #tpu.memory_space<vmem>>) target(%dma_start3A_161 : memref<16x128xf32, #tpu.memory_space<vmem_shared>>) target_semaphore(%run_scoped3A : memref<!tpu.dma_semaphore, #tpu.memory_space<semaphore_mem>>)
      %dma_wait3A_162 = arith.constant 0 : i32
      %dma_wait3A_163 = tpu.memref_slice %arg21[%add3A_62, %dma_wait3A_162] : memref<10000x128xf32, #tpu.memory_space<vmem_shared>> -> memref<16x128xf32, #tpu.memory_space<vmem_shared>>
      %dma_wait3A_164 = arith.constant 0 : i32
      %dma_wait3A_165 = tpu.memref_slice %arg21[%add3A_62, %dma_wait3A_164] : memref<10000x128xf32, #tpu.memory_space<vmem_shared>> -> memref<16x128xf32, #tpu.memory_space<vmem_shared>>
      tpu.wait_dma2 semaphore(%run_scoped3A : memref<!tpu.dma_semaphore, #tpu.memory_space<semaphore_mem>>) src(%arg19 : memref<16x128xf32, #tpu.memory_space<vmem>>) dst(%dma_wait3A_165 : memref<16x128xf32, #tpu.memory_space<vmem_shared>>)
      tpu.yield
    }) : () -> ()
    %add3A_63 = arith.constant 368 : i32
    %add3A_64 = arith.addi %mul3A_16, %add3A_63 : i32
    "tpu.region"() ({
      %run_scoped3A = tpu.sem_alloc : memref<!tpu.dma_semaphore, #tpu.memory_space<semaphore_mem>>
      %dma_start3A_158 = arith.constant 0 : i32
      %dma_start3A_159 = tpu.memref_slice %arg21[%add3A_64, %dma_start3A_158] : memref<10000x128xf32, #tpu.memory_space<vmem_shared>> -> memref<16x128xf32, #tpu.memory_space<vmem_shared>>
      %dma_start3A_160 = arith.constant 0 : i32
      %dma_start3A_161 = tpu.memref_slice %arg21[%add3A_64, %dma_start3A_160] : memref<10000x128xf32, #tpu.memory_space<vmem_shared>> -> memref<16x128xf32, #tpu.memory_space<vmem_shared>>
      tpu.enqueue_dma source(%arg19 : memref<16x128xf32, #tpu.memory_space<vmem>>) target(%dma_start3A_161 : memref<16x128xf32, #tpu.memory_space<vmem_shared>>) target_semaphore(%run_scoped3A : memref<!tpu.dma_semaphore, #tpu.memory_space<semaphore_mem>>)
      %dma_wait3A_162 = arith.constant 0 : i32
      %dma_wait3A_163 = tpu.memref_slice %arg21[%add3A_64, %dma_wait3A_162] : memref<10000x128xf32, #tpu.memory_space<vmem_shared>> -> memref<16x128xf32, #tpu.memory_space<vmem_shared>>
      %dma_wait3A_164 = arith.constant 0 : i32
      %dma_wait3A_165 = tpu.memref_slice %arg21[%add3A_64, %dma_wait3A_164] : memref<10000x128xf32, #tpu.memory_space<vmem_shared>> -> memref<16x128xf32, #tpu.memory_space<vmem_shared>>
      tpu.wait_dma2 semaphore(%run_scoped3A : memref<!tpu.dma_semaphore, #tpu.memory_space<semaphore_mem>>) src(%arg19 : memref<16x128xf32, #tpu.memory_space<vmem>>) dst(%dma_wait3A_165 : memref<16x128xf32, #tpu.memory_space<vmem_shared>>)
      tpu.yield
    }) : () -> ()
    %add3A_65 = arith.constant 384 : i32
    %add3A_66 = arith.addi %mul3A_16, %add3A_65 : i32
    "tpu.region"() ({
      %run_scoped3A = tpu.sem_alloc : memref<!tpu.dma_semaphore, #tpu.memory_space<semaphore_mem>>
      %dma_start3A_158 = arith.constant 0 : i32
      %dma_start3A_159 = tpu.memref_slice %arg21[%add3A_66, %dma_start3A_158] : memref<10000x128xf32, #tpu.memory_space<vmem_shared>> -> memref<16x128xf32, #tpu.memory_space<vmem_shared>>
      %dma_start3A_160 = arith.constant 0 : i32
      %dma_start3A_161 = tpu.memref_slice %arg21[%add3A_66, %dma_start3A_160] : memref<10000x128xf32, #tpu.memory_space<vmem_shared>> -> memref<16x128xf32, #tpu.memory_space<vmem_shared>>
      tpu.enqueue_dma source(%arg19 : memref<16x128xf32, #tpu.memory_space<vmem>>) target(%dma_start3A_161 : memref<16x128xf32, #tpu.memory_space<vmem_shared>>) target_semaphore(%run_scoped3A : memref<!tpu.dma_semaphore, #tpu.memory_space<semaphore_mem>>)
      %dma_wait3A_162 = arith.constant 0 : i32
      %dma_wait3A_163 = tpu.memref_slice %arg21[%add3A_66, %dma_wait3A_162] : memref<10000x128xf32, #tpu.memory_space<vmem_shared>> -> memref<16x128xf32, #tpu.memory_space<vmem_shared>>
      %dma_wait3A_164 = arith.constant 0 : i32
      %dma_wait3A_165 = tpu.memref_slice %arg21[%add3A_66, %dma_wait3A_164] : memref<10000x128xf32, #tpu.memory_space<vmem_shared>> -> memref<16x128xf32, #tpu.memory_space<vmem_shared>>
      tpu.wait_dma2 semaphore(%run_scoped3A : memref<!tpu.dma_semaphore, #tpu.memory_space<semaphore_mem>>) src(%arg19 : memref<16x128xf32, #tpu.memory_space<vmem>>) dst(%dma_wait3A_165 : memref<16x128xf32, #tpu.memory_space<vmem_shared>>)
      tpu.yield
    }) : () -> ()
    %add3A_67 = arith.constant 400 : i32
    %add3A_68 = arith.addi %mul3A_16, %add3A_67 : i32
    "tpu.region"() ({
      %run_scoped3A = tpu.sem_alloc : memref<!tpu.dma_semaphore, #tpu.memory_space<semaphore_mem>>
      %dma_start3A_158 = arith.constant 0 : i32
      %dma_start3A_159 = tpu.memref_slice %arg21[%add3A_68, %dma_start3A_158] : memref<10000x128xf32, #tpu.memory_space<vmem_shared>> -> memref<16x128xf32, #tpu.memory_space<vmem_shared>>
      %dma_start3A_160 = arith.constant 0 : i32
      %dma_start3A_161 = tpu.memref_slice %arg21[%add3A_68, %dma_start3A_160] : memref<10000x128xf32, #tpu.memory_space<vmem_shared>> -> memref<16x128xf32, #tpu.memory_space<vmem_shared>>
      tpu.enqueue_dma source(%arg19 : memref<16x128xf32, #tpu.memory_space<vmem>>) target(%dma_start3A_161 : memref<16x128xf32, #tpu.memory_space<vmem_shared>>) target_semaphore(%run_scoped3A : memref<!tpu.dma_semaphore, #tpu.memory_space<semaphore_mem>>)
      %dma_wait3A_162 = arith.constant 0 : i32
      %dma_wait3A_163 = tpu.memref_slice %arg21[%add3A_68, %dma_wait3A_162] : memref<10000x128xf32, #tpu.memory_space<vmem_shared>> -> memref<16x128xf32, #tpu.memory_space<vmem_shared>>
      %dma_wait3A_164 = arith.constant 0 : i32
      %dma_wait3A_165 = tpu.memref_slice %arg21[%add3A_68, %dma_wait3A_164] : memref<10000x128xf32, #tpu.memory_space<vmem_shared>> -> memref<16x128xf32, #tpu.memory_space<vmem_shared>>
      tpu.wait_dma2 semaphore(%run_scoped3A : memref<!tpu.dma_semaphore, #tpu.memory_space<semaphore_mem>>) src(%arg19 : memref<16x128xf32, #tpu.memory_space<vmem>>) dst(%dma_wait3A_165 : memref<16x128xf32, #tpu.memory_space<vmem_shared>>)
      tpu.yield
    }) : () -> ()
    %add3A_69 = arith.constant 416 : i32
    %add3A_70 = arith.addi %mul3A_16, %add3A_69 : i32
    "tpu.region"() ({
      %run_scoped3A = tpu.sem_alloc : memref<!tpu.dma_semaphore, #tpu.memory_space<semaphore_mem>>
      %dma_start3A_158 = arith.constant 0 : i32
      %dma_start3A_159 = tpu.memref_slice %arg21[%add3A_70, %dma_start3A_158] : memref<10000x128xf32, #tpu.memory_space<vmem_shared>> -> memref<16x128xf32, #tpu.memory_space<vmem_shared>>
      %dma_start3A_160 = arith.constant 0 : i32
      %dma_start3A_161 = tpu.memref_slice %arg21[%add3A_70, %dma_start3A_160] : memref<10000x128xf32, #tpu.memory_space<vmem_shared>> -> memref<16x128xf32, #tpu.memory_space<vmem_shared>>
      tpu.enqueue_dma source(%arg19 : memref<16x128xf32, #tpu.memory_space<vmem>>) target(%dma_start3A_161 : memref<16x128xf32, #tpu.memory_space<vmem_shared>>) target_semaphore(%run_scoped3A : memref<!tpu.dma_semaphore, #tpu.memory_space<semaphore_mem>>)
      %dma_wait3A_162 = arith.constant 0 : i32
      %dma_wait3A_163 = tpu.memref_slice %arg21[%add3A_70, %dma_wait3A_162] : memref<10000x128xf32, #tpu.memory_space<vmem_shared>> -> memref<16x128xf32, #tpu.memory_space<vmem_shared>>
      %dma_wait3A_164 = arith.constant 0 : i32
      %dma_wait3A_165 = tpu.memref_slice %arg21[%add3A_70, %dma_wait3A_164] : memref<10000x128xf32, #tpu.memory_space<vmem_shared>> -> memref<16x128xf32, #tpu.memory_space<vmem_shared>>
      tpu.wait_dma2 semaphore(%run_scoped3A : memref<!tpu.dma_semaphore, #tpu.memory_space<semaphore_mem>>) src(%arg19 : memref<16x128xf32, #tpu.memory_space<vmem>>) dst(%dma_wait3A_165 : memref<16x128xf32, #tpu.memory_space<vmem_shared>>)
      tpu.yield
    }) : () -> ()
    %add3A_71 = arith.constant 432 : i32
    %add3A_72 = arith.addi %mul3A_16, %add3A_71 : i32
    "tpu.region"() ({
      %run_scoped3A = tpu.sem_alloc : memref<!tpu.dma_semaphore, #tpu.memory_space<semaphore_mem>>
      %dma_start3A_158 = arith.constant 0 : i32
      %dma_start3A_159 = tpu.memref_slice %arg21[%add3A_72, %dma_start3A_158] : memref<10000x128xf32, #tpu.memory_space<vmem_shared>> -> memref<16x128xf32, #tpu.memory_space<vmem_shared>>
      %dma_start3A_160 = arith.constant 0 : i32
      %dma_start3A_161 = tpu.memref_slice %arg21[%add3A_72, %dma_start3A_160] : memref<10000x128xf32, #tpu.memory_space<vmem_shared>> -> memref<16x128xf32, #tpu.memory_space<vmem_shared>>
      tpu.enqueue_dma source(%arg19 : memref<16x128xf32, #tpu.memory_space<vmem>>) target(%dma_start3A_161 : memref<16x128xf32, #tpu.memory_space<vmem_shared>>) target_semaphore(%run_scoped3A : memref<!tpu.dma_semaphore, #tpu.memory_space<semaphore_mem>>)
      %dma_wait3A_162 = arith.constant 0 : i32
      %dma_wait3A_163 = tpu.memref_slice %arg21[%add3A_72, %dma_wait3A_162] : memref<10000x128xf32, #tpu.memory_space<vmem_shared>> -> memref<16x128xf32, #tpu.memory_space<vmem_shared>>
      %dma_wait3A_164 = arith.constant 0 : i32
      %dma_wait3A_165 = tpu.memref_slice %arg21[%add3A_72, %dma_wait3A_164] : memref<10000x128xf32, #tpu.memory_space<vmem_shared>> -> memref<16x128xf32, #tpu.memory_space<vmem_shared>>
      tpu.wait_dma2 semaphore(%run_scoped3A : memref<!tpu.dma_semaphore, #tpu.memory_space<semaphore_mem>>) src(%arg19 : memref<16x128xf32, #tpu.memory_space<vmem>>) dst(%dma_wait3A_165 : memref<16x128xf32, #tpu.memory_space<vmem_shared>>)
      tpu.yield
    }) : () -> ()
    %add3A_73 = arith.constant 448 : i32
    %add3A_74 = arith.addi %mul3A_16, %add3A_73 : i32
    "tpu.region"() ({
      %run_scoped3A = tpu.sem_alloc : memref<!tpu.dma_semaphore, #tpu.memory_space<semaphore_mem>>
      %dma_start3A_158 = arith.constant 0 : i32
      %dma_start3A_159 = tpu.memref_slice %arg21[%add3A_74, %dma_start3A_158] : memref<10000x128xf32, #tpu.memory_space<vmem_shared>> -> memref<16x128xf32, #tpu.memory_space<vmem_shared>>
      %dma_start3A_160 = arith.constant 0 : i32
      %dma_start3A_161 = tpu.memref_slice %arg21[%add3A_74, %dma_start3A_160] : memref<10000x128xf32, #tpu.memory_space<vmem_shared>> -> memref<16x128xf32, #tpu.memory_space<vmem_shared>>
      tpu.enqueue_dma source(%arg19 : memref<16x128xf32, #tpu.memory_space<vmem>>) target(%dma_start3A_161 : memref<16x128xf32, #tpu.memory_space<vmem_shared>>) target_semaphore(%run_scoped3A : memref<!tpu.dma_semaphore, #tpu.memory_space<semaphore_mem>>)
      %dma_wait3A_162 = arith.constant 0 : i32
      %dma_wait3A_163 = tpu.memref_slice %arg21[%add3A_74, %dma_wait3A_162] : memref<10000x128xf32, #tpu.memory_space<vmem_shared>> -> memref<16x128xf32, #tpu.memory_space<vmem_shared>>
      %dma_wait3A_164 = arith.constant 0 : i32
      %dma_wait3A_165 = tpu.memref_slice %arg21[%add3A_74, %dma_wait3A_164] : memref<10000x128xf32, #tpu.memory_space<vmem_shared>> -> memref<16x128xf32, #tpu.memory_space<vmem_shared>>
      tpu.wait_dma2 semaphore(%run_scoped3A : memref<!tpu.dma_semaphore, #tpu.memory_space<semaphore_mem>>) src(%arg19 : memref<16x128xf32, #tpu.memory_space<vmem>>) dst(%dma_wait3A_165 : memref<16x128xf32, #tpu.memory_space<vmem_shared>>)
      tpu.yield
    }) : () -> ()
    %add3A_75 = arith.constant 464 : i32
    %add3A_76 = arith.addi %mul3A_16, %add3A_75 : i32
    "tpu.region"() ({
      %run_scoped3A = tpu.sem_alloc : memref<!tpu.dma_semaphore, #tpu.memory_space<semaphore_mem>>
      %dma_start3A_158 = arith.constant 0 : i32
      %dma_start3A_159 = tpu.memref_slice %arg21[%add3A_76, %dma_start3A_158] : memref<10000x128xf32, #tpu.memory_space<vmem_shared>> -> memref<16x128xf32, #tpu.memory_space<vmem_shared>>
      %dma_start3A_160 = arith.constant 0 : i32
      %dma_start3A_161 = tpu.memref_slice %arg21[%add3A_76, %dma_start3A_160] : memref<10000x128xf32, #tpu.memory_space<vmem_shared>> -> memref<16x128xf32, #tpu.memory_space<vmem_shared>>
      tpu.enqueue_dma source(%arg19 : memref<16x128xf32, #tpu.memory_space<vmem>>) target(%dma_start3A_161 : memref<16x128xf32, #tpu.memory_space<vmem_shared>>) target_semaphore(%run_scoped3A : memref<!tpu.dma_semaphore, #tpu.memory_space<semaphore_mem>>)
      %dma_wait3A_162 = arith.constant 0 : i32
      %dma_wait3A_163 = tpu.memref_slice %arg21[%add3A_76, %dma_wait3A_162] : memref<10000x128xf32, #tpu.memory_space<vmem_shared>> -> memref<16x128xf32, #tpu.memory_space<vmem_shared>>
      %dma_wait3A_164 = arith.constant 0 : i32
      %dma_wait3A_165 = tpu.memref_slice %arg21[%add3A_76, %dma_wait3A_164] : memref<10000x128xf32, #tpu.memory_space<vmem_shared>> -> memref<16x128xf32, #tpu.memory_space<vmem_shared>>
      tpu.wait_dma2 semaphore(%run_scoped3A : memref<!tpu.dma_semaphore, #tpu.memory_space<semaphore_mem>>) src(%arg19 : memref<16x128xf32, #tpu.memory_space<vmem>>) dst(%dma_wait3A_165 : memref<16x128xf32, #tpu.memory_space<vmem_shared>>)
      tpu.yield
    }) : () -> ()
    %add3A_77 = arith.constant 480 : i32
    %add3A_78 = arith.addi %mul3A_16, %add3A_77 : i32
    "tpu.region"() ({
      %run_scoped3A = tpu.sem_alloc : memref<!tpu.dma_semaphore, #tpu.memory_space<semaphore_mem>>
      %dma_start3A_158 = arith.constant 0 : i32
      %dma_start3A_159 = tpu.memref_slice %arg21[%add3A_78, %dma_start3A_158] : memref<10000x128xf32, #tpu.memory_space<vmem_shared>> -> memref<16x128xf32, #tpu.memory_space<vmem_shared>>
      %dma_start3A_160 = arith.constant 0 : i32
      %dma_start3A_161 = tpu.memref_slice %arg21[%add3A_78, %dma_start3A_160] : memref<10000x128xf32, #tpu.memory_space<vmem_shared>> -> memref<16x128xf32, #tpu.memory_space<vmem_shared>>
      tpu.enqueue_dma source(%arg19 : memref<16x128xf32, #tpu.memory_space<vmem>>) target(%dma_start3A_161 : memref<16x128xf32, #tpu.memory_space<vmem_shared>>) target_semaphore(%run_scoped3A : memref<!tpu.dma_semaphore, #tpu.memory_space<semaphore_mem>>)
      %dma_wait3A_162 = arith.constant 0 : i32
      %dma_wait3A_163 = tpu.memref_slice %arg21[%add3A_78, %dma_wait3A_162] : memref<10000x128xf32, #tpu.memory_space<vmem_shared>> -> memref<16x128xf32, #tpu.memory_space<vmem_shared>>
      %dma_wait3A_164 = arith.constant 0 : i32
      %dma_wait3A_165 = tpu.memref_slice %arg21[%add3A_78, %dma_wait3A_164] : memref<10000x128xf32, #tpu.memory_space<vmem_shared>> -> memref<16x128xf32, #tpu.memory_space<vmem_shared>>
      tpu.wait_dma2 semaphore(%run_scoped3A : memref<!tpu.dma_semaphore, #tpu.memory_space<semaphore_mem>>) src(%arg19 : memref<16x128xf32, #tpu.memory_space<vmem>>) dst(%dma_wait3A_165 : memref<16x128xf32, #tpu.memory_space<vmem_shared>>)
      tpu.yield
    }) : () -> ()
    %add3A_79 = arith.constant 496 : i32
    %add3A_80 = arith.addi %mul3A_16, %add3A_79 : i32
    "tpu.region"() ({
      %run_scoped3A = tpu.sem_alloc : memref<!tpu.dma_semaphore, #tpu.memory_space<semaphore_mem>>
      %dma_start3A_158 = arith.constant 0 : i32
      %dma_start3A_159 = tpu.memref_slice %arg21[%add3A_80, %dma_start3A_158] : memref<10000x128xf32, #tpu.memory_space<vmem_shared>> -> memref<16x128xf32, #tpu.memory_space<vmem_shared>>
      %dma_start3A_160 = arith.constant 0 : i32
      %dma_start3A_161 = tpu.memref_slice %arg21[%add3A_80, %dma_start3A_160] : memref<10000x128xf32, #tpu.memory_space<vmem_shared>> -> memref<16x128xf32, #tpu.memory_space<vmem_shared>>
      tpu.enqueue_dma source(%arg19 : memref<16x128xf32, #tpu.memory_space<vmem>>) target(%dma_start3A_161 : memref<16x128xf32, #tpu.memory_space<vmem_shared>>) target_semaphore(%run_scoped3A : memref<!tpu.dma_semaphore, #tpu.memory_space<semaphore_mem>>)
      %dma_wait3A_162 = arith.constant 0 : i32
      %dma_wait3A_163 = tpu.memref_slice %arg21[%add3A_80, %dma_wait3A_162] : memref<10000x128xf32, #tpu.memory_space<vmem_shared>> -> memref<16x128xf32, #tpu.memory_space<vmem_shared>>
      %dma_wait3A_164 = arith.constant 0 : i32
      %dma_wait3A_165 = tpu.memref_slice %arg21[%add3A_80, %dma_wait3A_164] : memref<10000x128xf32, #tpu.memory_space<vmem_shared>> -> memref<16x128xf32, #tpu.memory_space<vmem_shared>>
      tpu.wait_dma2 semaphore(%run_scoped3A : memref<!tpu.dma_semaphore, #tpu.memory_space<semaphore_mem>>) src(%arg19 : memref<16x128xf32, #tpu.memory_space<vmem>>) dst(%dma_wait3A_165 : memref<16x128xf32, #tpu.memory_space<vmem_shared>>)
      tpu.yield
    }) : () -> ()
    %add3A_81 = arith.constant 512 : i32
    %add3A_82 = arith.addi %mul3A_16, %add3A_81 : i32
    "tpu.region"() ({
      %run_scoped3A = tpu.sem_alloc : memref<!tpu.dma_semaphore, #tpu.memory_space<semaphore_mem>>
      %dma_start3A_158 = arith.constant 0 : i32
      %dma_start3A_159 = tpu.memref_slice %arg21[%add3A_82, %dma_start3A_158] : memref<10000x128xf32, #tpu.memory_space<vmem_shared>> -> memref<16x128xf32, #tpu.memory_space<vmem_shared>>
      %dma_start3A_160 = arith.constant 0 : i32
      %dma_start3A_161 = tpu.memref_slice %arg21[%add3A_82, %dma_start3A_160] : memref<10000x128xf32, #tpu.memory_space<vmem_shared>> -> memref<16x128xf32, #tpu.memory_space<vmem_shared>>
      tpu.enqueue_dma source(%arg19 : memref<16x128xf32, #tpu.memory_space<vmem>>) target(%dma_start3A_161 : memref<16x128xf32, #tpu.memory_space<vmem_shared>>) target_semaphore(%run_scoped3A : memref<!tpu.dma_semaphore, #tpu.memory_space<semaphore_mem>>)
      %dma_wait3A_162 = arith.constant 0 : i32
      %dma_wait3A_163 = tpu.memref_slice %arg21[%add3A_82, %dma_wait3A_162] : memref<10000x128xf32, #tpu.memory_space<vmem_shared>> -> memref<16x128xf32, #tpu.memory_space<vmem_shared>>
      %dma_wait3A_164 = arith.constant 0 : i32
      %dma_wait3A_165 = tpu.memref_slice %arg21[%add3A_82, %dma_wait3A_164] : memref<10000x128xf32, #tpu.memory_space<vmem_shared>> -> memref<16x128xf32, #tpu.memory_space<vmem_shared>>
      tpu.wait_dma2 semaphore(%run_scoped3A : memref<!tpu.dma_semaphore, #tpu.memory_space<semaphore_mem>>) src(%arg19 : memref<16x128xf32, #tpu.memory_space<vmem>>) dst(%dma_wait3A_165 : memref<16x128xf32, #tpu.memory_space<vmem_shared>>)
      tpu.yield
    }) : () -> ()
    %add3A_83 = arith.constant 528 : i32
    %add3A_84 = arith.addi %mul3A_16, %add3A_83 : i32
    "tpu.region"() ({
      %run_scoped3A = tpu.sem_alloc : memref<!tpu.dma_semaphore, #tpu.memory_space<semaphore_mem>>
      %dma_start3A_158 = arith.constant 0 : i32
      %dma_start3A_159 = tpu.memref_slice %arg21[%add3A_84, %dma_start3A_158] : memref<10000x128xf32, #tpu.memory_space<vmem_shared>> -> memref<16x128xf32, #tpu.memory_space<vmem_shared>>
      %dma_start3A_160 = arith.constant 0 : i32
      %dma_start3A_161 = tpu.memref_slice %arg21[%add3A_84, %dma_start3A_160] : memref<10000x128xf32, #tpu.memory_space<vmem_shared>> -> memref<16x128xf32, #tpu.memory_space<vmem_shared>>
      tpu.enqueue_dma source(%arg19 : memref<16x128xf32, #tpu.memory_space<vmem>>) target(%dma_start3A_161 : memref<16x128xf32, #tpu.memory_space<vmem_shared>>) target_semaphore(%run_scoped3A : memref<!tpu.dma_semaphore, #tpu.memory_space<semaphore_mem>>)
      %dma_wait3A_162 = arith.constant 0 : i32
      %dma_wait3A_163 = tpu.memref_slice %arg21[%add3A_84, %dma_wait3A_162] : memref<10000x128xf32, #tpu.memory_space<vmem_shared>> -> memref<16x128xf32, #tpu.memory_space<vmem_shared>>
      %dma_wait3A_164 = arith.constant 0 : i32
      %dma_wait3A_165 = tpu.memref_slice %arg21[%add3A_84, %dma_wait3A_164] : memref<10000x128xf32, #tpu.memory_space<vmem_shared>> -> memref<16x128xf32, #tpu.memory_space<vmem_shared>>
      tpu.wait_dma2 semaphore(%run_scoped3A : memref<!tpu.dma_semaphore, #tpu.memory_space<semaphore_mem>>) src(%arg19 : memref<16x128xf32, #tpu.memory_space<vmem>>) dst(%dma_wait3A_165 : memref<16x128xf32, #tpu.memory_space<vmem_shared>>)
      tpu.yield
    }) : () -> ()
    %add3A_85 = arith.constant 544 : i32
    %add3A_86 = arith.addi %mul3A_16, %add3A_85 : i32
    "tpu.region"() ({
      %run_scoped3A = tpu.sem_alloc : memref<!tpu.dma_semaphore, #tpu.memory_space<semaphore_mem>>
      %dma_start3A_158 = arith.constant 0 : i32
      %dma_start3A_159 = tpu.memref_slice %arg21[%add3A_86, %dma_start3A_158] : memref<10000x128xf32, #tpu.memory_space<vmem_shared>> -> memref<16x128xf32, #tpu.memory_space<vmem_shared>>
      %dma_start3A_160 = arith.constant 0 : i32
      %dma_start3A_161 = tpu.memref_slice %arg21[%add3A_86, %dma_start3A_160] : memref<10000x128xf32, #tpu.memory_space<vmem_shared>> -> memref<16x128xf32, #tpu.memory_space<vmem_shared>>
      tpu.enqueue_dma source(%arg19 : memref<16x128xf32, #tpu.memory_space<vmem>>) target(%dma_start3A_161 : memref<16x128xf32, #tpu.memory_space<vmem_shared>>) target_semaphore(%run_scoped3A : memref<!tpu.dma_semaphore, #tpu.memory_space<semaphore_mem>>)
      %dma_wait3A_162 = arith.constant 0 : i32
      %dma_wait3A_163 = tpu.memref_slice %arg21[%add3A_86, %dma_wait3A_162] : memref<10000x128xf32, #tpu.memory_space<vmem_shared>> -> memref<16x128xf32, #tpu.memory_space<vmem_shared>>
      %dma_wait3A_164 = arith.constant 0 : i32
      %dma_wait3A_165 = tpu.memref_slice %arg21[%add3A_86, %dma_wait3A_164] : memref<10000x128xf32, #tpu.memory_space<vmem_shared>> -> memref<16x128xf32, #tpu.memory_space<vmem_shared>>
      tpu.wait_dma2 semaphore(%run_scoped3A : memref<!tpu.dma_semaphore, #tpu.memory_space<semaphore_mem>>) src(%arg19 : memref<16x128xf32, #tpu.memory_space<vmem>>) dst(%dma_wait3A_165 : memref<16x128xf32, #tpu.memory_space<vmem_shared>>)
      tpu.yield
    }) : () -> ()
    %add3A_87 = arith.constant 560 : i32
    %add3A_88 = arith.addi %mul3A_16, %add3A_87 : i32
    "tpu.region"() ({
      %run_scoped3A = tpu.sem_alloc : memref<!tpu.dma_semaphore, #tpu.memory_space<semaphore_mem>>
      %dma_start3A_158 = arith.constant 0 : i32
      %dma_start3A_159 = tpu.memref_slice %arg21[%add3A_88, %dma_start3A_158] : memref<10000x128xf32, #tpu.memory_space<vmem_shared>> -> memref<16x128xf32, #tpu.memory_space<vmem_shared>>
      %dma_start3A_160 = arith.constant 0 : i32
      %dma_start3A_161 = tpu.memref_slice %arg21[%add3A_88, %dma_start3A_160] : memref<10000x128xf32, #tpu.memory_space<vmem_shared>> -> memref<16x128xf32, #tpu.memory_space<vmem_shared>>
      tpu.enqueue_dma source(%arg19 : memref<16x128xf32, #tpu.memory_space<vmem>>) target(%dma_start3A_161 : memref<16x128xf32, #tpu.memory_space<vmem_shared>>) target_semaphore(%run_scoped3A : memref<!tpu.dma_semaphore, #tpu.memory_space<semaphore_mem>>)
      %dma_wait3A_162 = arith.constant 0 : i32
      %dma_wait3A_163 = tpu.memref_slice %arg21[%add3A_88, %dma_wait3A_162] : memref<10000x128xf32, #tpu.memory_space<vmem_shared>> -> memref<16x128xf32, #tpu.memory_space<vmem_shared>>
      %dma_wait3A_164 = arith.constant 0 : i32
      %dma_wait3A_165 = tpu.memref_slice %arg21[%add3A_88, %dma_wait3A_164] : memref<10000x128xf32, #tpu.memory_space<vmem_shared>> -> memref<16x128xf32, #tpu.memory_space<vmem_shared>>
      tpu.wait_dma2 semaphore(%run_scoped3A : memref<!tpu.dma_semaphore, #tpu.memory_space<semaphore_mem>>) src(%arg19 : memref<16x128xf32, #tpu.memory_space<vmem>>) dst(%dma_wait3A_165 : memref<16x128xf32, #tpu.memory_space<vmem_shared>>)
      tpu.yield
    }) : () -> ()
    %add3A_89 = arith.constant 576 : i32
    %add3A_90 = arith.addi %mul3A_16, %add3A_89 : i32
    "tpu.region"() ({
      %run_scoped3A = tpu.sem_alloc : memref<!tpu.dma_semaphore, #tpu.memory_space<semaphore_mem>>
      %dma_start3A_158 = arith.constant 0 : i32
      %dma_start3A_159 = tpu.memref_slice %arg21[%add3A_90, %dma_start3A_158] : memref<10000x128xf32, #tpu.memory_space<vmem_shared>> -> memref<16x128xf32, #tpu.memory_space<vmem_shared>>
      %dma_start3A_160 = arith.constant 0 : i32
      %dma_start3A_161 = tpu.memref_slice %arg21[%add3A_90, %dma_start3A_160] : memref<10000x128xf32, #tpu.memory_space<vmem_shared>> -> memref<16x128xf32, #tpu.memory_space<vmem_shared>>
      tpu.enqueue_dma source(%arg19 : memref<16x128xf32, #tpu.memory_space<vmem>>) target(%dma_start3A_161 : memref<16x128xf32, #tpu.memory_space<vmem_shared>>) target_semaphore(%run_scoped3A : memref<!tpu.dma_semaphore, #tpu.memory_space<semaphore_mem>>)
      %dma_wait3A_162 = arith.constant 0 : i32
      %dma_wait3A_163 = tpu.memref_slice %arg21[%add3A_90, %dma_wait3A_162] : memref<10000x128xf32, #tpu.memory_space<vmem_shared>> -> memref<16x128xf32, #tpu.memory_space<vmem_shared>>
      %dma_wait3A_164 = arith.constant 0 : i32
      %dma_wait3A_165 = tpu.memref_slice %arg21[%add3A_90, %dma_wait3A_164] : memref<10000x128xf32, #tpu.memory_space<vmem_shared>> -> memref<16x128xf32, #tpu.memory_space<vmem_shared>>
      tpu.wait_dma2 semaphore(%run_scoped3A : memref<!tpu.dma_semaphore, #tpu.memory_space<semaphore_mem>>) src(%arg19 : memref<16x128xf32, #tpu.memory_space<vmem>>) dst(%dma_wait3A_165 : memref<16x128xf32, #tpu.memory_space<vmem_shared>>)
      tpu.yield
    }) : () -> ()
    %add3A_91 = arith.constant 592 : i32
    %add3A_92 = arith.addi %mul3A_16, %add3A_91 : i32
    "tpu.region"() ({
      %run_scoped3A = tpu.sem_alloc : memref<!tpu.dma_semaphore, #tpu.memory_space<semaphore_mem>>
      %dma_start3A_158 = arith.constant 0 : i32
      %dma_start3A_159 = tpu.memref_slice %arg21[%add3A_92, %dma_start3A_158] : memref<10000x128xf32, #tpu.memory_space<vmem_shared>> -> memref<16x128xf32, #tpu.memory_space<vmem_shared>>
      %dma_start3A_160 = arith.constant 0 : i32
      %dma_start3A_161 = tpu.memref_slice %arg21[%add3A_92, %dma_start3A_160] : memref<10000x128xf32, #tpu.memory_space<vmem_shared>> -> memref<16x128xf32, #tpu.memory_space<vmem_shared>>
      tpu.enqueue_dma source(%arg19 : memref<16x128xf32, #tpu.memory_space<vmem>>) target(%dma_start3A_161 : memref<16x128xf32, #tpu.memory_space<vmem_shared>>) target_semaphore(%run_scoped3A : memref<!tpu.dma_semaphore, #tpu.memory_space<semaphore_mem>>)
      %dma_wait3A_162 = arith.constant 0 : i32
      %dma_wait3A_163 = tpu.memref_slice %arg21[%add3A_92, %dma_wait3A_162] : memref<10000x128xf32, #tpu.memory_space<vmem_shared>> -> memref<16x128xf32, #tpu.memory_space<vmem_shared>>
      %dma_wait3A_164 = arith.constant 0 : i32
      %dma_wait3A_165 = tpu.memref_slice %arg21[%add3A_92, %dma_wait3A_164] : memref<10000x128xf32, #tpu.memory_space<vmem_shared>> -> memref<16x128xf32, #tpu.memory_space<vmem_shared>>
      tpu.wait_dma2 semaphore(%run_scoped3A : memref<!tpu.dma_semaphore, #tpu.memory_space<semaphore_mem>>) src(%arg19 : memref<16x128xf32, #tpu.memory_space<vmem>>) dst(%dma_wait3A_165 : memref<16x128xf32, #tpu.memory_space<vmem_shared>>)
      tpu.yield
    }) : () -> ()
    %add3A_93 = arith.constant 608 : i32
    %add3A_94 = arith.addi %mul3A_16, %add3A_93 : i32
    "tpu.region"() ({
      %run_scoped3A = tpu.sem_alloc : memref<!tpu.dma_semaphore, #tpu.memory_space<semaphore_mem>>
      %dma_start3A_158 = arith.constant 0 : i32
      %dma_start3A_159 = tpu.memref_slice %arg21[%add3A_94, %dma_start3A_158] : memref<10000x128xf32, #tpu.memory_space<vmem_shared>> -> memref<16x128xf32, #tpu.memory_space<vmem_shared>>
      %dma_start3A_160 = arith.constant 0 : i32
      %dma_start3A_161 = tpu.memref_slice %arg21[%add3A_94, %dma_start3A_160] : memref<10000x128xf32, #tpu.memory_space<vmem_shared>> -> memref<16x128xf32, #tpu.memory_space<vmem_shared>>
      tpu.enqueue_dma source(%arg19 : memref<16x128xf32, #tpu.memory_space<vmem>>) target(%dma_start3A_161 : memref<16x128xf32, #tpu.memory_space<vmem_shared>>) target_semaphore(%run_scoped3A : memref<!tpu.dma_semaphore, #tpu.memory_space<semaphore_mem>>)
      %dma_wait3A_162 = arith.constant 0 : i32
      %dma_wait3A_163 = tpu.memref_slice %arg21[%add3A_94, %dma_wait3A_162] : memref<10000x128xf32, #tpu.memory_space<vmem_shared>> -> memref<16x128xf32, #tpu.memory_space<vmem_shared>>
      %dma_wait3A_164 = arith.constant 0 : i32
      %dma_wait3A_165 = tpu.memref_slice %arg21[%add3A_94, %dma_wait3A_164] : memref<10000x128xf32, #tpu.memory_space<vmem_shared>> -> memref<16x128xf32, #tpu.memory_space<vmem_shared>>
      tpu.wait_dma2 semaphore(%run_scoped3A : memref<!tpu.dma_semaphore, #tpu.memory_space<semaphore_mem>>) src(%arg19 : memref<16x128xf32, #tpu.memory_space<vmem>>) dst(%dma_wait3A_165 : memref<16x128xf32, #tpu.memory_space<vmem_shared>>)
      tpu.yield
    }) : () -> ()
    "tpu.region"() ({
      %run_scoped3A = tpu.sem_alloc : memref<!tpu.dma_semaphore, #tpu.memory_space<semaphore_mem>>
      %dma_start3A_158 = tpu.memref_slice %arg22[%mul3A_16] : memref<10000xf32, #tpu.memory_space<vmem_shared>> -> memref<624xf32, #tpu.memory_space<vmem_shared>>
      %dma_start3A_159 = tpu.memref_slice %arg22[%mul3A_16] : memref<10000xf32, #tpu.memory_space<vmem_shared>> -> memref<624xf32, #tpu.memory_space<vmem_shared>>
      tpu.enqueue_dma source(%arg20 : memref<624xf32, #tpu.memory_space<vmem>>) target(%dma_start3A_159 : memref<624xf32, #tpu.memory_space<vmem_shared>>) target_semaphore(%run_scoped3A : memref<!tpu.dma_semaphore, #tpu.memory_space<semaphore_mem>>)
      %dma_wait3A_160 = tpu.memref_slice %arg22[%mul3A_16] : memref<10000xf32, #tpu.memory_space<vmem_shared>> -> memref<624xf32, #tpu.memory_space<vmem_shared>>
      %dma_wait3A_161 = tpu.memref_slice %arg22[%mul3A_16] : memref<10000xf32, #tpu.memory_space<vmem_shared>> -> memref<624xf32, #tpu.memory_space<vmem_shared>>
      tpu.wait_dma2 semaphore(%run_scoped3A : memref<!tpu.dma_semaphore, #tpu.memory_space<semaphore_mem>>) src(%arg20 : memref<624xf32, #tpu.memory_space<vmem>>) dst(%dma_wait3A_161 : memref<624xf32, #tpu.memory_space<vmem_shared>>)
      tpu.yield
    }) : () -> ()
    %eq3A = arith.constant 15 : i32
    %eq3A_95 = arith.cmpi eq, %arg1, %eq3A : i32
    %convert_element_type3A = arith.extui %eq3A_95 : i1 to i32
    %cond3A = arith.constant 0 : i32
    %cond3A_96 = arith.cmpi ne, %convert_element_type3A, %cond3A : i32
    scf.if %cond3A_96 {
      "tpu.region"() ({
        %run_scoped3A = tpu.sem_alloc : memref<!tpu.dma_semaphore, #tpu.memory_space<semaphore_mem>>
        %dma_start3A_158 = arith.constant 0 : i32
        %dma_start3A_159 = arith.constant 0 : i32
        %dma_start3A_160 = tpu.memref_slice %arg19[%dma_start3A_158, %dma_start3A_159] : memref<16x128xf32, #tpu.memory_space<vmem>> -> memref<16x128xf32, #tpu.memory_space<vmem>>
        %dma_start3A_161 = arith.constant 9984 : i32
        %dma_start3A_162 = arith.constant 0 : i32
        %dma_start3A_163 = tpu.memref_slice %arg21[%dma_start3A_161, %dma_start3A_162] : memref<10000x128xf32, #tpu.memory_space<vmem_shared>> -> memref<16x128xf32, #tpu.memory_space<vmem_shared>>
        %dma_start3A_164 = arith.constant 9984 : i32
        %dma_start3A_165 = arith.constant 0 : i32
        %dma_start3A_166 = tpu.memref_slice %arg21[%dma_start3A_164, %dma_start3A_165] : memref<10000x128xf32, #tpu.memory_space<vmem_shared>> -> memref<16x128xf32, #tpu.memory_space<vmem_shared>>
        %dma_start3A_167 = arith.constant 0 : i32
        %dma_start3A_168 = arith.constant 0 : i32
        %dma_start3A_169 = tpu.memref_slice %arg19[%dma_start3A_167, %dma_start3A_168] : memref<16x128xf32, #tpu.memory_space<vmem>> -> memref<16x128xf32, #tpu.memory_space<vmem>>
        tpu.enqueue_dma source(%dma_start3A_169 : memref<16x128xf32, #tpu.memory_space<vmem>>) target(%dma_start3A_166 : memref<16x128xf32, #tpu.memory_space<vmem_shared>>) target_semaphore(%run_scoped3A : memref<!tpu.dma_semaphore, #tpu.memory_space<semaphore_mem>>)
        %dma_wait3A_170 = arith.constant 0 : i32
        %dma_wait3A_171 = arith.constant 0 : i32
        %dma_wait3A_172 = tpu.memref_slice %arg19[%dma_wait3A_170, %dma_wait3A_171] : memref<16x128xf32, #tpu.memory_space<vmem>> -> memref<16x128xf32, #tpu.memory_space<vmem>>
        %dma_wait3A_173 = arith.constant 9984 : i32
        %dma_wait3A_174 = arith.constant 0 : i32
        %dma_wait3A_175 = tpu.memref_slice %arg21[%dma_wait3A_173, %dma_wait3A_174] : memref<10000x128xf32, #tpu.memory_space<vmem_shared>> -> memref<16x128xf32, #tpu.memory_space<vmem_shared>>
        %dma_wait3A_176 = arith.constant 9984 : i32
        %dma_wait3A_177 = arith.constant 0 : i32
        %dma_wait3A_178 = tpu.memref_slice %arg21[%dma_wait3A_176, %dma_wait3A_177] : memref<10000x128xf32, #tpu.memory_space<vmem_shared>> -> memref<16x128xf32, #tpu.memory_space<vmem_shared>>
        %dma_wait3A_179 = arith.constant 0 : i32
        %dma_wait3A_180 = arith.constant 0 : i32
        %dma_wait3A_181 = tpu.memref_slice %arg19[%dma_wait3A_179, %dma_wait3A_180] : memref<16x128xf32, #tpu.memory_space<vmem>> -> memref<16x128xf32, #tpu.memory_space<vmem>>
        tpu.wait_dma2 semaphore(%run_scoped3A : memref<!tpu.dma_semaphore, #tpu.memory_space<semaphore_mem>>) src(%dma_wait3A_181 : memref<16x128xf32, #tpu.memory_space<vmem>>) dst(%dma_wait3A_178 : memref<16x128xf32, #tpu.memory_space<vmem_shared>>)
        tpu.yield
      }) : () -> ()
      "tpu.region"() ({
        %run_scoped3A = tpu.sem_alloc : memref<!tpu.dma_semaphore, #tpu.memory_space<semaphore_mem>>
        %dma_start3A_158 = arith.constant 0 : i32
        %dma_start3A_159 = tpu.memref_slice %arg20[%dma_start3A_158] : memref<624xf32, #tpu.memory_space<vmem>> -> memref<16xf32, #tpu.memory_space<vmem>>
        %dma_start3A_160 = arith.constant 9984 : i32
        %dma_start3A_161 = tpu.memref_slice %arg22[%dma_start3A_160] : memref<10000xf32, #tpu.memory_space<vmem_shared>> -> memref<16xf32, #tpu.memory_space<vmem_shared>>
        %dma_start3A_162 = arith.constant 9984 : i32
        %dma_start3A_163 = tpu.memref_slice %arg22[%dma_start3A_162] : memref<10000xf32, #tpu.memory_space<vmem_shared>> -> memref<16xf32, #tpu.memory_space<vmem_shared>>
        %dma_start3A_164 = arith.constant 0 : i32
        %dma_start3A_165 = tpu.memref_slice %arg20[%dma_start3A_164] : memref<624xf32, #tpu.memory_space<vmem>> -> memref<16xf32, #tpu.memory_space<vmem>>
        tpu.enqueue_dma source(%dma_start3A_165 : memref<16xf32, #tpu.memory_space<vmem>>) target(%dma_start3A_163 : memref<16xf32, #tpu.memory_space<vmem_shared>>) target_semaphore(%run_scoped3A : memref<!tpu.dma_semaphore, #tpu.memory_space<semaphore_mem>>)
        %dma_wait3A_166 = arith.constant 0 : i32
        %dma_wait3A_167 = tpu.memref_slice %arg20[%dma_wait3A_166] : memref<624xf32, #tpu.memory_space<vmem>> -> memref<16xf32, #tpu.memory_space<vmem>>
        %dma_wait3A_168 = arith.constant 9984 : i32
        %dma_wait3A_169 = tpu.memref_slice %arg22[%dma_wait3A_168] : memref<10000xf32, #tpu.memory_space<vmem_shared>> -> memref<16xf32, #tpu.memory_space<vmem_shared>>
        %dma_wait3A_170 = arith.constant 9984 : i32
        %dma_wait3A_171 = tpu.memref_slice %arg22[%dma_wait3A_170] : memref<10000xf32, #tpu.memory_space<vmem_shared>> -> memref<16xf32, #tpu.memory_space<vmem_shared>>
        %dma_wait3A_172 = arith.constant 0 : i32
        %dma_wait3A_173 = tpu.memref_slice %arg20[%dma_wait3A_172] : memref<624xf32, #tpu.memory_space<vmem>> -> memref<16xf32, #tpu.memory_space<vmem>>
        tpu.wait_dma2 semaphore(%run_scoped3A : memref<!tpu.dma_semaphore, #tpu.memory_space<semaphore_mem>>) src(%dma_wait3A_173 : memref<16xf32, #tpu.memory_space<vmem>>) dst(%dma_wait3A_171 : memref<16xf32, #tpu.memory_space<vmem_shared>>)
        tpu.yield
      }) : () -> ()
    } else {
    }
    %barrier3A = arith.constant 0 : index
    tpu.barrier barrier_id(%barrier3A)
    %mul3A_97 = arith.constant 10000 : i32
    %mul3A_98 = arith.muli %add3A, %mul3A_97 : i32
    %add3A_99 = arith.constant 0 : i32
    %add3A_100 = arith.addi %mul3A_98, %add3A_99 : i32
    %dma_start3A = tpu.memref_slice %arg5[%add3A_100] : memref<320000xi32, #tpu.memory_space<hbm>> -> memref<80xi32, #tpu.memory_space<hbm>>
    %dma_start3A_101 = tpu.memref_slice %arg5[%add3A_100] : memref<320000xi32, #tpu.memory_space<hbm>> -> memref<80xi32, #tpu.memory_space<hbm>>
    tpu.enqueue_dma source(%dma_start3A_101 : memref<80xi32, #tpu.memory_space<hbm>>) target(%arg15 : memref<80xi32, #tpu.memory_space<vmem>>) target_semaphore(%arg25 : memref<!tpu.dma_semaphore, #tpu.memory_space<semaphore_mem>>)
    %dma_start3A_102 = tpu.memref_slice %arg6[%add3A_100] : memref<320000xi32, #tpu.memory_space<hbm>> -> memref<80xi32, #tpu.memory_space<hbm>>
    %dma_start3A_103 = tpu.memref_slice %arg6[%add3A_100] : memref<320000xi32, #tpu.memory_space<hbm>> -> memref<80xi32, #tpu.memory_space<hbm>>
    tpu.enqueue_dma source(%dma_start3A_103 : memref<80xi32, #tpu.memory_space<hbm>>) target(%arg17 : memref<80xi32, #tpu.memory_space<vmem>>) target_semaphore(%arg25 : memref<!tpu.dma_semaphore, #tpu.memory_space<semaphore_mem>>)
    %add3A_104 = arith.constant 80 : i32
    %add3A_105 = arith.addi %mul3A_98, %add3A_104 : i32
    %dma_start3A_106 = tpu.memref_slice %arg5[%add3A_105] : memref<320000xi32, #tpu.memory_space<hbm>> -> memref<80xi32, #tpu.memory_space<hbm>>
    %dma_start3A_107 = tpu.memref_slice %arg5[%add3A_105] : memref<320000xi32, #tpu.memory_space<hbm>> -> memref<80xi32, #tpu.memory_space<hbm>>
    tpu.enqueue_dma source(%dma_start3A_107 : memref<80xi32, #tpu.memory_space<hbm>>) target(%arg16 : memref<80xi32, #tpu.memory_space<vmem>>) target_semaphore(%arg26 : memref<!tpu.dma_semaphore, #tpu.memory_space<semaphore_mem>>)
    %dma_start3A_108 = tpu.memref_slice %arg6[%add3A_105] : memref<320000xi32, #tpu.memory_space<hbm>> -> memref<80xi32, #tpu.memory_space<hbm>>
    %dma_start3A_109 = tpu.memref_slice %arg6[%add3A_105] : memref<320000xi32, #tpu.memory_space<hbm>> -> memref<80xi32, #tpu.memory_space<hbm>>
    tpu.enqueue_dma source(%dma_start3A_109 : memref<80xi32, #tpu.memory_space<hbm>>) target(%arg18 : memref<80xi32, #tpu.memory_space<vmem>>) target_semaphore(%arg26 : memref<!tpu.dma_semaphore, #tpu.memory_space<semaphore_mem>>)
    %add3A_110 = arith.constant 0 : i32
    %add3A_111 = arith.addi %mul3A_98, %add3A_110 : i32
    %dma_wait3A = tpu.memref_slice %arg5[%add3A_111] : memref<320000xi32, #tpu.memory_space<hbm>> -> memref<80xi32, #tpu.memory_space<hbm>>
    %dma_wait3A_112 = tpu.memref_slice %arg5[%add3A_111] : memref<320000xi32, #tpu.memory_space<hbm>> -> memref<80xi32, #tpu.memory_space<hbm>>
    tpu.wait_dma2 semaphore(%arg25 : memref<!tpu.dma_semaphore, #tpu.memory_space<semaphore_mem>>) src(%dma_wait3A_112 : memref<80xi32, #tpu.memory_space<hbm>>) dst(%arg15 : memref<80xi32, #tpu.memory_space<vmem>>)
    %dma_wait3A_113 = tpu.memref_slice %arg6[%add3A_111] : memref<320000xi32, #tpu.memory_space<hbm>> -> memref<80xi32, #tpu.memory_space<hbm>>
    %dma_wait3A_114 = tpu.memref_slice %arg6[%add3A_111] : memref<320000xi32, #tpu.memory_space<hbm>> -> memref<80xi32, #tpu.memory_space<hbm>>
    tpu.wait_dma2 semaphore(%arg25 : memref<!tpu.dma_semaphore, #tpu.memory_space<semaphore_mem>>) src(%dma_wait3A_114 : memref<80xi32, #tpu.memory_space<hbm>>) dst(%arg17 : memref<80xi32, #tpu.memory_space<vmem>>)
    %add3A_115 = arith.constant 0 : i32
    %add3A_116 = arith.addi %mul3A_98, %add3A_115 : i32
    %dma_start3A_117 = arith.constant 0 : i32
    %dma_start3A_118 = arith.constant 0 : i32
    %dma_start3A_119 = tpu.memref_slice %arg2[%dma_start3A_117, %dma_start3A_118] : memref<10000x128xf32, #tpu.memory_space<hbm>> -> memref<10000x128xf32, #tpu.memory_space<hbm>>
    tpu.enqueue_indirect_dma source(%dma_start3A_119 : memref<10000x128xf32, #tpu.memory_space<hbm>>) target(%arg9 : memref<80x128xf32, #tpu.memory_space<vmem>>) offsets(%arg15 : memref<80xi32, #tpu.memory_space<vmem>>) semaphore(%arg23 : memref<!tpu.dma_semaphore, #tpu.memory_space<semaphore_mem>>)
    %dma_start3A_120 = arith.constant 0 : i32
    %dma_start3A_121 = tpu.memref_slice %arg3[%add3A_116, %dma_start3A_120] : memref<320000x128xf32, #tpu.memory_space<hbm>> -> memref<80x128xf32, #tpu.memory_space<hbm>>
    %dma_start3A_122 = arith.constant 0 : i32
    %dma_start3A_123 = tpu.memref_slice %arg3[%add3A_116, %dma_start3A_122] : memref<320000x128xf32, #tpu.memory_space<hbm>> -> memref<80x128xf32, #tpu.memory_space<hbm>>
    tpu.enqueue_dma source(%dma_start3A_123 : memref<80x128xf32, #tpu.memory_space<hbm>>) target(%arg11 : memref<80x128xf32, #tpu.memory_space<vmem>>) target_semaphore(%arg23 : memref<!tpu.dma_semaphore, #tpu.memory_space<semaphore_mem>>)
    %dma_start3A_124 = tpu.memref_slice %arg4[%add3A_116] : memref<320000xf32, #tpu.memory_space<hbm>> -> memref<80xf32, #tpu.memory_space<hbm>>
    %dma_start3A_125 = tpu.memref_slice %arg4[%add3A_116] : memref<320000xf32, #tpu.memory_space<hbm>> -> memref<80xf32, #tpu.memory_space<hbm>>
    tpu.enqueue_dma source(%dma_start3A_125 : memref<80xf32, #tpu.memory_space<hbm>>) target(%arg13 : memref<80xf32, #tpu.memory_space<vmem>>) target_semaphore(%arg23 : memref<!tpu.dma_semaphore, #tpu.memory_space<semaphore_mem>>)
    %scan3A_126 = arith.constant 0 : i32
    %scan3A_127 = arith.constant 62 : i32
    %scan3A_128 = arith.addi %scan3A_126, %scan3A_127 : i32
    %scan3A_129 = arith.constant 1 : i32
    scf.for %scan3A_158 = %scan3A_126 to %scan3A_128 step %scan3A_129  : i32 {
      %mul3A_159 = arith.constant 2 : i32
      %mul3A_160 = arith.muli %scan3A_158, %mul3A_159 : i32
      %add3A_161 = arith.constant 0 : i32
      %add3A_162 = arith.addi %add3A_161, %mul3A_160 : i32
      %mul3A_163 = arith.constant 80 : i32
      %mul3A_164 = arith.muli %add3A_162, %mul3A_163 : i32
      %add3A_165 = arith.addi %mul3A_98, %mul3A_164 : i32
      %dma_wait3A_166 = arith.constant 0 : i32
      %dma_wait3A_167 = arith.constant 0 : i32
      %dma_wait3A_168 = tpu.memref_slice %arg2[%dma_wait3A_166, %dma_wait3A_167] : memref<10000x128xf32, #tpu.memory_space<hbm>> -> memref<10000x128xf32, #tpu.memory_space<hbm>>
      tpu.wait_indirect_dma semaphore(%arg23 : memref<!tpu.dma_semaphore, #tpu.memory_space<semaphore_mem>>) src(%dma_wait3A_168 : memref<10000x128xf32, #tpu.memory_space<hbm>>) dst(%arg9 : memref<80x128xf32, #tpu.memory_space<vmem>>)
      %dma_wait3A_169 = arith.constant 0 : i32
      %dma_wait3A_170 = tpu.memref_slice %arg3[%add3A_165, %dma_wait3A_169] : memref<320000x128xf32, #tpu.memory_space<hbm>> -> memref<80x128xf32, #tpu.memory_space<hbm>>
      %dma_wait3A_171 = arith.constant 0 : i32
      %dma_wait3A_172 = tpu.memref_slice %arg3[%add3A_165, %dma_wait3A_171] : memref<320000x128xf32, #tpu.memory_space<hbm>> -> memref<80x128xf32, #tpu.memory_space<hbm>>
      tpu.wait_dma2 semaphore(%arg23 : memref<!tpu.dma_semaphore, #tpu.memory_space<semaphore_mem>>) src(%dma_wait3A_172 : memref<80x128xf32, #tpu.memory_space<hbm>>) dst(%arg11 : memref<80x128xf32, #tpu.memory_space<vmem>>)
      %dma_wait3A_173 = tpu.memref_slice %arg4[%add3A_165] : memref<320000xf32, #tpu.memory_space<hbm>> -> memref<80xf32, #tpu.memory_space<hbm>>
      %dma_wait3A_174 = tpu.memref_slice %arg4[%add3A_165] : memref<320000xf32, #tpu.memory_space<hbm>> -> memref<80xf32, #tpu.memory_space<hbm>>
      tpu.wait_dma2 semaphore(%arg23 : memref<!tpu.dma_semaphore, #tpu.memory_space<semaphore_mem>>) src(%dma_wait3A_174 : memref<80xf32, #tpu.memory_space<hbm>>) dst(%arg13 : memref<80xf32, #tpu.memory_space<vmem>>)
      %scan3A_175 = arith.constant 0 : i32
      %scan3A_176 = arith.constant 0 : i32
      %scan3A_177 = arith.constant 80 : i32
      %scan3A_178 = arith.addi %scan3A_176, %scan3A_177 : i32
      %scan3A_179 = arith.constant 1 : i32
      %scan3A_180 = scf.for %scan3A_230 = %scan3A_176 to %scan3A_178 step %scan3A_179 iter_args(%scan3A_231 = %scan3A_175) -> (i32)  : i32 {
        %get3A = arith.index_cast %scan3A_230 : i32 to index
        %get3A_232 = arith.constant 0 : index
        %get3A_233 = tpu.vector_load %arg11[%get3A, %get3A_232] {strides = array<i32>} : memref<80x128xf32, #tpu.memory_space<vmem>>, vector<1x16xf32>,
        %get3A_234 = vector.shape_cast %get3A_233 : vector<1x16xf32> to vector<16xf32>
        %get3A_235 = arith.index_cast %scan3A_230 : i32 to index
        %get3A_236 = arith.constant 0 : index
        %get3A_237 = tpu.vector_load %arg9[%get3A_235, %get3A_236] {strides = array<i32>} : memref<80x128xf32, #tpu.memory_space<vmem>>, vector<1x16xf32>,
        %get3A_238 = vector.shape_cast %get3A_237 : vector<1x16xf32> to vector<16xf32>
        %mul3A_239 = arith.mulf %get3A_234, %get3A_238 : vector<16xf32>
        %swap3A = arith.index_cast %scan3A_230 : i32 to index
        %swap3A_240 = arith.constant 0 : index
        %swap3A_241 = tpu.vector_load %arg11[%swap3A, %swap3A_240] {strides = array<i32>} : memref<80x128xf32, #tpu.memory_space<vmem>>, vector<1x16xf32>,
        %swap3A_242 = vector.shape_cast %swap3A_241 : vector<1x16xf32> to vector<16xf32>
        %swap3A_243 = vector.shape_cast %mul3A_239 : vector<16xf32> to vector<1x16xf32>
        tpu.vector_store %arg11[%swap3A, %swap3A_240], %swap3A_243 {strides = array<i32>} : memref<80x128xf32, #tpu.memory_space<vmem>>, vector<1x16xf32>,
        %get3A_244 = arith.index_cast %scan3A_230 : i32 to index
        %get3A_245 = arith.constant 16 : index
        %get3A_246 = tpu.vector_load %arg11[%get3A_244, %get3A_245] {strides = array<i32>} : memref<80x128xf32, #tpu.memory_space<vmem>>, vector<1x16xf32>,
        %get3A_247 = vector.shape_cast %get3A_246 : vector<1x16xf32> to vector<16xf32>
        %get3A_248 = arith.index_cast %scan3A_230 : i32 to index
        %get3A_249 = arith.constant 16 : index
        %get3A_250 = tpu.vector_load %arg9[%get3A_248, %get3A_249] {strides = array<i32>} : memref<80x128xf32, #tpu.memory_space<vmem>>, vector<1x16xf32>,
        %get3A_251 = vector.shape_cast %get3A_250 : vector<1x16xf32> to vector<16xf32>
        %mul3A_252 = arith.mulf %get3A_247, %get3A_251 : vector<16xf32>
        %swap3A_253 = arith.index_cast %scan3A_230 : i32 to index
        %swap3A_254 = arith.constant 16 : index
        %swap3A_255 = tpu.vector_load %arg11[%swap3A_253, %swap3A_254] {strides = array<i32>} : memref<80x128xf32, #tpu.memory_space<vmem>>, vector<1x16xf32>,
        %swap3A_256 = vector.shape_cast %swap3A_255 : vector<1x16xf32> to vector<16xf32>
        %swap3A_257 = vector.shape_cast %mul3A_252 : vector<16xf32> to vector<1x16xf32>
        tpu.vector_store %arg11[%swap3A_253, %swap3A_254], %swap3A_257 {strides = array<i32>} : memref<80x128xf32, #tpu.memory_space<vmem>>, vector<1x16xf32>,
        %get3A_258 = arith.index_cast %scan3A_230 : i32 to index
        %get3A_259 = arith.constant 32 : index
        %get3A_260 = tpu.vector_load %arg11[%get3A_258, %get3A_259] {strides = array<i32>} : memref<80x128xf32, #tpu.memory_space<vmem>>, vector<1x16xf32>,
        %get3A_261 = vector.shape_cast %get3A_260 : vector<1x16xf32> to vector<16xf32>
        %get3A_262 = arith.index_cast %scan3A_230 : i32 to index
        %get3A_263 = arith.constant 32 : index
        %get3A_264 = tpu.vector_load %arg9[%get3A_262, %get3A_263] {strides = array<i32>} : memref<80x128xf32, #tpu.memory_space<vmem>>, vector<1x16xf32>,
        %get3A_265 = vector.shape_cast %get3A_264 : vector<1x16xf32> to vector<16xf32>
        %mul3A_266 = arith.mulf %get3A_261, %get3A_265 : vector<16xf32>
        %swap3A_267 = arith.index_cast %scan3A_230 : i32 to index
        %swap3A_268 = arith.constant 32 : index
        %swap3A_269 = tpu.vector_load %arg11[%swap3A_267, %swap3A_268] {strides = array<i32>} : memref<80x128xf32, #tpu.memory_space<vmem>>, vector<1x16xf32>,
        %swap3A_270 = vector.shape_cast %swap3A_269 : vector<1x16xf32> to vector<16xf32>
        %swap3A_271 = vector.shape_cast %mul3A_266 : vector<16xf32> to vector<1x16xf32>
        tpu.vector_store %arg11[%swap3A_267, %swap3A_268], %swap3A_271 {strides = array<i32>} : memref<80x128xf32, #tpu.memory_space<vmem>>, vector<1x16xf32>,
        %get3A_272 = arith.index_cast %scan3A_230 : i32 to index
        %get3A_273 = arith.constant 48 : index
        %get3A_274 = tpu.vector_load %arg11[%get3A_272, %get3A_273] {strides = array<i32>} : memref<80x128xf32, #tpu.memory_space<vmem>>, vector<1x16xf32>,
        %get3A_275 = vector.shape_cast %get3A_274 : vector<1x16xf32> to vector<16xf32>
        %get3A_276 = arith.index_cast %scan3A_230 : i32 to index
        %get3A_277 = arith.constant 48 : index
        %get3A_278 = tpu.vector_load %arg9[%get3A_276, %get3A_277] {strides = array<i32>} : memref<80x128xf32, #tpu.memory_space<vmem>>, vector<1x16xf32>,
        %get3A_279 = vector.shape_cast %get3A_278 : vector<1x16xf32> to vector<16xf32>
        %mul3A_280 = arith.mulf %get3A_275, %get3A_279 : vector<16xf32>
        %swap3A_281 = arith.index_cast %scan3A_230 : i32 to index
        %swap3A_282 = arith.constant 48 : index
        %swap3A_283 = tpu.vector_load %arg11[%swap3A_281, %swap3A_282] {strides = array<i32>} : memref<80x128xf32, #tpu.memory_space<vmem>>, vector<1x16xf32>,
        %swap3A_284 = vector.shape_cast %swap3A_283 : vector<1x16xf32> to vector<16xf32>
        %swap3A_285 = vector.shape_cast %mul3A_280 : vector<16xf32> to vector<1x16xf32>
        tpu.vector_store %arg11[%swap3A_281, %swap3A_282], %swap3A_285 {strides = array<i32>} : memref<80x128xf32, #tpu.memory_space<vmem>>, vector<1x16xf32>,
        %get3A_286 = arith.index_cast %scan3A_230 : i32 to index
        %get3A_287 = arith.constant 64 : index
        %get3A_288 = tpu.vector_load %arg11[%get3A_286, %get3A_287] {strides = array<i32>} : memref<80x128xf32, #tpu.memory_space<vmem>>, vector<1x16xf32>,
        %get3A_289 = vector.shape_cast %get3A_288 : vector<1x16xf32> to vector<16xf32>
        %get3A_290 = arith.index_cast %scan3A_230 : i32 to index
        %get3A_291 = arith.constant 64 : index
        %get3A_292 = tpu.vector_load %arg9[%get3A_290, %get3A_291] {strides = array<i32>} : memref<80x128xf32, #tpu.memory_space<vmem>>, vector<1x16xf32>,
        %get3A_293 = vector.shape_cast %get3A_292 : vector<1x16xf32> to vector<16xf32>
        %mul3A_294 = arith.mulf %get3A_289, %get3A_293 : vector<16xf32>
        %swap3A_295 = arith.index_cast %scan3A_230 : i32 to index
        %swap3A_296 = arith.constant 64 : index
        %swap3A_297 = tpu.vector_load %arg11[%swap3A_295, %swap3A_296] {strides = array<i32>} : memref<80x128xf32, #tpu.memory_space<vmem>>, vector<1x16xf32>,
        %swap3A_298 = vector.shape_cast %swap3A_297 : vector<1x16xf32> to vector<16xf32>
        %swap3A_299 = vector.shape_cast %mul3A_294 : vector<16xf32> to vector<1x16xf32>
        tpu.vector_store %arg11[%swap3A_295, %swap3A_296], %swap3A_299 {strides = array<i32>} : memref<80x128xf32, #tpu.memory_space<vmem>>, vector<1x16xf32>,
        %get3A_300 = arith.index_cast %scan3A_230 : i32 to index
        %get3A_301 = arith.constant 80 : index
        %get3A_302 = tpu.vector_load %arg11[%get3A_300, %get3A_301] {strides = array<i32>} : memref<80x128xf32, #tpu.memory_space<vmem>>, vector<1x16xf32>,
        %get3A_303 = vector.shape_cast %get3A_302 : vector<1x16xf32> to vector<16xf32>
        %get3A_304 = arith.index_cast %scan3A_230 : i32 to index
        %get3A_305 = arith.constant 80 : index
        %get3A_306 = tpu.vector_load %arg9[%get3A_304, %get3A_305] {strides = array<i32>} : memref<80x128xf32, #tpu.memory_space<vmem>>, vector<1x16xf32>,
        %get3A_307 = vector.shape_cast %get3A_306 : vector<1x16xf32> to vector<16xf32>
        %mul3A_308 = arith.mulf %get3A_303, %get3A_307 : vector<16xf32>
        %swap3A_309 = arith.index_cast %scan3A_230 : i32 to index
        %swap3A_310 = arith.constant 80 : index
        %swap3A_311 = tpu.vector_load %arg11[%swap3A_309, %swap3A_310] {strides = array<i32>} : memref<80x128xf32, #tpu.memory_space<vmem>>, vector<1x16xf32>,
        %swap3A_312 = vector.shape_cast %swap3A_311 : vector<1x16xf32> to vector<16xf32>
        %swap3A_313 = vector.shape_cast %mul3A_308 : vector<16xf32> to vector<1x16xf32>
        tpu.vector_store %arg11[%swap3A_309, %swap3A_310], %swap3A_313 {strides = array<i32>} : memref<80x128xf32, #tpu.memory_space<vmem>>, vector<1x16xf32>,
        %get3A_314 = arith.index_cast %scan3A_230 : i32 to index
        %get3A_315 = arith.constant 96 : index
        %get3A_316 = tpu.vector_load %arg11[%get3A_314, %get3A_315] {strides = array<i32>} : memref<80x128xf32, #tpu.memory_space<vmem>>, vector<1x16xf32>,
        %get3A_317 = vector.shape_cast %get3A_316 : vector<1x16xf32> to vector<16xf32>
        %get3A_318 = arith.index_cast %scan3A_230 : i32 to index
        %get3A_319 = arith.constant 96 : index
        %get3A_320 = tpu.vector_load %arg9[%get3A_318, %get3A_319] {strides = array<i32>} : memref<80x128xf32, #tpu.memory_space<vmem>>, vector<1x16xf32>,
        %get3A_321 = vector.shape_cast %get3A_320 : vector<1x16xf32> to vector<16xf32>
        %mul3A_322 = arith.mulf %get3A_317, %get3A_321 : vector<16xf32>
        %swap3A_323 = arith.index_cast %scan3A_230 : i32 to index
        %swap3A_324 = arith.constant 96 : index
        %swap3A_325 = tpu.vector_load %arg11[%swap3A_323, %swap3A_324] {strides = array<i32>} : memref<80x128xf32, #tpu.memory_space<vmem>>, vector<1x16xf32>,
        %swap3A_326 = vector.shape_cast %swap3A_325 : vector<1x16xf32> to vector<16xf32>
        %swap3A_327 = vector.shape_cast %mul3A_322 : vector<16xf32> to vector<1x16xf32>
        tpu.vector_store %arg11[%swap3A_323, %swap3A_324], %swap3A_327 {strides = array<i32>} : memref<80x128xf32, #tpu.memory_space<vmem>>, vector<1x16xf32>,
        %get3A_328 = arith.index_cast %scan3A_230 : i32 to index
        %get3A_329 = arith.constant 112 : index
        %get3A_330 = tpu.vector_load %arg11[%get3A_328, %get3A_329] {strides = array<i32>} : memref<80x128xf32, #tpu.memory_space<vmem>>, vector<1x16xf32>,
        %get3A_331 = vector.shape_cast %get3A_330 : vector<1x16xf32> to vector<16xf32>
        %get3A_332 = arith.index_cast %scan3A_230 : i32 to index
        %get3A_333 = arith.constant 112 : index
        %get3A_334 = tpu.vector_load %arg9[%get3A_332, %get3A_333] {strides = array<i32>} : memref<80x128xf32, #tpu.memory_space<vmem>>, vector<1x16xf32>,
        %get3A_335 = vector.shape_cast %get3A_334 : vector<1x16xf32> to vector<16xf32>
        %mul3A_336 = arith.mulf %get3A_331, %get3A_335 : vector<16xf32>
        %swap3A_337 = arith.index_cast %scan3A_230 : i32 to index
        %swap3A_338 = arith.constant 112 : index
        %swap3A_339 = tpu.vector_load %arg11[%swap3A_337, %swap3A_338] {strides = array<i32>} : memref<80x128xf32, #tpu.memory_space<vmem>>, vector<1x16xf32>,
        %swap3A_340 = vector.shape_cast %swap3A_339 : vector<1x16xf32> to vector<16xf32>
        %swap3A_341 = vector.shape_cast %mul3A_336 : vector<16xf32> to vector<1x16xf32>
        tpu.vector_store %arg11[%swap3A_337, %swap3A_338], %swap3A_341 {strides = array<i32>} : memref<80x128xf32, #tpu.memory_space<vmem>>, vector<1x16xf32>,
        %scan3A_342 = arith.constant 0 : i32
        scf.yield %scan3A_342 : i32
      }
      %scan3A_181 = arith.constant 80 : i32
      "tpu.region"() ({
        %run_scoped3A = tpu.sem_alloc : memref<!tpu.dma_semaphore, #tpu.memory_space<semaphore_mem>>
        %dma_start3A_230 = arith.constant 0 : i32
        %dma_start3A_231 = arith.constant 0 : i32
        %dma_start3A_232 = tpu.memref_slice %arg21[%dma_start3A_230, %dma_start3A_231] : memref<10000x128xf32, #tpu.memory_space<vmem_shared>> -> memref<10000x128xf32, #tpu.memory_space<vmem_shared>>
        tpu.enqueue_indirect_dma source(%arg11 : memref<80x128xf32, #tpu.memory_space<vmem>>) target(%dma_start3A_232 : memref<10000x128xf32, #tpu.memory_space<vmem_shared>>) offsets(%arg17 : memref<80xi32, #tpu.memory_space<vmem>>) semaphore(%run_scoped3A : memref<!tpu.dma_semaphore, #tpu.memory_space<semaphore_mem>>) {add = true}
        %dma_wait3A_233 = arith.constant 0 : i32
        %dma_wait3A_234 = arith.constant 0 : i32
        %dma_wait3A_235 = tpu.memref_slice %arg21[%dma_wait3A_233, %dma_wait3A_234] : memref<10000x128xf32, #tpu.memory_space<vmem_shared>> -> memref<10000x128xf32, #tpu.memory_space<vmem_shared>>
        tpu.wait_indirect_dma semaphore(%run_scoped3A : memref<!tpu.dma_semaphore, #tpu.memory_space<semaphore_mem>>) src(%arg11 : memref<80x128xf32, #tpu.memory_space<vmem>>) dst(%dma_wait3A_235 : memref<10000x128xf32, #tpu.memory_space<vmem_shared>>)
        tpu.yield
      }) : () -> ()
      "tpu.region"() ({
        %run_scoped3A = tpu.sem_alloc : memref<!tpu.dma_semaphore, #tpu.memory_space<semaphore_mem>>
        %dma_start3A_230 = arith.constant 0 : i32
        %dma_start3A_231 = tpu.memref_slice %arg22[%dma_start3A_230] : memref<10000xf32, #tpu.memory_space<vmem_shared>> -> memref<10000xf32, #tpu.memory_space<vmem_shared>>
        tpu.enqueue_indirect_dma source(%arg13 : memref<80xf32, #tpu.memory_space<vmem>>) target(%dma_start3A_231 : memref<10000xf32, #tpu.memory_space<vmem_shared>>) offsets(%arg17 : memref<80xi32, #tpu.memory_space<vmem>>) semaphore(%run_scoped3A : memref<!tpu.dma_semaphore, #tpu.memory_space<semaphore_mem>>) {add = true}
        %dma_wait3A_232 = arith.constant 0 : i32
        %dma_wait3A_233 = tpu.memref_slice %arg22[%dma_wait3A_232] : memref<10000xf32, #tpu.memory_space<vmem_shared>> -> memref<10000xf32, #tpu.memory_space<vmem_shared>>
        tpu.wait_indirect_dma semaphore(%run_scoped3A : memref<!tpu.dma_semaphore, #tpu.memory_space<semaphore_mem>>) src(%arg13 : memref<80xf32, #tpu.memory_space<vmem>>) dst(%dma_wait3A_233 : memref<10000xf32, #tpu.memory_space<vmem_shared>>)
        tpu.yield
      }) : () -> ()
      %add3A_182 = arith.constant 2 : i32
      %add3A_183 = arith.addi %add3A_162, %add3A_182 : i32
      %lt3A = arith.constant 125 : i32
      %lt3A_184 = arith.cmpi slt, %add3A_183, %lt3A : i32
      %convert_element_type3A_185 = arith.extui %lt3A_184 : i1 to i32
      %cond3A_186 = arith.constant 0 : i32
      %cond3A_187 = arith.cmpi ne, %convert_element_type3A_185, %cond3A_186 : i32
      scf.if %cond3A_187 {
        %add3A_230 = arith.constant 2 : i32
        %add3A_231 = arith.addi %add3A_162, %add3A_230 : i32
        %mul3A_232 = arith.constant 80 : i32
        %mul3A_233 = arith.muli %add3A_231, %mul3A_232 : i32
        %add3A_234 = arith.addi %mul3A_98, %mul3A_233 : i32
        %dma_start3A_235 = tpu.memref_slice %arg5[%add3A_234] : memref<320000xi32, #tpu.memory_space<hbm>> -> memref<80xi32, #tpu.memory_space<hbm>>
        %dma_start3A_236 = tpu.memref_slice %arg5[%add3A_234] : memref<320000xi32, #tpu.memory_space<hbm>> -> memref<80xi32, #tpu.memory_space<hbm>>
        tpu.enqueue_dma source(%dma_start3A_236 : memref<80xi32, #tpu.memory_space<hbm>>) target(%arg15 : memref<80xi32, #tpu.memory_space<vmem>>) target_semaphore(%arg25 : memref<!tpu.dma_semaphore, #tpu.memory_space<semaphore_mem>>)
        %dma_start3A_237 = tpu.memref_slice %arg6[%add3A_234] : memref<320000xi32, #tpu.memory_space<hbm>> -> memref<80xi32, #tpu.memory_space<hbm>>
        %dma_start3A_238 = tpu.memref_slice %arg6[%add3A_234] : memref<320000xi32, #tpu.memory_space<hbm>> -> memref<80xi32, #tpu.memory_space<hbm>>
        tpu.enqueue_dma source(%dma_start3A_238 : memref<80xi32, #tpu.memory_space<hbm>>) target(%arg17 : memref<80xi32, #tpu.memory_space<vmem>>) target_semaphore(%arg25 : memref<!tpu.dma_semaphore, #tpu.memory_space<semaphore_mem>>)
      } else {
      }
      %add3A_188 = arith.constant 1 : i32
      %add3A_189 = arith.addi %add3A_162, %add3A_188 : i32
      %lt3A_190 = arith.constant 125 : i32
      %lt3A_191 = arith.cmpi slt, %add3A_189, %lt3A_190 : i32
      %convert_element_type3A_192 = arith.extui %lt3A_191 : i1 to i32
      %cond3A_193 = arith.constant 0 : i32
      %cond3A_194 = arith.cmpi ne, %convert_element_type3A_192, %cond3A_193 : i32
      scf.if %cond3A_194 {
        %add3A_230 = arith.constant 1 : i32
        %add3A_231 = arith.addi %add3A_162, %add3A_230 : i32
        %mul3A_232 = arith.constant 80 : i32
        %mul3A_233 = arith.muli %add3A_231, %mul3A_232 : i32
        %add3A_234 = arith.addi %mul3A_98, %mul3A_233 : i32
        %dma_wait3A_235 = tpu.memref_slice %arg5[%add3A_234] : memref<320000xi32, #tpu.memory_space<hbm>> -> memref<80xi32, #tpu.memory_space<hbm>>
        %dma_wait3A_236 = tpu.memref_slice %arg5[%add3A_234] : memref<320000xi32, #tpu.memory_space<hbm>> -> memref<80xi32, #tpu.memory_space<hbm>>
        tpu.wait_dma2 semaphore(%arg26 : memref<!tpu.dma_semaphore, #tpu.memory_space<semaphore_mem>>) src(%dma_wait3A_236 : memref<80xi32, #tpu.memory_space<hbm>>) dst(%arg16 : memref<80xi32, #tpu.memory_space<vmem>>)
        %dma_wait3A_237 = tpu.memref_slice %arg6[%add3A_234] : memref<320000xi32, #tpu.memory_space<hbm>> -> memref<80xi32, #tpu.memory_space<hbm>>
        %dma_wait3A_238 = tpu.memref_slice %arg6[%add3A_234] : memref<320000xi32, #tpu.memory_space<hbm>> -> memref<80xi32, #tpu.memory_space<hbm>>
        tpu.wait_dma2 semaphore(%arg26 : memref<!tpu.dma_semaphore, #tpu.memory_space<semaphore_mem>>) src(%dma_wait3A_238 : memref<80xi32, #tpu.memory_space<hbm>>) dst(%arg18 : memref<80xi32, #tpu.memory_space<vmem>>)
        %add3A_239 = arith.constant 1 : i32
        %add3A_240 = arith.addi %add3A_162, %add3A_239 : i32
        %mul3A_241 = arith.constant 80 : i32
        %mul3A_242 = arith.muli %add3A_240, %mul3A_241 : i32
        %add3A_243 = arith.addi %mul3A_98, %mul3A_242 : i32
        %dma_start3A_244 = arith.constant 0 : i32
        %dma_start3A_245 = arith.constant 0 : i32
        %dma_start3A_246 = tpu.memref_slice %arg2[%dma_start3A_244, %dma_start3A_245] : memref<10000x128xf32, #tpu.memory_space<hbm>> -> memref<10000x128xf32, #tpu.memory_space<hbm>>
        tpu.enqueue_indirect_dma source(%dma_start3A_246 : memref<10000x128xf32, #tpu.memory_space<hbm>>) target(%arg10 : memref<80x128xf32, #tpu.memory_space<vmem>>) offsets(%arg16 : memref<80xi32, #tpu.memory_space<vmem>>) semaphore(%arg24 : memref<!tpu.dma_semaphore, #tpu.memory_space<semaphore_mem>>)
        %dma_start3A_247 = arith.constant 0 : i32
        %dma_start3A_248 = tpu.memref_slice %arg3[%add3A_243, %dma_start3A_247] : memref<320000x128xf32, #tpu.memory_space<hbm>> -> memref<80x128xf32, #tpu.memory_space<hbm>>
        %dma_start3A_249 = arith.constant 0 : i32
        %dma_start3A_250 = tpu.memref_slice %arg3[%add3A_243, %dma_start3A_249] : memref<320000x128xf32, #tpu.memory_space<hbm>> -> memref<80x128xf32, #tpu.memory_space<hbm>>
        tpu.enqueue_dma source(%dma_start3A_250 : memref<80x128xf32, #tpu.memory_space<hbm>>) target(%arg12 : memref<80x128xf32, #tpu.memory_space<vmem>>) target_semaphore(%arg24 : memref<!tpu.dma_semaphore, #tpu.memory_space<semaphore_mem>>)
        %dma_start3A_251 = tpu.memref_slice %arg4[%add3A_243] : memref<320000xf32, #tpu.memory_space<hbm>> -> memref<80xf32, #tpu.memory_space<hbm>>
        %dma_start3A_252 = tpu.memref_slice %arg4[%add3A_243] : memref<320000xf32, #tpu.memory_space<hbm>> -> memref<80xf32, #tpu.memory_space<hbm>>
        tpu.enqueue_dma source(%dma_start3A_252 : memref<80xf32, #tpu.memory_space<hbm>>) target(%arg14 : memref<80xf32, #tpu.memory_space<vmem>>) target_semaphore(%arg24 : memref<!tpu.dma_semaphore, #tpu.memory_space<semaphore_mem>>)
      } else {
      }
      %add3A_195 = arith.constant 1 : i32
      %add3A_196 = arith.addi %add3A_162, %add3A_195 : i32
      %mul3A_197 = arith.constant 80 : i32
      %mul3A_198 = arith.muli %add3A_196, %mul3A_197 : i32
      %add3A_199 = arith.addi %mul3A_98, %mul3A_198 : i32
      %dma_wait3A_200 = arith.constant 0 : i32
      %dma_wait3A_201 = arith.constant 0 : i32
      %dma_wait3A_202 = tpu.memref_slice %arg2[%dma_wait3A_200, %dma_wait3A_201] : memref<10000x128xf32, #tpu.memory_space<hbm>> -> memref<10000x128xf32, #tpu.memory_space<hbm>>
      tpu.wait_indirect_dma semaphore(%arg24 : memref<!tpu.dma_semaphore, #tpu.memory_space<semaphore_mem>>) src(%dma_wait3A_202 : memref<10000x128xf32, #tpu.memory_space<hbm>>) dst(%arg10 : memref<80x128xf32, #tpu.memory_space<vmem>>)
      %dma_wait3A_203 = arith.constant 0 : i32
      %dma_wait3A_204 = tpu.memref_slice %arg3[%add3A_199, %dma_wait3A_203] : memref<320000x128xf32, #tpu.memory_space<hbm>> -> memref<80x128xf32, #tpu.memory_space<hbm>>
      %dma_wait3A_205 = arith.constant 0 : i32
      %dma_wait3A_206 = tpu.memref_slice %arg3[%add3A_199, %dma_wait3A_205] : memref<320000x128xf32, #tpu.memory_space<hbm>> -> memref<80x128xf32, #tpu.memory_space<hbm>>
      tpu.wait_dma2 semaphore(%arg24 : memref<!tpu.dma_semaphore, #tpu.memory_space<semaphore_mem>>) src(%dma_wait3A_206 : memref<80x128xf32, #tpu.memory_space<hbm>>) dst(%arg12 : memref<80x128xf32, #tpu.memory_space<vmem>>)
      %dma_wait3A_207 = tpu.memref_slice %arg4[%add3A_199] : memref<320000xf32, #tpu.memory_space<hbm>> -> memref<80xf32, #tpu.memory_space<hbm>>
      %dma_wait3A_208 = tpu.memref_slice %arg4[%add3A_199] : memref<320000xf32, #tpu.memory_space<hbm>> -> memref<80xf32, #tpu.memory_space<hbm>>
      tpu.wait_dma2 semaphore(%arg24 : memref<!tpu.dma_semaphore, #tpu.memory_space<semaphore_mem>>) src(%dma_wait3A_208 : memref<80xf32, #tpu.memory_space<hbm>>) dst(%arg14 : memref<80xf32, #tpu.memory_space<vmem>>)
      %scan3A_209 = arith.constant 0 : i32
      %scan3A_210 = arith.constant 0 : i32
      %scan3A_211 = arith.constant 80 : i32
      %scan3A_212 = arith.addi %scan3A_210, %scan3A_211 : i32
      %scan3A_213 = arith.constant 1 : i32
      %scan3A_214 = scf.for %scan3A_230 = %scan3A_210 to %scan3A_212 step %scan3A_213 iter_args(%scan3A_231 = %scan3A_209) -> (i32)  : i32 {
        %get3A = arith.index_cast %scan3A_230 : i32 to index
        %get3A_232 = arith.constant 0 : index
        %get3A_233 = tpu.vector_load %arg12[%get3A, %get3A_232] {strides = array<i32>} : memref<80x128xf32, #tpu.memory_space<vmem>>, vector<1x16xf32>,
        %get3A_234 = vector.shape_cast %get3A_233 : vector<1x16xf32> to vector<16xf32>
        %get3A_235 = arith.index_cast %scan3A_230 : i32 to index
        %get3A_236 = arith.constant 0 : index
        %get3A_237 = tpu.vector_load %arg10[%get3A_235, %get3A_236] {strides = array<i32>} : memref<80x128xf32, #tpu.memory_space<vmem>>, vector<1x16xf32>,
        %get3A_238 = vector.shape_cast %get3A_237 : vector<1x16xf32> to vector<16xf32>
        %mul3A_239 = arith.mulf %get3A_234, %get3A_238 : vector<16xf32>
        %swap3A = arith.index_cast %scan3A_230 : i32 to index
        %swap3A_240 = arith.constant 0 : index
        %swap3A_241 = tpu.vector_load %arg12[%swap3A, %swap3A_240] {strides = array<i32>} : memref<80x128xf32, #tpu.memory_space<vmem>>, vector<1x16xf32>,
        %swap3A_242 = vector.shape_cast %swap3A_241 : vector<1x16xf32> to vector<16xf32>
        %swap3A_243 = vector.shape_cast %mul3A_239 : vector<16xf32> to vector<1x16xf32>
        tpu.vector_store %arg12[%swap3A, %swap3A_240], %swap3A_243 {strides = array<i32>} : memref<80x128xf32, #tpu.memory_space<vmem>>, vector<1x16xf32>,
        %get3A_244 = arith.index_cast %scan3A_230 : i32 to index
        %get3A_245 = arith.constant 16 : index
        %get3A_246 = tpu.vector_load %arg12[%get3A_244, %get3A_245] {strides = array<i32>} : memref<80x128xf32, #tpu.memory_space<vmem>>, vector<1x16xf32>,
        %get3A_247 = vector.shape_cast %get3A_246 : vector<1x16xf32> to vector<16xf32>
        %get3A_248 = arith.index_cast %scan3A_230 : i32 to index
        %get3A_249 = arith.constant 16 : index
        %get3A_250 = tpu.vector_load %arg10[%get3A_248, %get3A_249] {strides = array<i32>} : memref<80x128xf32, #tpu.memory_space<vmem>>, vector<1x16xf32>,
        %get3A_251 = vector.shape_cast %get3A_250 : vector<1x16xf32> to vector<16xf32>
        %mul3A_252 = arith.mulf %get3A_247, %get3A_251 : vector<16xf32>
        %swap3A_253 = arith.index_cast %scan3A_230 : i32 to index
        %swap3A_254 = arith.constant 16 : index
        %swap3A_255 = tpu.vector_load %arg12[%swap3A_253, %swap3A_254] {strides = array<i32>} : memref<80x128xf32, #tpu.memory_space<vmem>>, vector<1x16xf32>,
        %swap3A_256 = vector.shape_cast %swap3A_255 : vector<1x16xf32> to vector<16xf32>
        %swap3A_257 = vector.shape_cast %mul3A_252 : vector<16xf32> to vector<1x16xf32>
        tpu.vector_store %arg12[%swap3A_253, %swap3A_254], %swap3A_257 {strides = array<i32>} : memref<80x128xf32, #tpu.memory_space<vmem>>, vector<1x16xf32>,
        %get3A_258 = arith.index_cast %scan3A_230 : i32 to index
        %get3A_259 = arith.constant 32 : index
        %get3A_260 = tpu.vector_load %arg12[%get3A_258, %get3A_259] {strides = array<i32>} : memref<80x128xf32, #tpu.memory_space<vmem>>, vector<1x16xf32>,
        %get3A_261 = vector.shape_cast %get3A_260 : vector<1x16xf32> to vector<16xf32>
        %get3A_262 = arith.index_cast %scan3A_230 : i32 to index
        %get3A_263 = arith.constant 32 : index
        %get3A_264 = tpu.vector_load %arg10[%get3A_262, %get3A_263] {strides = array<i32>} : memref<80x128xf32, #tpu.memory_space<vmem>>, vector<1x16xf32>,
        %get3A_265 = vector.shape_cast %get3A_264 : vector<1x16xf32> to vector<16xf32>
        %mul3A_266 = arith.mulf %get3A_261, %get3A_265 : vector<16xf32>
        %swap3A_267 = arith.index_cast %scan3A_230 : i32 to index
        %swap3A_268 = arith.constant 32 : index
        %swap3A_269 = tpu.vector_load %arg12[%swap3A_267, %swap3A_268] {strides = array<i32>} : memref<80x128xf32, #tpu.memory_space<vmem>>, vector<1x16xf32>,
        %swap3A_270 = vector.shape_cast %swap3A_269 : vector<1x16xf32> to vector<16xf32>
        %swap3A_271 = vector.shape_cast %mul3A_266 : vector<16xf32> to vector<1x16xf32>
        tpu.vector_store %arg12[%swap3A_267, %swap3A_268], %swap3A_271 {strides = array<i32>} : memref<80x128xf32, #tpu.memory_space<vmem>>, vector<1x16xf32>,
        %get3A_272 = arith.index_cast %scan3A_230 : i32 to index
        %get3A_273 = arith.constant 48 : index
        %get3A_274 = tpu.vector_load %arg12[%get3A_272, %get3A_273] {strides = array<i32>} : memref<80x128xf32, #tpu.memory_space<vmem>>, vector<1x16xf32>,
        %get3A_275 = vector.shape_cast %get3A_274 : vector<1x16xf32> to vector<16xf32>
        %get3A_276 = arith.index_cast %scan3A_230 : i32 to index
        %get3A_277 = arith.constant 48 : index
        %get3A_278 = tpu.vector_load %arg10[%get3A_276, %get3A_277] {strides = array<i32>} : memref<80x128xf32, #tpu.memory_space<vmem>>, vector<1x16xf32>,
        %get3A_279 = vector.shape_cast %get3A_278 : vector<1x16xf32> to vector<16xf32>
        %mul3A_280 = arith.mulf %get3A_275, %get3A_279 : vector<16xf32>
        %swap3A_281 = arith.index_cast %scan3A_230 : i32 to index
        %swap3A_282 = arith.constant 48 : index
        %swap3A_283 = tpu.vector_load %arg12[%swap3A_281, %swap3A_282] {strides = array<i32>} : memref<80x128xf32, #tpu.memory_space<vmem>>, vector<1x16xf32>,
        %swap3A_284 = vector.shape_cast %swap3A_283 : vector<1x16xf32> to vector<16xf32>
        %swap3A_285 = vector.shape_cast %mul3A_280 : vector<16xf32> to vector<1x16xf32>
        tpu.vector_store %arg12[%swap3A_281, %swap3A_282], %swap3A_285 {strides = array<i32>} : memref<80x128xf32, #tpu.memory_space<vmem>>, vector<1x16xf32>,
        %get3A_286 = arith.index_cast %scan3A_230 : i32 to index
        %get3A_287 = arith.constant 64 : index
        %get3A_288 = tpu.vector_load %arg12[%get3A_286, %get3A_287] {strides = array<i32>} : memref<80x128xf32, #tpu.memory_space<vmem>>, vector<1x16xf32>,
        %get3A_289 = vector.shape_cast %get3A_288 : vector<1x16xf32> to vector<16xf32>
        %get3A_290 = arith.index_cast %scan3A_230 : i32 to index
        %get3A_291 = arith.constant 64 : index
        %get3A_292 = tpu.vector_load %arg10[%get3A_290, %get3A_291] {strides = array<i32>} : memref<80x128xf32, #tpu.memory_space<vmem>>, vector<1x16xf32>,
        %get3A_293 = vector.shape_cast %get3A_292 : vector<1x16xf32> to vector<16xf32>
        %mul3A_294 = arith.mulf %get3A_289, %get3A_293 : vector<16xf32>
        %swap3A_295 = arith.index_cast %scan3A_230 : i32 to index
        %swap3A_296 = arith.constant 64 : index
        %swap3A_297 = tpu.vector_load %arg12[%swap3A_295, %swap3A_296] {strides = array<i32>} : memref<80x128xf32, #tpu.memory_space<vmem>>, vector<1x16xf32>,
        %swap3A_298 = vector.shape_cast %swap3A_297 : vector<1x16xf32> to vector<16xf32>
        %swap3A_299 = vector.shape_cast %mul3A_294 : vector<16xf32> to vector<1x16xf32>
        tpu.vector_store %arg12[%swap3A_295, %swap3A_296], %swap3A_299 {strides = array<i32>} : memref<80x128xf32, #tpu.memory_space<vmem>>, vector<1x16xf32>,
        %get3A_300 = arith.index_cast %scan3A_230 : i32 to index
        %get3A_301 = arith.constant 80 : index
        %get3A_302 = tpu.vector_load %arg12[%get3A_300, %get3A_301] {strides = array<i32>} : memref<80x128xf32, #tpu.memory_space<vmem>>, vector<1x16xf32>,
        %get3A_303 = vector.shape_cast %get3A_302 : vector<1x16xf32> to vector<16xf32>
        %get3A_304 = arith.index_cast %scan3A_230 : i32 to index
        %get3A_305 = arith.constant 80 : index
        %get3A_306 = tpu.vector_load %arg10[%get3A_304, %get3A_305] {strides = array<i32>} : memref<80x128xf32, #tpu.memory_space<vmem>>, vector<1x16xf32>,
        %get3A_307 = vector.shape_cast %get3A_306 : vector<1x16xf32> to vector<16xf32>
        %mul3A_308 = arith.mulf %get3A_303, %get3A_307 : vector<16xf32>
        %swap3A_309 = arith.index_cast %scan3A_230 : i32 to index
        %swap3A_310 = arith.constant 80 : index
        %swap3A_311 = tpu.vector_load %arg12[%swap3A_309, %swap3A_310] {strides = array<i32>} : memref<80x128xf32, #tpu.memory_space<vmem>>, vector<1x16xf32>,
        %swap3A_312 = vector.shape_cast %swap3A_311 : vector<1x16xf32> to vector<16xf32>
        %swap3A_313 = vector.shape_cast %mul3A_308 : vector<16xf32> to vector<1x16xf32>
        tpu.vector_store %arg12[%swap3A_309, %swap3A_310], %swap3A_313 {strides = array<i32>} : memref<80x128xf32, #tpu.memory_space<vmem>>, vector<1x16xf32>,
        %get3A_314 = arith.index_cast %scan3A_230 : i32 to index
        %get3A_315 = arith.constant 96 : index
        %get3A_316 = tpu.vector_load %arg12[%get3A_314, %get3A_315] {strides = array<i32>} : memref<80x128xf32, #tpu.memory_space<vmem>>, vector<1x16xf32>,
        %get3A_317 = vector.shape_cast %get3A_316 : vector<1x16xf32> to vector<16xf32>
        %get3A_318 = arith.index_cast %scan3A_230 : i32 to index
        %get3A_319 = arith.constant 96 : index
        %get3A_320 = tpu.vector_load %arg10[%get3A_318, %get3A_319] {strides = array<i32>} : memref<80x128xf32, #tpu.memory_space<vmem>>, vector<1x16xf32>,
        %get3A_321 = vector.shape_cast %get3A_320 : vector<1x16xf32> to vector<16xf32>
        %mul3A_322 = arith.mulf %get3A_317, %get3A_321 : vector<16xf32>
        %swap3A_323 = arith.index_cast %scan3A_230 : i32 to index
        %swap3A_324 = arith.constant 96 : index
        %swap3A_325 = tpu.vector_load %arg12[%swap3A_323, %swap3A_324] {strides = array<i32>} : memref<80x128xf32, #tpu.memory_space<vmem>>, vector<1x16xf32>,
        %swap3A_326 = vector.shape_cast %swap3A_325 : vector<1x16xf32> to vector<16xf32>
        %swap3A_327 = vector.shape_cast %mul3A_322 : vector<16xf32> to vector<1x16xf32>
        tpu.vector_store %arg12[%swap3A_323, %swap3A_324], %swap3A_327 {strides = array<i32>} : memref<80x128xf32, #tpu.memory_space<vmem>>, vector<1x16xf32>,
        %get3A_328 = arith.index_cast %scan3A_230 : i32 to index
        %get3A_329 = arith.constant 112 : index
        %get3A_330 = tpu.vector_load %arg12[%get3A_328, %get3A_329] {strides = array<i32>} : memref<80x128xf32, #tpu.memory_space<vmem>>, vector<1x16xf32>,
        %get3A_331 = vector.shape_cast %get3A_330 : vector<1x16xf32> to vector<16xf32>
        %get3A_332 = arith.index_cast %scan3A_230 : i32 to index
        %get3A_333 = arith.constant 112 : index
        %get3A_334 = tpu.vector_load %arg10[%get3A_332, %get3A_333] {strides = array<i32>} : memref<80x128xf32, #tpu.memory_space<vmem>>, vector<1x16xf32>,
        %get3A_335 = vector.shape_cast %get3A_334 : vector<1x16xf32> to vector<16xf32>
        %mul3A_336 = arith.mulf %get3A_331, %get3A_335 : vector<16xf32>
        %swap3A_337 = arith.index_cast %scan3A_230 : i32 to index
        %swap3A_338 = arith.constant 112 : index
        %swap3A_339 = tpu.vector_load %arg12[%swap3A_337, %swap3A_338] {strides = array<i32>} : memref<80x128xf32, #tpu.memory_space<vmem>>, vector<1x16xf32>,
        %swap3A_340 = vector.shape_cast %swap3A_339 : vector<1x16xf32> to vector<16xf32>
        %swap3A_341 = vector.shape_cast %mul3A_336 : vector<16xf32> to vector<1x16xf32>
        tpu.vector_store %arg12[%swap3A_337, %swap3A_338], %swap3A_341 {strides = array<i32>} : memref<80x128xf32, #tpu.memory_space<vmem>>, vector<1x16xf32>,
        %scan3A_342 = arith.constant 0 : i32
        scf.yield %scan3A_342 : i32
      }
      %scan3A_215 = arith.constant 80 : i32
      "tpu.region"() ({
        %run_scoped3A = tpu.sem_alloc : memref<!tpu.dma_semaphore, #tpu.memory_space<semaphore_mem>>
        %dma_start3A_230 = arith.constant 0 : i32
        %dma_start3A_231 = arith.constant 0 : i32
        %dma_start3A_232 = tpu.memref_slice %arg21[%dma_start3A_230, %dma_start3A_231] : memref<10000x128xf32, #tpu.memory_space<vmem_shared>> -> memref<10000x128xf32, #tpu.memory_space<vmem_shared>>
        tpu.enqueue_indirect_dma source(%arg12 : memref<80x128xf32, #tpu.memory_space<vmem>>) target(%dma_start3A_232 : memref<10000x128xf32, #tpu.memory_space<vmem_shared>>) offsets(%arg18 : memref<80xi32, #tpu.memory_space<vmem>>) semaphore(%run_scoped3A : memref<!tpu.dma_semaphore, #tpu.memory_space<semaphore_mem>>) {add = true}
        %dma_wait3A_233 = arith.constant 0 : i32
        %dma_wait3A_234 = arith.constant 0 : i32
        %dma_wait3A_235 = tpu.memref_slice %arg21[%dma_wait3A_233, %dma_wait3A_234] : memref<10000x128xf32, #tpu.memory_space<vmem_shared>> -> memref<10000x128xf32, #tpu.memory_space<vmem_shared>>
        tpu.wait_indirect_dma semaphore(%run_scoped3A : memref<!tpu.dma_semaphore, #tpu.memory_space<semaphore_mem>>) src(%arg12 : memref<80x128xf32, #tpu.memory_space<vmem>>) dst(%dma_wait3A_235 : memref<10000x128xf32, #tpu.memory_space<vmem_shared>>)
        tpu.yield
      }) : () -> ()
      "tpu.region"() ({
        %run_scoped3A = tpu.sem_alloc : memref<!tpu.dma_semaphore, #tpu.memory_space<semaphore_mem>>
        %dma_start3A_230 = arith.constant 0 : i32
        %dma_start3A_231 = tpu.memref_slice %arg22[%dma_start3A_230] : memref<10000xf32, #tpu.memory_space<vmem_shared>> -> memref<10000xf32, #tpu.memory_space<vmem_shared>>
        tpu.enqueue_indirect_dma source(%arg14 : memref<80xf32, #tpu.memory_space<vmem>>) target(%dma_start3A_231 : memref<10000xf32, #tpu.memory_space<vmem_shared>>) offsets(%arg18 : memref<80xi32, #tpu.memory_space<vmem>>) semaphore(%run_scoped3A : memref<!tpu.dma_semaphore, #tpu.memory_space<semaphore_mem>>) {add = true}
        %dma_wait3A_232 = arith.constant 0 : i32
        %dma_wait3A_233 = tpu.memref_slice %arg22[%dma_wait3A_232] : memref<10000xf32, #tpu.memory_space<vmem_shared>> -> memref<10000xf32, #tpu.memory_space<vmem_shared>>
        tpu.wait_indirect_dma semaphore(%run_scoped3A : memref<!tpu.dma_semaphore, #tpu.memory_space<semaphore_mem>>) src(%arg14 : memref<80xf32, #tpu.memory_space<vmem>>) dst(%dma_wait3A_233 : memref<10000xf32, #tpu.memory_space<vmem_shared>>)
        tpu.yield
      }) : () -> ()
      %add3A_216 = arith.constant 2 : i32
      %add3A_217 = arith.addi %add3A_196, %add3A_216 : i32
      %lt3A_218 = arith.constant 125 : i32
      %lt3A_219 = arith.cmpi slt, %add3A_217, %lt3A_218 : i32
      %convert_element_type3A_220 = arith.extui %lt3A_219 : i1 to i32
      %cond3A_221 = arith.constant 0 : i32
      %cond3A_222 = arith.cmpi ne, %convert_element_type3A_220, %cond3A_221 : i32
      scf.if %cond3A_222 {
        %add3A_230 = arith.constant 2 : i32
        %add3A_231 = arith.addi %add3A_196, %add3A_230 : i32
        %mul3A_232 = arith.constant 80 : i32
        %mul3A_233 = arith.muli %add3A_231, %mul3A_232 : i32
        %add3A_234 = arith.addi %mul3A_98, %mul3A_233 : i32
        %dma_start3A_235 = tpu.memref_slice %arg5[%add3A_234] : memref<320000xi32, #tpu.memory_space<hbm>> -> memref<80xi32, #tpu.memory_space<hbm>>
        %dma_start3A_236 = tpu.memref_slice %arg5[%add3A_234] : memref<320000xi32, #tpu.memory_space<hbm>> -> memref<80xi32, #tpu.memory_space<hbm>>
        tpu.enqueue_dma source(%dma_start3A_236 : memref<80xi32, #tpu.memory_space<hbm>>) target(%arg16 : memref<80xi32, #tpu.memory_space<vmem>>) target_semaphore(%arg26 : memref<!tpu.dma_semaphore, #tpu.memory_space<semaphore_mem>>)
        %dma_start3A_237 = tpu.memref_slice %arg6[%add3A_234] : memref<320000xi32, #tpu.memory_space<hbm>> -> memref<80xi32, #tpu.memory_space<hbm>>
        %dma_start3A_238 = tpu.memref_slice %arg6[%add3A_234] : memref<320000xi32, #tpu.memory_space<hbm>> -> memref<80xi32, #tpu.memory_space<hbm>>
        tpu.enqueue_dma source(%dma_start3A_238 : memref<80xi32, #tpu.memory_space<hbm>>) target(%arg18 : memref<80xi32, #tpu.memory_space<vmem>>) target_semaphore(%arg26 : memref<!tpu.dma_semaphore, #tpu.memory_space<semaphore_mem>>)
      } else {
      }
      %add3A_223 = arith.constant 1 : i32
      %add3A_224 = arith.addi %add3A_196, %add3A_223 : i32
      %lt3A_225 = arith.constant 125 : i32
      %lt3A_226 = arith.cmpi slt, %add3A_224, %lt3A_225 : i32
      %convert_element_type3A_227 = arith.extui %lt3A_226 : i1 to i32
      %cond3A_228 = arith.constant 0 : i32
      %cond3A_229 = arith.cmpi ne, %convert_element_type3A_227, %cond3A_228 : i32
      scf.if %cond3A_229 {
        %add3A_230 = arith.constant 1 : i32
        %add3A_231 = arith.addi %add3A_196, %add3A_230 : i32
        %mul3A_232 = arith.constant 80 : i32
        %mul3A_233 = arith.muli %add3A_231, %mul3A_232 : i32
        %add3A_234 = arith.addi %mul3A_98, %mul3A_233 : i32
        %dma_wait3A_235 = tpu.memref_slice %arg5[%add3A_234] : memref<320000xi32, #tpu.memory_space<hbm>> -> memref<80xi32, #tpu.memory_space<hbm>>
        %dma_wait3A_236 = tpu.memref_slice %arg5[%add3A_234] : memref<320000xi32, #tpu.memory_space<hbm>> -> memref<80xi32, #tpu.memory_space<hbm>>
        tpu.wait_dma2 semaphore(%arg25 : memref<!tpu.dma_semaphore, #tpu.memory_space<semaphore_mem>>) src(%dma_wait3A_236 : memref<80xi32, #tpu.memory_space<hbm>>) dst(%arg15 : memref<80xi32, #tpu.memory_space<vmem>>)
        %dma_wait3A_237 = tpu.memref_slice %arg6[%add3A_234] : memref<320000xi32, #tpu.memory_space<hbm>> -> memref<80xi32, #tpu.memory_space<hbm>>
        %dma_wait3A_238 = tpu.memref_slice %arg6[%add3A_234] : memref<320000xi32, #tpu.memory_space<hbm>> -> memref<80xi32, #tpu.memory_space<hbm>>
        tpu.wait_dma2 semaphore(%arg25 : memref<!tpu.dma_semaphore, #tpu.memory_space<semaphore_mem>>) src(%dma_wait3A_238 : memref<80xi32, #tpu.memory_space<hbm>>) dst(%arg17 : memref<80xi32, #tpu.memory_space<vmem>>)
        %add3A_239 = arith.constant 1 : i32
        %add3A_240 = arith.addi %add3A_196, %add3A_239 : i32
        %mul3A_241 = arith.constant 80 : i32
        %mul3A_242 = arith.muli %add3A_240, %mul3A_241 : i32
        %add3A_243 = arith.addi %mul3A_98, %mul3A_242 : i32
        %dma_start3A_244 = arith.constant 0 : i32
        %dma_start3A_245 = arith.constant 0 : i32
        %dma_start3A_246 = tpu.memref_slice %arg2[%dma_start3A_244, %dma_start3A_245] : memref<10000x128xf32, #tpu.memory_space<hbm>> -> memref<10000x128xf32, #tpu.memory_space<hbm>>
        tpu.enqueue_indirect_dma source(%dma_start3A_246 : memref<10000x128xf32, #tpu.memory_space<hbm>>) target(%arg9 : memref<80x128xf32, #tpu.memory_space<vmem>>) offsets(%arg15 : memref<80xi32, #tpu.memory_space<vmem>>) semaphore(%arg23 : memref<!tpu.dma_semaphore, #tpu.memory_space<semaphore_mem>>)
        %dma_start3A_247 = arith.constant 0 : i32
        %dma_start3A_248 = tpu.memref_slice %arg3[%add3A_243, %dma_start3A_247] : memref<320000x128xf32, #tpu.memory_space<hbm>> -> memref<80x128xf32, #tpu.memory_space<hbm>>
        %dma_start3A_249 = arith.constant 0 : i32
        %dma_start3A_250 = tpu.memref_slice %arg3[%add3A_243, %dma_start3A_249] : memref<320000x128xf32, #tpu.memory_space<hbm>> -> memref<80x128xf32, #tpu.memory_space<hbm>>
        tpu.enqueue_dma source(%dma_start3A_250 : memref<80x128xf32, #tpu.memory_space<hbm>>) target(%arg11 : memref<80x128xf32, #tpu.memory_space<vmem>>) target_semaphore(%arg23 : memref<!tpu.dma_semaphore, #tpu.memory_space<semaphore_mem>>)
        %dma_start3A_251 = tpu.memref_slice %arg4[%add3A_243] : memref<320000xf32, #tpu.memory_space<hbm>> -> memref<80xf32, #tpu.memory_space<hbm>>
        %dma_start3A_252 = tpu.memref_slice %arg4[%add3A_243] : memref<320000xf32, #tpu.memory_space<hbm>> -> memref<80xf32, #tpu.memory_space<hbm>>
        tpu.enqueue_dma source(%dma_start3A_252 : memref<80xf32, #tpu.memory_space<hbm>>) target(%arg13 : memref<80xf32, #tpu.memory_space<vmem>>) target_semaphore(%arg23 : memref<!tpu.dma_semaphore, #tpu.memory_space<semaphore_mem>>)
      } else {
      }
    }
    %scan3A_130 = arith.constant 62 : i32
    %add3A_131 = arith.constant 9920 : i32
    %add3A_132 = arith.addi %mul3A_98, %add3A_131 : i32
    %dma_wait3A_133 = arith.constant 0 : i32
    %dma_wait3A_134 = arith.constant 0 : i32
    %dma_wait3A_135 = tpu.memref_slice %arg2[%dma_wait3A_133, %dma_wait3A_134] : memref<10000x128xf32, #tpu.memory_space<hbm>> -> memref<10000x128xf32, #tpu.memory_space<hbm>>
    tpu.wait_indirect_dma semaphore(%arg23 : memref<!tpu.dma_semaphore, #tpu.memory_space<semaphore_mem>>) src(%dma_wait3A_135 : memref<10000x128xf32, #tpu.memory_space<hbm>>) dst(%arg9 : memref<80x128xf32, #tpu.memory_space<vmem>>)
    %dma_wait3A_136 = arith.constant 0 : i32
    %dma_wait3A_137 = tpu.memref_slice %arg3[%add3A_132, %dma_wait3A_136] : memref<320000x128xf32, #tpu.memory_space<hbm>> -> memref<80x128xf32, #tpu.memory_space<hbm>>
    %dma_wait3A_138 = arith.constant 0 : i32
    %dma_wait3A_139 = tpu.memref_slice %arg3[%add3A_132, %dma_wait3A_138] : memref<320000x128xf32, #tpu.memory_space<hbm>> -> memref<80x128xf32, #tpu.memory_space<hbm>>
    tpu.wait_dma2 semaphore(%arg23 : memref<!tpu.dma_semaphore, #tpu.memory_space<semaphore_mem>>) src(%dma_wait3A_139 : memref<80x128xf32, #tpu.memory_space<hbm>>) dst(%arg11 : memref<80x128xf32, #tpu.memory_space<vmem>>)
    %dma_wait3A_140 = tpu.memref_slice %arg4[%add3A_132] : memref<320000xf32, #tpu.memory_space<hbm>> -> memref<80xf32, #tpu.memory_space<hbm>>
    %dma_wait3A_141 = tpu.memref_slice %arg4[%add3A_132] : memref<320000xf32, #tpu.memory_space<hbm>> -> memref<80xf32, #tpu.memory_space<hbm>>
    tpu.wait_dma2 semaphore(%arg23 : memref<!tpu.dma_semaphore, #tpu.memory_space<semaphore_mem>>) src(%dma_wait3A_141 : memref<80xf32, #tpu.memory_space<hbm>>) dst(%arg13 : memref<80xf32, #tpu.memory_space<vmem>>)
    %scan3A_142 = arith.constant 0 : i32
    %scan3A_143 = arith.constant 0 : i32
    %scan3A_144 = arith.constant 80 : i32
    %scan3A_145 = arith.addi %scan3A_143, %scan3A_144 : i32
    %scan3A_146 = arith.constant 1 : i32
    %scan3A_147 = scf.for %scan3A_158 = %scan3A_143 to %scan3A_145 step %scan3A_146 iter_args(%scan3A_159 = %scan3A_142) -> (i32)  : i32 {
      %get3A = arith.index_cast %scan3A_158 : i32 to index
      %get3A_160 = arith.constant 0 : index
      %get3A_161 = tpu.vector_load %arg11[%get3A, %get3A_160] {strides = array<i32>} : memref<80x128xf32, #tpu.memory_space<vmem>>, vector<1x16xf32>,
      %get3A_162 = vector.shape_cast %get3A_161 : vector<1x16xf32> to vector<16xf32>
      %get3A_163 = arith.index_cast %scan3A_158 : i32 to index
      %get3A_164 = arith.constant 0 : index
      %get3A_165 = tpu.vector_load %arg9[%get3A_163, %get3A_164] {strides = array<i32>} : memref<80x128xf32, #tpu.memory_space<vmem>>, vector<1x16xf32>,
      %get3A_166 = vector.shape_cast %get3A_165 : vector<1x16xf32> to vector<16xf32>
      %mul3A_167 = arith.mulf %get3A_162, %get3A_166 : vector<16xf32>
      %swap3A = arith.index_cast %scan3A_158 : i32 to index
      %swap3A_168 = arith.constant 0 : index
      %swap3A_169 = tpu.vector_load %arg11[%swap3A, %swap3A_168] {strides = array<i32>} : memref<80x128xf32, #tpu.memory_space<vmem>>, vector<1x16xf32>,
      %swap3A_170 = vector.shape_cast %swap3A_169 : vector<1x16xf32> to vector<16xf32>
      %swap3A_171 = vector.shape_cast %mul3A_167 : vector<16xf32> to vector<1x16xf32>
      tpu.vector_store %arg11[%swap3A, %swap3A_168], %swap3A_171 {strides = array<i32>} : memref<80x128xf32, #tpu.memory_space<vmem>>, vector<1x16xf32>,
      %get3A_172 = arith.index_cast %scan3A_158 : i32 to index
      %get3A_173 = arith.constant 16 : index
      %get3A_174 = tpu.vector_load %arg11[%get3A_172, %get3A_173] {strides = array<i32>} : memref<80x128xf32, #tpu.memory_space<vmem>>, vector<1x16xf32>,
      %get3A_175 = vector.shape_cast %get3A_174 : vector<1x16xf32> to vector<16xf32>
      %get3A_176 = arith.index_cast %scan3A_158 : i32 to index
      %get3A_177 = arith.constant 16 : index
      %get3A_178 = tpu.vector_load %arg9[%get3A_176, %get3A_177] {strides = array<i32>} : memref<80x128xf32, #tpu.memory_space<vmem>>, vector<1x16xf32>,
      %get3A_179 = vector.shape_cast %get3A_178 : vector<1x16xf32> to vector<16xf32>
      %mul3A_180 = arith.mulf %get3A_175, %get3A_179 : vector<16xf32>
      %swap3A_181 = arith.index_cast %scan3A_158 : i32 to index
      %swap3A_182 = arith.constant 16 : index
      %swap3A_183 = tpu.vector_load %arg11[%swap3A_181, %swap3A_182] {strides = array<i32>} : memref<80x128xf32, #tpu.memory_space<vmem>>, vector<1x16xf32>,
      %swap3A_184 = vector.shape_cast %swap3A_183 : vector<1x16xf32> to vector<16xf32>
      %swap3A_185 = vector.shape_cast %mul3A_180 : vector<16xf32> to vector<1x16xf32>
      tpu.vector_store %arg11[%swap3A_181, %swap3A_182], %swap3A_185 {strides = array<i32>} : memref<80x128xf32, #tpu.memory_space<vmem>>, vector<1x16xf32>,
      %get3A_186 = arith.index_cast %scan3A_158 : i32 to index
      %get3A_187 = arith.constant 32 : index
      %get3A_188 = tpu.vector_load %arg11[%get3A_186, %get3A_187] {strides = array<i32>} : memref<80x128xf32, #tpu.memory_space<vmem>>, vector<1x16xf32>,
      %get3A_189 = vector.shape_cast %get3A_188 : vector<1x16xf32> to vector<16xf32>
      %get3A_190 = arith.index_cast %scan3A_158 : i32 to index
      %get3A_191 = arith.constant 32 : index
      %get3A_192 = tpu.vector_load %arg9[%get3A_190, %get3A_191] {strides = array<i32>} : memref<80x128xf32, #tpu.memory_space<vmem>>, vector<1x16xf32>,
      %get3A_193 = vector.shape_cast %get3A_192 : vector<1x16xf32> to vector<16xf32>
      %mul3A_194 = arith.mulf %get3A_189, %get3A_193 : vector<16xf32>
      %swap3A_195 = arith.index_cast %scan3A_158 : i32 to index
      %swap3A_196 = arith.constant 32 : index
      %swap3A_197 = tpu.vector_load %arg11[%swap3A_195, %swap3A_196] {strides = array<i32>} : memref<80x128xf32, #tpu.memory_space<vmem>>, vector<1x16xf32>,
      %swap3A_198 = vector.shape_cast %swap3A_197 : vector<1x16xf32> to vector<16xf32>
      %swap3A_199 = vector.shape_cast %mul3A_194 : vector<16xf32> to vector<1x16xf32>
      tpu.vector_store %arg11[%swap3A_195, %swap3A_196], %swap3A_199 {strides = array<i32>} : memref<80x128xf32, #tpu.memory_space<vmem>>, vector<1x16xf32>,
      %get3A_200 = arith.index_cast %scan3A_158 : i32 to index
      %get3A_201 = arith.constant 48 : index
      %get3A_202 = tpu.vector_load %arg11[%get3A_200, %get3A_201] {strides = array<i32>} : memref<80x128xf32, #tpu.memory_space<vmem>>, vector<1x16xf32>,
      %get3A_203 = vector.shape_cast %get3A_202 : vector<1x16xf32> to vector<16xf32>
      %get3A_204 = arith.index_cast %scan3A_158 : i32 to index
      %get3A_205 = arith.constant 48 : index
      %get3A_206 = tpu.vector_load %arg9[%get3A_204, %get3A_205] {strides = array<i32>} : memref<80x128xf32, #tpu.memory_space<vmem>>, vector<1x16xf32>,
      %get3A_207 = vector.shape_cast %get3A_206 : vector<1x16xf32> to vector<16xf32>
      %mul3A_208 = arith.mulf %get3A_203, %get3A_207 : vector<16xf32>
      %swap3A_209 = arith.index_cast %scan3A_158 : i32 to index
      %swap3A_210 = arith.constant 48 : index
      %swap3A_211 = tpu.vector_load %arg11[%swap3A_209, %swap3A_210] {strides = array<i32>} : memref<80x128xf32, #tpu.memory_space<vmem>>, vector<1x16xf32>,
      %swap3A_212 = vector.shape_cast %swap3A_211 : vector<1x16xf32> to vector<16xf32>
      %swap3A_213 = vector.shape_cast %mul3A_208 : vector<16xf32> to vector<1x16xf32>
      tpu.vector_store %arg11[%swap3A_209, %swap3A_210], %swap3A_213 {strides = array<i32>} : memref<80x128xf32, #tpu.memory_space<vmem>>, vector<1x16xf32>,
      %get3A_214 = arith.index_cast %scan3A_158 : i32 to index
      %get3A_215 = arith.constant 64 : index
      %get3A_216 = tpu.vector_load %arg11[%get3A_214, %get3A_215] {strides = array<i32>} : memref<80x128xf32, #tpu.memory_space<vmem>>, vector<1x16xf32>,
      %get3A_217 = vector.shape_cast %get3A_216 : vector<1x16xf32> to vector<16xf32>
      %get3A_218 = arith.index_cast %scan3A_158 : i32 to index
      %get3A_219 = arith.constant 64 : index
      %get3A_220 = tpu.vector_load %arg9[%get3A_218, %get3A_219] {strides = array<i32>} : memref<80x128xf32, #tpu.memory_space<vmem>>, vector<1x16xf32>,
      %get3A_221 = vector.shape_cast %get3A_220 : vector<1x16xf32> to vector<16xf32>
      %mul3A_222 = arith.mulf %get3A_217, %get3A_221 : vector<16xf32>
      %swap3A_223 = arith.index_cast %scan3A_158 : i32 to index
      %swap3A_224 = arith.constant 64 : index
      %swap3A_225 = tpu.vector_load %arg11[%swap3A_223, %swap3A_224] {strides = array<i32>} : memref<80x128xf32, #tpu.memory_space<vmem>>, vector<1x16xf32>,
      %swap3A_226 = vector.shape_cast %swap3A_225 : vector<1x16xf32> to vector<16xf32>
      %swap3A_227 = vector.shape_cast %mul3A_222 : vector<16xf32> to vector<1x16xf32>
      tpu.vector_store %arg11[%swap3A_223, %swap3A_224], %swap3A_227 {strides = array<i32>} : memref<80x128xf32, #tpu.memory_space<vmem>>, vector<1x16xf32>,
      %get3A_228 = arith.index_cast %scan3A_158 : i32 to index
      %get3A_229 = arith.constant 80 : index
      %get3A_230 = tpu.vector_load %arg11[%get3A_228, %get3A_229] {strides = array<i32>} : memref<80x128xf32, #tpu.memory_space<vmem>>, vector<1x16xf32>,
      %get3A_231 = vector.shape_cast %get3A_230 : vector<1x16xf32> to vector<16xf32>
      %get3A_232 = arith.index_cast %scan3A_158 : i32 to index
      %get3A_233 = arith.constant 80 : index
      %get3A_234 = tpu.vector_load %arg9[%get3A_232, %get3A_233] {strides = array<i32>} : memref<80x128xf32, #tpu.memory_space<vmem>>, vector<1x16xf32>,
      %get3A_235 = vector.shape_cast %get3A_234 : vector<1x16xf32> to vector<16xf32>
      %mul3A_236 = arith.mulf %get3A_231, %get3A_235 : vector<16xf32>
      %swap3A_237 = arith.index_cast %scan3A_158 : i32 to index
      %swap3A_238 = arith.constant 80 : index
      %swap3A_239 = tpu.vector_load %arg11[%swap3A_237, %swap3A_238] {strides = array<i32>} : memref<80x128xf32, #tpu.memory_space<vmem>>, vector<1x16xf32>,
      %swap3A_240 = vector.shape_cast %swap3A_239 : vector<1x16xf32> to vector<16xf32>
      %swap3A_241 = vector.shape_cast %mul3A_236 : vector<16xf32> to vector<1x16xf32>
      tpu.vector_store %arg11[%swap3A_237, %swap3A_238], %swap3A_241 {strides = array<i32>} : memref<80x128xf32, #tpu.memory_space<vmem>>, vector<1x16xf32>,
      %get3A_242 = arith.index_cast %scan3A_158 : i32 to index
      %get3A_243 = arith.constant 96 : index
      %get3A_244 = tpu.vector_load %arg11[%get3A_242, %get3A_243] {strides = array<i32>} : memref<80x128xf32, #tpu.memory_space<vmem>>, vector<1x16xf32>,
      %get3A_245 = vector.shape_cast %get3A_244 : vector<1x16xf32> to vector<16xf32>
      %get3A_246 = arith.index_cast %scan3A_158 : i32 to index
      %get3A_247 = arith.constant 96 : index
      %get3A_248 = tpu.vector_load %arg9[%get3A_246, %get3A_247] {strides = array<i32>} : memref<80x128xf32, #tpu.memory_space<vmem>>, vector<1x16xf32>,
      %get3A_249 = vector.shape_cast %get3A_248 : vector<1x16xf32> to vector<16xf32>
      %mul3A_250 = arith.mulf %get3A_245, %get3A_249 : vector<16xf32>
      %swap3A_251 = arith.index_cast %scan3A_158 : i32 to index
      %swap3A_252 = arith.constant 96 : index
      %swap3A_253 = tpu.vector_load %arg11[%swap3A_251, %swap3A_252] {strides = array<i32>} : memref<80x128xf32, #tpu.memory_space<vmem>>, vector<1x16xf32>,
      %swap3A_254 = vector.shape_cast %swap3A_253 : vector<1x16xf32> to vector<16xf32>
      %swap3A_255 = vector.shape_cast %mul3A_250 : vector<16xf32> to vector<1x16xf32>
      tpu.vector_store %arg11[%swap3A_251, %swap3A_252], %swap3A_255 {strides = array<i32>} : memref<80x128xf32, #tpu.memory_space<vmem>>, vector<1x16xf32>,
      %get3A_256 = arith.index_cast %scan3A_158 : i32 to index
      %get3A_257 = arith.constant 112 : index
      %get3A_258 = tpu.vector_load %arg11[%get3A_256, %get3A_257] {strides = array<i32>} : memref<80x128xf32, #tpu.memory_space<vmem>>, vector<1x16xf32>,
      %get3A_259 = vector.shape_cast %get3A_258 : vector<1x16xf32> to vector<16xf32>
      %get3A_260 = arith.index_cast %scan3A_158 : i32 to index
      %get3A_261 = arith.constant 112 : index
      %get3A_262 = tpu.vector_load %arg9[%get3A_260, %get3A_261] {strides = array<i32>} : memref<80x128xf32, #tpu.memory_space<vmem>>, vector<1x16xf32>,
      %get3A_263 = vector.shape_cast %get3A_262 : vector<1x16xf32> to vector<16xf32>
      %mul3A_264 = arith.mulf %get3A_259, %get3A_263 : vector<16xf32>
      %swap3A_265 = arith.index_cast %scan3A_158 : i32 to index
      %swap3A_266 = arith.constant 112 : index
      %swap3A_267 = tpu.vector_load %arg11[%swap3A_265, %swap3A_266] {strides = array<i32>} : memref<80x128xf32, #tpu.memory_space<vmem>>, vector<1x16xf32>,
      %swap3A_268 = vector.shape_cast %swap3A_267 : vector<1x16xf32> to vector<16xf32>
      %swap3A_269 = vector.shape_cast %mul3A_264 : vector<16xf32> to vector<1x16xf32>
      tpu.vector_store %arg11[%swap3A_265, %swap3A_266], %swap3A_269 {strides = array<i32>} : memref<80x128xf32, #tpu.memory_space<vmem>>, vector<1x16xf32>,
      %scan3A_270 = arith.constant 0 : i32
      scf.yield %scan3A_270 : i32
    }
    %scan3A_148 = arith.constant 80 : i32
    "tpu.region"() ({
      %run_scoped3A = tpu.sem_alloc : memref<!tpu.dma_semaphore, #tpu.memory_space<semaphore_mem>>
      %dma_start3A_158 = arith.constant 0 : i32
      %dma_start3A_159 = arith.constant 0 : i32
      %dma_start3A_160 = tpu.memref_slice %arg21[%dma_start3A_158, %dma_start3A_159] : memref<10000x128xf32, #tpu.memory_space<vmem_shared>> -> memref<10000x128xf32, #tpu.memory_space<vmem_shared>>
      tpu.enqueue_indirect_dma source(%arg11 : memref<80x128xf32, #tpu.memory_space<vmem>>) target(%dma_start3A_160 : memref<10000x128xf32, #tpu.memory_space<vmem_shared>>) offsets(%arg17 : memref<80xi32, #tpu.memory_space<vmem>>) semaphore(%run_scoped3A : memref<!tpu.dma_semaphore, #tpu.memory_space<semaphore_mem>>) {add = true}
      %dma_wait3A_161 = arith.constant 0 : i32
      %dma_wait3A_162 = arith.constant 0 : i32
      %dma_wait3A_163 = tpu.memref_slice %arg21[%dma_wait3A_161, %dma_wait3A_162] : memref<10000x128xf32, #tpu.memory_space<vmem_shared>> -> memref<10000x128xf32, #tpu.memory_space<vmem_shared>>
      tpu.wait_indirect_dma semaphore(%run_scoped3A : memref<!tpu.dma_semaphore, #tpu.memory_space<semaphore_mem>>) src(%arg11 : memref<80x128xf32, #tpu.memory_space<vmem>>) dst(%dma_wait3A_163 : memref<10000x128xf32, #tpu.memory_space<vmem_shared>>)
      tpu.yield
    }) : () -> ()
    "tpu.region"() ({
      %run_scoped3A = tpu.sem_alloc : memref<!tpu.dma_semaphore, #tpu.memory_space<semaphore_mem>>
      %dma_start3A_158 = arith.constant 0 : i32
      %dma_start3A_159 = tpu.memref_slice %arg22[%dma_start3A_158] : memref<10000xf32, #tpu.memory_space<vmem_shared>> -> memref<10000xf32, #tpu.memory_space<vmem_shared>>
      tpu.enqueue_indirect_dma source(%arg13 : memref<80xf32, #tpu.memory_space<vmem>>) target(%dma_start3A_159 : memref<10000xf32, #tpu.memory_space<vmem_shared>>) offsets(%arg17 : memref<80xi32, #tpu.memory_space<vmem>>) semaphore(%run_scoped3A : memref<!tpu.dma_semaphore, #tpu.memory_space<semaphore_mem>>) {add = true}
      %dma_wait3A_160 = arith.constant 0 : i32
      %dma_wait3A_161 = tpu.memref_slice %arg22[%dma_wait3A_160] : memref<10000xf32, #tpu.memory_space<vmem_shared>> -> memref<10000xf32, #tpu.memory_space<vmem_shared>>
      tpu.wait_indirect_dma semaphore(%run_scoped3A : memref<!tpu.dma_semaphore, #tpu.memory_space<semaphore_mem>>) src(%arg13 : memref<80xf32, #tpu.memory_space<vmem>>) dst(%dma_wait3A_161 : memref<10000xf32, #tpu.memory_space<vmem_shared>>)
      tpu.yield
    }) : () -> ()
    %barrier3A_149 = arith.constant 0 : index
    tpu.barrier barrier_id(%barrier3A_149)
    "tpu.region"() ({
      %run_scoped3A = tpu.sem_alloc : memref<!tpu.dma_semaphore, #tpu.memory_space<semaphore_mem>>
      %dma_start3A_158 = arith.constant 0 : i32
      %dma_start3A_159 = tpu.memref_slice %arg7[%arg0, %mul3A_16, %dma_start3A_158] : memref<2x10000x128xf32, #tpu.memory_space<hbm>> -> memref<1x624x128xf32, #tpu.memory_space<hbm>>
      %dma_start3A_160 = tpu.memref_squeeze %dma_start3A_159 : memref<1x624x128xf32, #tpu.memory_space<hbm>> -> memref<624x128xf32, #tpu.memory_space<hbm>>
      %dma_start3A_161 = arith.constant 0 : i32
      %dma_start3A_162 = tpu.memref_slice %arg21[%mul3A_16, %dma_start3A_161] : memref<10000x128xf32, #tpu.memory_space<vmem_shared>> -> memref<624x128xf32, #tpu.memory_space<vmem_shared>>
      tpu.enqueue_dma source(%dma_start3A_162 : memref<624x128xf32, #tpu.memory_space<vmem_shared>>) target(%dma_start3A_160 : memref<624x128xf32, #tpu.memory_space<hbm>>) target_semaphore(%run_scoped3A : memref<!tpu.dma_semaphore, #tpu.memory_space<semaphore_mem>>)
      %dma_wait3A_163 = arith.constant 0 : i32
      %dma_wait3A_164 = tpu.memref_slice %arg7[%arg0, %mul3A_16, %dma_wait3A_163] : memref<2x10000x128xf32, #tpu.memory_space<hbm>> -> memref<1x624x128xf32, #tpu.memory_space<hbm>>
      %dma_wait3A_165 = tpu.memref_squeeze %dma_wait3A_164 : memref<1x624x128xf32, #tpu.memory_space<hbm>> -> memref<624x128xf32, #tpu.memory_space<hbm>>
      %dma_wait3A_166 = arith.constant 0 : i32
      %dma_wait3A_167 = tpu.memref_slice %arg21[%mul3A_16, %dma_wait3A_166] : memref<10000x128xf32, #tpu.memory_space<vmem_shared>> -> memref<624x128xf32, #tpu.memory_space<vmem_shared>>
      tpu.wait_dma2 semaphore(%run_scoped3A : memref<!tpu.dma_semaphore, #tpu.memory_space<semaphore_mem>>) src(%dma_wait3A_167 : memref<624x128xf32, #tpu.memory_space<vmem_shared>>) dst(%dma_wait3A_165 : memref<624x128xf32, #tpu.memory_space<hbm>>)
      tpu.yield
    }) : () -> ()
    "tpu.region"() ({
      %run_scoped3A = tpu.sem_alloc : memref<!tpu.dma_semaphore, #tpu.memory_space<semaphore_mem>>
      %dma_start3A_158 = tpu.memref_slice %arg22[%mul3A_16] : memref<10000xf32, #tpu.memory_space<vmem_shared>> -> memref<624xf32, #tpu.memory_space<vmem_shared>>
      %dma_start3A_159 = tpu.memref_slice %arg22[%mul3A_16] : memref<10000xf32, #tpu.memory_space<vmem_shared>> -> memref<624xf32, #tpu.memory_space<vmem_shared>>
      tpu.enqueue_dma source(%dma_start3A_159 : memref<624xf32, #tpu.memory_space<vmem_shared>>) target(%arg20 : memref<624xf32, #tpu.memory_space<vmem>>) target_semaphore(%run_scoped3A : memref<!tpu.dma_semaphore, #tpu.memory_space<semaphore_mem>>)
      %dma_wait3A_160 = tpu.memref_slice %arg22[%mul3A_16] : memref<10000xf32, #tpu.memory_space<vmem_shared>> -> memref<624xf32, #tpu.memory_space<vmem_shared>>
      %dma_wait3A_161 = tpu.memref_slice %arg22[%mul3A_16] : memref<10000xf32, #tpu.memory_space<vmem_shared>> -> memref<624xf32, #tpu.memory_space<vmem_shared>>
      tpu.wait_dma2 semaphore(%run_scoped3A : memref<!tpu.dma_semaphore, #tpu.memory_space<semaphore_mem>>) src(%dma_wait3A_161 : memref<624xf32, #tpu.memory_space<vmem_shared>>) dst(%arg20 : memref<624xf32, #tpu.memory_space<vmem>>)
      tpu.yield
    }) : () -> ()
    %mul3A_150 = arith.constant 10000 : i32
    %mul3A_151 = arith.muli %arg0, %mul3A_150 : i32
    %add3A_152 = arith.addi %mul3A_151, %mul3A_16 : i32
    "tpu.region"() ({
      %run_scoped3A = tpu.sem_alloc : memref<!tpu.dma_semaphore, #tpu.memory_space<semaphore_mem>>
      %dma_start3A_158 = tpu.memref_slice %arg8[%add3A_152] : memref<20000xf32, #tpu.memory_space<hbm>> -> memref<624xf32, #tpu.memory_space<hbm>>
      %dma_start3A_159 = tpu.memref_slice %arg8[%add3A_152] : memref<20000xf32, #tpu.memory_space<hbm>> -> memref<624xf32, #tpu.memory_space<hbm>>
      tpu.enqueue_dma source(%arg20 : memref<624xf32, #tpu.memory_space<vmem>>) target(%dma_start3A_159 : memref<624xf32, #tpu.memory_space<hbm>>) target_semaphore(%run_scoped3A : memref<!tpu.dma_semaphore, #tpu.memory_space<semaphore_mem>>)
      %dma_wait3A_160 = tpu.memref_slice %arg8[%add3A_152] : memref<20000xf32, #tpu.memory_space<hbm>> -> memref<624xf32, #tpu.memory_space<hbm>>
      %dma_wait3A_161 = tpu.memref_slice %arg8[%add3A_152] : memref<20000xf32, #tpu.memory_space<hbm>> -> memref<624xf32, #tpu.memory_space<hbm>>
      tpu.wait_dma2 semaphore(%run_scoped3A : memref<!tpu.dma_semaphore, #tpu.memory_space<semaphore_mem>>) src(%arg20 : memref<624xf32, #tpu.memory_space<vmem>>) dst(%dma_wait3A_161 : memref<624xf32, #tpu.memory_space<hbm>>)
      tpu.yield
    }) : () -> ()
    %eq3A_153 = arith.constant 15 : i32
    %eq3A_154 = arith.cmpi eq, %arg1, %eq3A_153 : i32
    %convert_element_type3A_155 = arith.extui %eq3A_154 : i1 to i32
    %cond3A_156 = arith.constant 0 : i32
    %cond3A_157 = arith.cmpi ne, %convert_element_type3A_155, %cond3A_156 : i32
    scf.if %cond3A_157 {
      "tpu.region"() ({
        %run_scoped3A = tpu.sem_alloc : memref<!tpu.dma_semaphore, #tpu.memory_space<semaphore_mem>>
        %dma_start3A_162 = arith.constant 9984 : i32
        %dma_start3A_163 = arith.constant 0 : i32
        %dma_start3A_164 = tpu.memref_slice %arg7[%arg0, %dma_start3A_162, %dma_start3A_163] : memref<2x10000x128xf32, #tpu.memory_space<hbm>> -> memref<1x16x128xf32, #tpu.memory_space<hbm>>
        %dma_start3A_165 = tpu.memref_squeeze %dma_start3A_164 : memref<1x16x128xf32, #tpu.memory_space<hbm>> -> memref<16x128xf32, #tpu.memory_space<hbm>>
        %dma_start3A_166 = arith.constant 9984 : i32
        %dma_start3A_167 = arith.constant 0 : i32
        %dma_start3A_168 = tpu.memref_slice %arg21[%dma_start3A_166, %dma_start3A_167] : memref<10000x128xf32, #tpu.memory_space<vmem_shared>> -> memref<16x128xf32, #tpu.memory_space<vmem_shared>>
        tpu.enqueue_dma source(%dma_start3A_168 : memref<16x128xf32, #tpu.memory_space<vmem_shared>>) target(%dma_start3A_165 : memref<16x128xf32, #tpu.memory_space<hbm>>) target_semaphore(%run_scoped3A : memref<!tpu.dma_semaphore, #tpu.memory_space<semaphore_mem>>)
        %dma_wait3A_169 = arith.constant 9984 : i32
        %dma_wait3A_170 = arith.constant 0 : i32
        %dma_wait3A_171 = tpu.memref_slice %arg7[%arg0, %dma_wait3A_169, %dma_wait3A_170] : memref<2x10000x128xf32, #tpu.memory_space<hbm>> -> memref<1x16x128xf32, #tpu.memory_space<hbm>>
        %dma_wait3A_172 = tpu.memref_squeeze %dma_wait3A_171 : memref<1x16x128xf32, #tpu.memory_space<hbm>> -> memref<16x128xf32, #tpu.memory_space<hbm>>
        %dma_wait3A_173 = arith.constant 9984 : i32
        %dma_wait3A_174 = arith.constant 0 : i32
        %dma_wait3A_175 = tpu.memref_slice %arg21[%dma_wait3A_173, %dma_wait3A_174] : memref<10000x128xf32, #tpu.memory_space<vmem_shared>> -> memref<16x128xf32, #tpu.memory_space<vmem_shared>>
        tpu.wait_dma2 semaphore(%run_scoped3A : memref<!tpu.dma_semaphore, #tpu.memory_space<semaphore_mem>>) src(%dma_wait3A_175 : memref<16x128xf32, #tpu.memory_space<vmem_shared>>) dst(%dma_wait3A_172 : memref<16x128xf32, #tpu.memory_space<hbm>>)
        tpu.yield
      }) : () -> ()
      "tpu.region"() ({
        %run_scoped3A = tpu.sem_alloc : memref<!tpu.dma_semaphore, #tpu.memory_space<semaphore_mem>>
        %dma_start3A_162 = arith.constant 0 : i32
        %dma_start3A_163 = tpu.memref_slice %arg20[%dma_start3A_162] : memref<624xf32, #tpu.memory_space<vmem>> -> memref<16xf32, #tpu.memory_space<vmem>>
        %dma_start3A_164 = arith.constant 9984 : i32
        %dma_start3A_165 = tpu.memref_slice %arg22[%dma_start3A_164] : memref<10000xf32, #tpu.memory_space<vmem_shared>> -> memref<16xf32, #tpu.memory_space<vmem_shared>>
        %dma_start3A_166 = arith.constant 0 : i32
        %dma_start3A_167 = tpu.memref_slice %arg20[%dma_start3A_166] : memref<624xf32, #tpu.memory_space<vmem>> -> memref<16xf32, #tpu.memory_space<vmem>>
        %dma_start3A_168 = arith.constant 9984 : i32
        %dma_start3A_169 = tpu.memref_slice %arg22[%dma_start3A_168] : memref<10000xf32, #tpu.memory_space<vmem_shared>> -> memref<16xf32, #tpu.memory_space<vmem_shared>>
        tpu.enqueue_dma source(%dma_start3A_169 : memref<16xf32, #tpu.memory_space<vmem_shared>>) target(%dma_start3A_167 : memref<16xf32, #tpu.memory_space<vmem>>) target_semaphore(%run_scoped3A : memref<!tpu.dma_semaphore, #tpu.memory_space<semaphore_mem>>)
        %dma_wait3A_170 = arith.constant 0 : i32
        %dma_wait3A_171 = tpu.memref_slice %arg20[%dma_wait3A_170] : memref<624xf32, #tpu.memory_space<vmem>> -> memref<16xf32, #tpu.memory_space<vmem>>
        %dma_wait3A_172 = arith.constant 9984 : i32
        %dma_wait3A_173 = tpu.memref_slice %arg22[%dma_wait3A_172] : memref<10000xf32, #tpu.memory_space<vmem_shared>> -> memref<16xf32, #tpu.memory_space<vmem_shared>>
        %dma_wait3A_174 = arith.constant 0 : i32
        %dma_wait3A_175 = tpu.memref_slice %arg20[%dma_wait3A_174] : memref<624xf32, #tpu.memory_space<vmem>> -> memref<16xf32, #tpu.memory_space<vmem>>
        %dma_wait3A_176 = arith.constant 9984 : i32
        %dma_wait3A_177 = tpu.memref_slice %arg22[%dma_wait3A_176] : memref<10000xf32, #tpu.memory_space<vmem_shared>> -> memref<16xf32, #tpu.memory_space<vmem_shared>>
        tpu.wait_dma2 semaphore(%run_scoped3A : memref<!tpu.dma_semaphore, #tpu.memory_space<semaphore_mem>>) src(%dma_wait3A_177 : memref<16xf32, #tpu.memory_space<vmem_shared>>) dst(%dma_wait3A_175 : memref<16xf32, #tpu.memory_space<vmem>>)
        tpu.yield
      }) : () -> ()
      %mul3A_158 = arith.constant 10000 : i32
      %mul3A_159 = arith.muli %arg0, %mul3A_158 : i32
      %add3A_160 = arith.constant 9984 : i32
      %add3A_161 = arith.addi %mul3A_159, %add3A_160 : i32
      "tpu.region"() ({
        %run_scoped3A = tpu.sem_alloc : memref<!tpu.dma_semaphore, #tpu.memory_space<semaphore_mem>>
        %dma_start3A_162 = arith.constant 0 : i32
        %dma_start3A_163 = tpu.memref_slice %arg20[%dma_start3A_162] : memref<624xf32, #tpu.memory_space<vmem>> -> memref<16xf32, #tpu.memory_space<vmem>>
        %dma_start3A_164 = tpu.memref_slice %arg8[%add3A_161] : memref<20000xf32, #tpu.memory_space<hbm>> -> memref<16xf32, #tpu.memory_space<hbm>>
        %dma_start3A_165 = tpu.memref_slice %arg8[%add3A_161] : memref<20000xf32, #tpu.memory_space<hbm>> -> memref<16xf32, #tpu.memory_space<hbm>>
        %dma_start3A_166 = arith.constant 0 : i32
        %dma_start3A_167 = tpu.memref_slice %arg20[%dma_start3A_166] : memref<624xf32, #tpu.memory_space<vmem>> -> memref<16xf32, #tpu.memory_space<vmem>>
        tpu.enqueue_dma source(%dma_start3A_167 : memref<16xf32, #tpu.memory_space<vmem>>) target(%dma_start3A_165 : memref<16xf32, #tpu.memory_space<hbm>>) target_semaphore(%run_scoped3A : memref<!tpu.dma_semaphore, #tpu.memory_space<semaphore_mem>>)
        %dma_wait3A_168 = arith.constant 0 : i32
        %dma_wait3A_169 = tpu.memref_slice %arg20[%dma_wait3A_168] : memref<624xf32, #tpu.memory_space<vmem>> -> memref<16xf32, #tpu.memory_space<vmem>>
        %dma_wait3A_170 = tpu.memref_slice %arg8[%add3A_161] : memref<20000xf32, #tpu.memory_space<hbm>> -> memref<16xf32, #tpu.memory_space<hbm>>
        %dma_wait3A_171 = tpu.memref_slice %arg8[%add3A_161] : memref<20000xf32, #tpu.memory_space<hbm>> -> memref<16xf32, #tpu.memory_space<hbm>>
        %dma_wait3A_172 = arith.constant 0 : i32
        %dma_wait3A_173 = tpu.memref_slice %arg20[%dma_wait3A_172] : memref<624xf32, #tpu.memory_space<vmem>> -> memref<16xf32, #tpu.memory_space<vmem>>
        tpu.wait_dma2 semaphore(%run_scoped3A : memref<!tpu.dma_semaphore, #tpu.memory_space<semaphore_mem>>) src(%dma_wait3A_173 : memref<16xf32, #tpu.memory_space<vmem>>) dst(%dma_wait3A_171 : memref<16xf32, #tpu.memory_space<hbm>>)
        tpu.yield
      }) : () -> ()
    } else {
    }
    return
  }
}

module attributes {stable_mosaic.version = 14 : i64} {
  func.func @_edge_kernel(%arg0: i32, %arg1: memref<8x2560xf32, #tpu.memory_space<vmem>>, %arg2: memref<1x2560xf32, #tpu.memory_space<vmem>>, %arg3: memref<8x64xf32, #tpu.memory_space<vmem>>, %arg4: memref<64x64xf32, #tpu.memory_space<vmem>>, %arg5: memref<64x64xf32, #tpu.memory_space<vmem>>, %arg6: memref<64x128xf32, #tpu.memory_space<vmem>>, %arg7: memref<1x8xf32, #tpu.memory_space<vmem>>, %arg8: memref<2560x128xf32, #tpu.memory_space<vmem>>, %arg9: memref<1x2560xf32, #tpu.memory_space<vmem>>) attributes {dimension_semantics = [#tpu.dimension_semantics<arbitrary>], iteration_bounds = array<i64: 125>, scalar_prefetch = 0 : i64, scratch_operands = 0 : i64, tpu.core_type = #tpu.core_type<tc>, window_params = [{transform_indices = @transform_0, window_bounds = array<i64: 8, 2560>}, {transform_indices = @transform_1, window_bounds = array<i64: 1, 2560>}, {pipeline_mode = #tpu.pipeline_mode<synchronous>, transform_indices = @transform_2, window_bounds = array<i64: 8, 64>}, {pipeline_mode = #tpu.pipeline_mode<synchronous>, transform_indices = @transform_3, window_bounds = array<i64: 64, 64>}, {pipeline_mode = #tpu.pipeline_mode<synchronous>, transform_indices = @transform_4, window_bounds = array<i64: 64, 64>}, {pipeline_mode = #tpu.pipeline_mode<synchronous>, transform_indices = @transform_5, window_bounds = array<i64: 64, 128>}, {pipeline_mode = #tpu.pipeline_mode<synchronous>, transform_indices = @transform_6, window_bounds = array<i64: 1, 8>}, {transform_indices = @transform_7, window_bounds = array<i64: 2560, 128>}, {transform_indices = @transform_8, window_bounds = array<i64: 1, 2560>}]} {
    %get3A = arith.constant 0 : index
    %get3A_0 = arith.constant 0 : index
    %get3A_1 = vector.load %arg1[%get3A, %get3A_0] : memref<8x2560xf32, #tpu.memory_space<vmem>>, vector<8x2560xf32>
    %transpose3A = tpu.transpose %get3A_1, [1, 0] : vector<8x2560xf32> -> vector<2560x8xf32>
    %get3A_2 = arith.constant 0 : index
    %get3A_3 = arith.constant 0 : index
    %get3A_4 = vector.load %arg3[%get3A_2, %get3A_3] : memref<8x64xf32, #tpu.memory_space<vmem>>, vector<8x64xf32>
    %dot_general3A = arith.constant dense<0.000000e+00> : vector<2560x64xf32>
    %dot_general3A_5 = tpu.matmul %transpose3A, %get3A_4, %dot_general3A {dimension_numbers = #tpu.dot_dimension_numbers<[1], [0], [0], [1], [0, 0, 1, 1], [], []>, transpose_lhs_hint = false} : vector<2560x8xf32>, vector<8x64xf32>, vector<2560x64xf32> -> vector<2560x64xf32>
    %mul3A = arith.constant 0.353553385 : f32
    %mul3A_6 = vector.broadcast %mul3A : f32 to vector<2560x64xf32>
    %mul3A_7 = arith.mulf %dot_general3A_5, %mul3A_6 : vector<2560x64xf32>
    %logistic3A = arith.negf %mul3A_7 : vector<2560x64xf32>
    %logistic3A_8 = math.exp %logistic3A : vector<2560x64xf32>
    %logistic3A_9 = arith.constant 1.000000e+00 : f32
    %logistic3A_10 = vector.broadcast %logistic3A_9 : f32 to vector<2560x64xf32>
    %logistic3A_11 = arith.addf %logistic3A_10, %logistic3A_8 : vector<2560x64xf32>
    %logistic3A_12 = arith.divf %logistic3A_10, %logistic3A_11 : vector<2560x64xf32>
    %mul3A_13 = arith.mulf %mul3A_7, %logistic3A_12 : vector<2560x64xf32>
    %get3A_14 = arith.constant 0 : index
    %get3A_15 = arith.constant 0 : index
    %get3A_16 = vector.load %arg4[%get3A_14, %get3A_15] : memref<64x64xf32, #tpu.memory_space<vmem>>, vector<64x64xf32>
    %dot_general3A_17 = arith.constant dense<0.000000e+00> : vector<2560x64xf32>
    %dot_general3A_18 = tpu.matmul %mul3A_13, %get3A_16, %dot_general3A_17 {dimension_numbers = #tpu.dot_dimension_numbers<[1], [0], [0], [1], [0, 0, 1, 1], [], []>, transpose_lhs_hint = false} : vector<2560x64xf32>, vector<64x64xf32>, vector<2560x64xf32> -> vector<2560x64xf32>
    %mul3A_19 = arith.constant 1.250000e-01 : f32
    %mul3A_20 = vector.broadcast %mul3A_19 : f32 to vector<2560x64xf32>
    %mul3A_21 = arith.mulf %dot_general3A_18, %mul3A_20 : vector<2560x64xf32>
    %logistic3A_22 = arith.negf %mul3A_21 : vector<2560x64xf32>
    %logistic3A_23 = math.exp %logistic3A_22 : vector<2560x64xf32>
    %logistic3A_24 = arith.constant 1.000000e+00 : f32
    %logistic3A_25 = vector.broadcast %logistic3A_24 : f32 to vector<2560x64xf32>
    %logistic3A_26 = arith.addf %logistic3A_25, %logistic3A_23 : vector<2560x64xf32>
    %logistic3A_27 = arith.divf %logistic3A_25, %logistic3A_26 : vector<2560x64xf32>
    %mul3A_28 = arith.mulf %mul3A_21, %logistic3A_27 : vector<2560x64xf32>
    %get3A_29 = arith.constant 0 : index
    %get3A_30 = arith.constant 0 : index
    %get3A_31 = vector.load %arg5[%get3A_29, %get3A_30] : memref<64x64xf32, #tpu.memory_space<vmem>>, vector<64x64xf32>
    %dot_general3A_32 = arith.constant dense<0.000000e+00> : vector<2560x64xf32>
    %dot_general3A_33 = tpu.matmul %mul3A_28, %get3A_31, %dot_general3A_32 {dimension_numbers = #tpu.dot_dimension_numbers<[1], [0], [0], [1], [0, 0, 1, 1], [], []>, transpose_lhs_hint = false} : vector<2560x64xf32>, vector<64x64xf32>, vector<2560x64xf32> -> vector<2560x64xf32>
    %mul3A_34 = arith.constant 1.250000e-01 : f32
    %mul3A_35 = vector.broadcast %mul3A_34 : f32 to vector<2560x64xf32>
    %mul3A_36 = arith.mulf %dot_general3A_33, %mul3A_35 : vector<2560x64xf32>
    %logistic3A_37 = arith.negf %mul3A_36 : vector<2560x64xf32>
    %logistic3A_38 = math.exp %logistic3A_37 : vector<2560x64xf32>
    %logistic3A_39 = arith.constant 1.000000e+00 : f32
    %logistic3A_40 = vector.broadcast %logistic3A_39 : f32 to vector<2560x64xf32>
    %logistic3A_41 = arith.addf %logistic3A_40, %logistic3A_38 : vector<2560x64xf32>
    %logistic3A_42 = arith.divf %logistic3A_40, %logistic3A_41 : vector<2560x64xf32>
    %mul3A_43 = arith.mulf %mul3A_36, %logistic3A_42 : vector<2560x64xf32>
    %get3A_44 = arith.constant 0 : index
    %get3A_45 = arith.constant 0 : index
    %get3A_46 = vector.load %arg6[%get3A_44, %get3A_45] : memref<64x128xf32, #tpu.memory_space<vmem>>, vector<64x128xf32>
    %dot_general3A_47 = arith.constant dense<0.000000e+00> : vector<2560x128xf32>
    %dot_general3A_48 = tpu.matmul %mul3A_43, %get3A_46, %dot_general3A_47 {dimension_numbers = #tpu.dot_dimension_numbers<[1], [0], [0], [1], [0, 0, 1, 1], [], []>, transpose_lhs_hint = false} : vector<2560x64xf32>, vector<64x128xf32>, vector<2560x128xf32> -> vector<2560x128xf32>
    %mul3A_49 = arith.constant 1.250000e-01 : f32
    %mul3A_50 = vector.broadcast %mul3A_49 : f32 to vector<2560x128xf32>
    %mul3A_51 = arith.mulf %dot_general3A_48, %mul3A_50 : vector<2560x128xf32>
    %get3A_52 = arith.constant 0 : index
    %get3A_53 = arith.constant 0 : index
    %get3A_54 = vector.load %arg2[%get3A_52, %get3A_53] : memref<1x2560xf32, #tpu.memory_space<vmem>>, vector<1x2560xf32>
    %transpose3A_55 = tpu.transpose %get3A_54, [1, 0] : vector<1x2560xf32> -> vector<2560x1xf32>
    %mul3A_56 = vector.broadcast %transpose3A_55 : vector<2560x1xf32> to vector<2560x128xf32>
    %mul3A_57 = arith.mulf %mul3A_51, %mul3A_56 : vector<2560x128xf32>
    %swap3A = arith.constant 0 : index
    %swap3A_58 = arith.constant 0 : index
    %swap3A_59 = vector.load %arg8[%swap3A, %swap3A_58] : memref<2560x128xf32, #tpu.memory_space<vmem>>, vector<2560x128xf32>
    tpu.vector_store %arg8[%swap3A, %swap3A_58], %mul3A_57 {strides = array<i32>} : memref<2560x128xf32, #tpu.memory_space<vmem>>, vector<2560x128xf32>,
    %get3A_60 = arith.constant 0 : index
    %get3A_61 = arith.constant 0 : index
    %get3A_62 = vector.load %arg7[%get3A_60, %get3A_61] : memref<1x8xf32, #tpu.memory_space<vmem>>, vector<1x8xf32>
    %dot_general3A_63 = arith.constant dense<0.000000e+00> : vector<1x2560xf32>
    %dot_general3A_64 = tpu.matmul %get3A_62, %get3A_1, %dot_general3A_63 {dimension_numbers = #tpu.dot_dimension_numbers<[1], [0], [0], [1], [0, 0, 1, 1], [], []>, transpose_lhs_hint = false} : vector<1x8xf32>, vector<8x2560xf32>, vector<1x2560xf32> -> vector<1x2560xf32>
    %mul3A_65 = arith.constant 0.353553385 : f32
    %mul3A_66 = vector.broadcast %mul3A_65 : f32 to vector<1x2560xf32>
    %mul3A_67 = arith.mulf %dot_general3A_64, %mul3A_66 : vector<1x2560xf32>
    %integer_pow3A = arith.mulf %mul3A_67, %mul3A_67 : vector<1x2560xf32>
    %tanh3A = math.tanh %integer_pow3A : vector<1x2560xf32>
    %swap3A_68 = arith.constant 0 : index
    %swap3A_69 = arith.constant 0 : index
    %swap3A_70 = vector.load %arg9[%swap3A_68, %swap3A_69] : memref<1x2560xf32, #tpu.memory_space<vmem>>, vector<1x2560xf32>
    tpu.vector_store %arg9[%swap3A_68, %swap3A_69], %tanh3A {strides = array<i32>} : memref<1x2560xf32, #tpu.memory_space<vmem>>, vector<1x2560xf32>,
    return
  }
  func.func @transform_0(%arg0: i32) -> (i32, i32) {
    %c0_i32 = arith.constant 0 : i32
    %c0_i32_0 = arith.constant 0 : i32
    return %c0_i32, %arg0 : i32, i32
  }
  func.func @transform_1(%arg0: i32) -> (i32, i32) {
    %c0_i32 = arith.constant 0 : i32
    %c0_i32_0 = arith.constant 0 : i32
    return %c0_i32, %arg0 : i32, i32
  }
  func.func @transform_2(%arg0: i32) -> (i32, i32) {
    %c0_i32 = arith.constant 0 : i32
    %c0_i32_0 = arith.constant 0 : i32
    %c0_i32_1 = arith.constant 0 : i32
    return %c0_i32, %c0_i32_0 : i32, i32
  }
  func.func @transform_3(%arg0: i32) -> (i32, i32) {
    %c0_i32 = arith.constant 0 : i32
    %c0_i32_0 = arith.constant 0 : i32
    %c0_i32_1 = arith.constant 0 : i32
    return %c0_i32, %c0_i32_0 : i32, i32
  }
  func.func @transform_4(%arg0: i32) -> (i32, i32) {
    %c0_i32 = arith.constant 0 : i32
    %c0_i32_0 = arith.constant 0 : i32
    %c0_i32_1 = arith.constant 0 : i32
    return %c0_i32, %c0_i32_0 : i32, i32
  }
  func.func @transform_5(%arg0: i32) -> (i32, i32) {
    %c0_i32 = arith.constant 0 : i32
    %c0_i32_0 = arith.constant 0 : i32
    %c0_i32_1 = arith.constant 0 : i32
    return %c0_i32, %c0_i32_0 : i32, i32
  }
  func.func @transform_6(%arg0: i32) -> (i32, i32) {
    %c0_i32 = arith.constant 0 : i32
    %c0_i32_0 = arith.constant 0 : i32
    %c0_i32_1 = arith.constant 0 : i32
    return %c0_i32, %c0_i32_0 : i32, i32
  }
  func.func @transform_7(%arg0: i32) -> (i32, i32) {
    %c0_i32 = arith.constant 0 : i32
    %c0_i32_0 = arith.constant 0 : i32
    return %arg0, %c0_i32 : i32, i32
  }
  func.func @transform_8(%arg0: i32) -> (i32, i32) {
    %c0_i32 = arith.constant 0 : i32
    %c0_i32_0 = arith.constant 0 : i32
    return %c0_i32, %arg0 : i32, i32
  }
}

module attributes {stable_mosaic.version = 14 : i64} {
  func.func @_up_kernel(%arg0: i32, %arg1: memref<1000x128xf32, #tpu.memory_space<vmem>>, %arg2: memref<128x128xf32, #tpu.memory_space<vmem>>, %arg3: memref<1000x128xf32, #tpu.memory_space<vmem>>) attributes {dimension_semantics = [#tpu.dimension_semantics<arbitrary>], iteration_bounds = array<i64: 10>, scalar_prefetch = 0 : i64, scratch_operands = 0 : i64, tpu.core_type = #tpu.core_type<tc>, window_params = [{transform_indices = @transform_0, window_bounds = array<i64: 1000, 128>}, {pipeline_mode = #tpu.pipeline_mode<synchronous>, transform_indices = @transform_1, window_bounds = array<i64: 128, 128>}, {transform_indices = @transform_2, window_bounds = array<i64: 1000, 128>}]} {
    %get3A = arith.constant 0 : index
    %get3A_0 = arith.constant 0 : index
    %get3A_1 = vector.load %arg1[%get3A, %get3A_0] : memref<1000x128xf32, #tpu.memory_space<vmem>>, vector<1000x128xf32>
    %get3A_2 = arith.constant 0 : index
    %get3A_3 = arith.constant 0 : index
    %get3A_4 = vector.load %arg2[%get3A_2, %get3A_3] : memref<128x128xf32, #tpu.memory_space<vmem>>, vector<128x128xf32>
    %dot_general3A = arith.constant dense<0.000000e+00> : vector<1000x128xf32>
    %dot_general3A_5 = tpu.matmul %get3A_1, %get3A_4, %dot_general3A {dimension_numbers = #tpu.dot_dimension_numbers<[1], [0], [0], [1], [0, 0, 1, 1], [], []>, transpose_lhs_hint = false} : vector<1000x128xf32>, vector<128x128xf32>, vector<1000x128xf32> -> vector<1000x128xf32>
    %mul3A = arith.constant 0.0883883461 : f32
    %mul3A_6 = vector.broadcast %mul3A : f32 to vector<1000x128xf32>
    %mul3A_7 = arith.mulf %dot_general3A_5, %mul3A_6 : vector<1000x128xf32>
    %swap3A = arith.constant 0 : index
    %swap3A_8 = arith.constant 0 : index
    %swap3A_9 = vector.load %arg3[%swap3A, %swap3A_8] : memref<1000x128xf32, #tpu.memory_space<vmem>>, vector<1000x128xf32>
    tpu.vector_store %arg3[%swap3A, %swap3A_8], %mul3A_7 {strides = array<i32>} : memref<1000x128xf32, #tpu.memory_space<vmem>>, vector<1000x128xf32>,
    return
  }
  func.func @transform_0(%arg0: i32) -> (i32, i32) {
    %c0_i32 = arith.constant 0 : i32
    %c0_i32_0 = arith.constant 0 : i32
    return %arg0, %c0_i32 : i32, i32
  }
  func.func @transform_1(%arg0: i32) -> (i32, i32) {
    %c0_i32 = arith.constant 0 : i32
    %c0_i32_0 = arith.constant 0 : i32
    %c0_i32_1 = arith.constant 0 : i32
    return %c0_i32, %c0_i32_0 : i32, i32
  }
  func.func @transform_2(%arg0: i32) -> (i32, i32) {
    %c0_i32 = arith.constant 0 : i32
    %c0_i32_0 = arith.constant 0 : i32
    return %arg0, %c0_i32 : i32, i32
  }
}

module attributes {stable_mosaic.version = 14 : i64} {
  func.func @_tail_kernel(%arg0: i32, %arg1: memref<2x1000x128xf32, #tpu.memory_space<vmem>>, %arg2: memref<2x1000x1xf32, #tpu.memory_space<vmem>>, %arg3: memref<1000x10xf32, #tpu.memory_space<vmem>>, %arg4: memref<1x16xf32, #tpu.memory_space<vmem>>, %arg5: memref<16x128xf32, #tpu.memory_space<vmem>>, %arg6: memref<16x128xf32, #tpu.memory_space<vmem>>, %arg7: memref<128x128xf32, #tpu.memory_space<vmem>>, %arg8: memref<1280x128xf32, #tpu.memory_space<vmem>>, %arg9: memref<1000x128xf32, #tpu.memory_space<vmem>>) attributes {dimension_semantics = [#tpu.dimension_semantics<arbitrary>], iteration_bounds = array<i64: 10>, scalar_prefetch = 0 : i64, scratch_operands = 0 : i64, tpu.core_type = #tpu.core_type<tc>, window_params = [{transform_indices = @transform_0, window_bounds = array<i64: 2, 1000, 128>}, {transform_indices = @transform_1, window_bounds = array<i64: 2, 1000, 1>}, {transform_indices = @transform_2, window_bounds = array<i64: 1000, 10>}, {pipeline_mode = #tpu.pipeline_mode<synchronous>, transform_indices = @transform_3, window_bounds = array<i64: 1, 16>}, {pipeline_mode = #tpu.pipeline_mode<synchronous>, transform_indices = @transform_4, window_bounds = array<i64: 16, 128>}, {pipeline_mode = #tpu.pipeline_mode<synchronous>, transform_indices = @transform_5, window_bounds = array<i64: 16, 128>}, {pipeline_mode = #tpu.pipeline_mode<synchronous>, transform_indices = @transform_6, window_bounds = array<i64: 128, 128>}, {pipeline_mode = #tpu.pipeline_mode<synchronous>, transform_indices = @transform_7, window_bounds = array<i64: 1280, 128>}, {transform_indices = @transform_8, window_bounds = array<i64: 1000, 128>}]} {
    %get3A = arith.constant 0 : index
    %get3A_0 = arith.constant 0 : index
    %get3A_1 = arith.constant 0 : index
    %get3A_2 = vector.load %arg1[%get3A, %get3A_0, %get3A_1] : memref<2x1000x128xf32, #tpu.memory_space<vmem>>, vector<1x1000x128xf32>
    %get3A_3 = vector.shape_cast %get3A_2 : vector<1x1000x128xf32> to vector<1000x128xf32>
    %get3A_4 = arith.constant 1 : index
    %get3A_5 = arith.constant 0 : index
    %get3A_6 = arith.constant 0 : index
    %get3A_7 = vector.load %arg1[%get3A_4, %get3A_5, %get3A_6] : memref<2x1000x128xf32, #tpu.memory_space<vmem>>, vector<1x1000x128xf32>
    %get3A_8 = vector.shape_cast %get3A_7 : vector<1x1000x128xf32> to vector<1000x128xf32>
    %add3A = arith.addf %get3A_3, %get3A_8 : vector<1000x128xf32>
    %get3A_9 = arith.constant 0 : index
    %get3A_10 = arith.constant 0 : index
    %get3A_11 = arith.constant 0 : index
    %get3A_12 = vector.load %arg2[%get3A_9, %get3A_10, %get3A_11] : memref<2x1000x1xf32, #tpu.memory_space<vmem>>, vector<1x1000x1xf32>
    %get3A_13 = vector.shape_cast %get3A_12 : vector<1x1000x1xf32> to vector<1000x1xf32>
    %get3A_14 = arith.constant 1 : index
    %get3A_15 = arith.constant 0 : index
    %get3A_16 = arith.constant 0 : index
    %get3A_17 = vector.load %arg2[%get3A_14, %get3A_15, %get3A_16] : memref<2x1000x1xf32, #tpu.memory_space<vmem>>, vector<1x1000x1xf32>
    %get3A_18 = vector.shape_cast %get3A_17 : vector<1x1000x1xf32> to vector<1000x1xf32>
    %add3A_19 = arith.addf %get3A_13, %get3A_18 : vector<1000x1xf32>
    %add3A_20 = arith.constant 1.000000e+00 : f32
    %add3A_21 = vector.broadcast %add3A_20 : f32 to vector<1000x1xf32>
    %add3A_22 = arith.addf %add3A_19, %add3A_21 : vector<1000x1xf32>
    %div3A = vector.broadcast %add3A_22 : vector<1000x1xf32> to vector<1000x128xf32>
    %div3A_23 = arith.divf %add3A, %div3A : vector<1000x128xf32>
    %get3A_24 = arith.constant 0 : index
    %get3A_25 = arith.constant 0 : index
    %get3A_26 = vector.load %arg4[%get3A_24, %get3A_25] : memref<1x16xf32, #tpu.memory_space<vmem>>, vector<1x16xf32>
    %mul3A = vector.broadcast %add3A_19 : vector<1000x1xf32> to vector<1000x16xf32>
    %mul3A_27 = vector.broadcast %get3A_26 : vector<1x16xf32> to vector<1000x16xf32>
    %mul3A_28 = arith.mulf %mul3A, %mul3A_27 : vector<1000x16xf32>
    %sin3A = math.sin %mul3A_28 : vector<1000x16xf32>
    %get3A_29 = arith.constant 0 : index
    %get3A_30 = arith.constant 0 : index
    %get3A_31 = vector.load %arg5[%get3A_29, %get3A_30] : memref<16x128xf32, #tpu.memory_space<vmem>>, vector<16x128xf32>
    %dot_general3A = arith.constant dense<0.000000e+00> : vector<1000x128xf32>
    %dot_general3A_32 = tpu.matmul %sin3A, %get3A_31, %dot_general3A {dimension_numbers = #tpu.dot_dimension_numbers<[1], [0], [0], [1], [0, 0, 1, 1], [], []>, transpose_lhs_hint = false} : vector<1000x16xf32>, vector<16x128xf32>, vector<1000x128xf32> -> vector<1000x128xf32>
    %add3A_33 = arith.addf %div3A_23, %dot_general3A_32 : vector<1000x128xf32>
    %cos3A = math.cos %mul3A_28 : vector<1000x16xf32>
    %get3A_34 = arith.constant 0 : index
    %get3A_35 = arith.constant 0 : index
    %get3A_36 = vector.load %arg6[%get3A_34, %get3A_35] : memref<16x128xf32, #tpu.memory_space<vmem>>, vector<16x128xf32>
    %dot_general3A_37 = arith.constant dense<0.000000e+00> : vector<1000x128xf32>
    %dot_general3A_38 = tpu.matmul %cos3A, %get3A_36, %dot_general3A_37 {dimension_numbers = #tpu.dot_dimension_numbers<[1], [0], [0], [1], [0, 0, 1, 1], [], []>, transpose_lhs_hint = false} : vector<1000x16xf32>, vector<16x128xf32>, vector<1000x128xf32> -> vector<1000x128xf32>
    %add3A_39 = arith.addf %add3A_33, %dot_general3A_38 : vector<1000x128xf32>
    %get3A_40 = arith.constant 0 : index
    %get3A_41 = arith.constant 0 : index
    %get3A_42 = vector.load %arg7[%get3A_40, %get3A_41] : memref<128x128xf32, #tpu.memory_space<vmem>>, vector<128x128xf32>
    %dot_general3A_43 = arith.constant dense<0.000000e+00> : vector<1000x128xf32>
    %dot_general3A_44 = tpu.matmul %add3A_39, %get3A_42, %dot_general3A_43 {dimension_numbers = #tpu.dot_dimension_numbers<[1], [0], [0], [1], [0, 0, 1, 1], [], []>, transpose_lhs_hint = false} : vector<1000x128xf32>, vector<128x128xf32>, vector<1000x128xf32> -> vector<1000x128xf32>
    %mul3A_45 = arith.constant 0.0883883461 : f32
    %mul3A_46 = vector.broadcast %mul3A_45 : f32 to vector<1000x128xf32>
    %mul3A_47 = arith.mulf %dot_general3A_44, %mul3A_46 : vector<1000x128xf32>
    %get3A_48 = arith.constant 0 : index
    %get3A_49 = arith.constant 0 : index
    %get3A_50 = vector.load %arg3[%get3A_48, %get3A_49] : memref<1000x10xf32, #tpu.memory_space<vmem>>, vector<1000x1xf32>
    %mul3A_51 = vector.broadcast %get3A_50 : vector<1000x1xf32> to vector<1000x128xf32>
    %mul3A_52 = arith.mulf %mul3A_47, %mul3A_51 : vector<1000x128xf32>
    %get3A_53 = arith.constant 0 : index
    %get3A_54 = arith.constant 1 : index
    %get3A_55 = vector.load %arg3[%get3A_53, %get3A_54] : memref<1000x10xf32, #tpu.memory_space<vmem>>, vector<1000x1xf32>
    %mul3A_56 = vector.broadcast %get3A_55 : vector<1000x1xf32> to vector<1000x128xf32>
    %mul3A_57 = arith.mulf %mul3A_47, %mul3A_56 : vector<1000x128xf32>
    %get3A_58 = arith.constant 0 : index
    %get3A_59 = arith.constant 2 : index
    %get3A_60 = vector.load %arg3[%get3A_58, %get3A_59] : memref<1000x10xf32, #tpu.memory_space<vmem>>, vector<1000x1xf32>
    %mul3A_61 = vector.broadcast %get3A_60 : vector<1000x1xf32> to vector<1000x128xf32>
    %mul3A_62 = arith.mulf %mul3A_47, %mul3A_61 : vector<1000x128xf32>
    %get3A_63 = arith.constant 0 : index
    %get3A_64 = arith.constant 3 : index
    %get3A_65 = vector.load %arg3[%get3A_63, %get3A_64] : memref<1000x10xf32, #tpu.memory_space<vmem>>, vector<1000x1xf32>
    %mul3A_66 = vector.broadcast %get3A_65 : vector<1000x1xf32> to vector<1000x128xf32>
    %mul3A_67 = arith.mulf %mul3A_47, %mul3A_66 : vector<1000x128xf32>
    %get3A_68 = arith.constant 0 : index
    %get3A_69 = arith.constant 4 : index
    %get3A_70 = vector.load %arg3[%get3A_68, %get3A_69] : memref<1000x10xf32, #tpu.memory_space<vmem>>, vector<1000x1xf32>
    %mul3A_71 = vector.broadcast %get3A_70 : vector<1000x1xf32> to vector<1000x128xf32>
    %mul3A_72 = arith.mulf %mul3A_47, %mul3A_71 : vector<1000x128xf32>
    %get3A_73 = arith.constant 0 : index
    %get3A_74 = arith.constant 5 : index
    %get3A_75 = vector.load %arg3[%get3A_73, %get3A_74] : memref<1000x10xf32, #tpu.memory_space<vmem>>, vector<1000x1xf32>
    %mul3A_76 = vector.broadcast %get3A_75 : vector<1000x1xf32> to vector<1000x128xf32>
    %mul3A_77 = arith.mulf %mul3A_47, %mul3A_76 : vector<1000x128xf32>
    %get3A_78 = arith.constant 0 : index
    %get3A_79 = arith.constant 6 : index
    %get3A_80 = vector.load %arg3[%get3A_78, %get3A_79] : memref<1000x10xf32, #tpu.memory_space<vmem>>, vector<1000x1xf32>
    %mul3A_81 = vector.broadcast %get3A_80 : vector<1000x1xf32> to vector<1000x128xf32>
    %mul3A_82 = arith.mulf %mul3A_47, %mul3A_81 : vector<1000x128xf32>
    %get3A_83 = arith.constant 0 : index
    %get3A_84 = arith.constant 7 : index
    %get3A_85 = vector.load %arg3[%get3A_83, %get3A_84] : memref<1000x10xf32, #tpu.memory_space<vmem>>, vector<1000x1xf32>
    %mul3A_86 = vector.broadcast %get3A_85 : vector<1000x1xf32> to vector<1000x128xf32>
    %mul3A_87 = arith.mulf %mul3A_47, %mul3A_86 : vector<1000x128xf32>
    %get3A_88 = arith.constant 0 : index
    %get3A_89 = arith.constant 8 : index
    %get3A_90 = vector.load %arg3[%get3A_88, %get3A_89] : memref<1000x10xf32, #tpu.memory_space<vmem>>, vector<1000x1xf32>
    %mul3A_91 = vector.broadcast %get3A_90 : vector<1000x1xf32> to vector<1000x128xf32>
    %mul3A_92 = arith.mulf %mul3A_47, %mul3A_91 : vector<1000x128xf32>
    %get3A_93 = arith.constant 0 : index
    %get3A_94 = arith.constant 9 : index
    %get3A_95 = vector.load %arg3[%get3A_93, %get3A_94] : memref<1000x10xf32, #tpu.memory_space<vmem>>, vector<1000x1xf32>
    %mul3A_96 = vector.broadcast %get3A_95 : vector<1000x1xf32> to vector<1000x128xf32>
    %mul3A_97 = arith.mulf %mul3A_47, %mul3A_96 : vector<1000x128xf32>
    %concatenate3A = tpu.concatenate %mul3A_52, %mul3A_57, %mul3A_62, %mul3A_67, %mul3A_72, %mul3A_77, %mul3A_82, %mul3A_87, %mul3A_92, %mul3A_97 in 1 : vector<1000x128xf32>, vector<1000x128xf32>, vector<1000x128xf32>, vector<1000x128xf32>, vector<1000x128xf32>, vector<1000x128xf32>, vector<1000x128xf32>, vector<1000x128xf32>, vector<1000x128xf32>, vector<1000x128xf32> -> vector<1000x1280xf32>
    %get3A_98 = arith.constant 0 : index
    %get3A_99 = arith.constant 0 : index
    %get3A_100 = vector.load %arg8[%get3A_98, %get3A_99] : memref<1280x128xf32, #tpu.memory_space<vmem>>, vector<1280x128xf32>
    %dot_general3A_101 = arith.constant dense<0.000000e+00> : vector<1000x128xf32>
    %dot_general3A_102 = tpu.matmul %concatenate3A, %get3A_100, %dot_general3A_101 {dimension_numbers = #tpu.dot_dimension_numbers<[1], [0], [0], [1], [0, 0, 1, 1], [], []>, transpose_lhs_hint = false} : vector<1000x1280xf32>, vector<1280x128xf32>, vector<1000x128xf32> -> vector<1000x128xf32>
    %mul3A_103 = arith.constant 0.0279508494 : f32
    %mul3A_104 = vector.broadcast %mul3A_103 : f32 to vector<1000x128xf32>
    %mul3A_105 = arith.mulf %dot_general3A_102, %mul3A_104 : vector<1000x128xf32>
    %swap3A = arith.constant 0 : index
    %swap3A_106 = arith.constant 0 : index
    %swap3A_107 = vector.load %arg9[%swap3A, %swap3A_106] : memref<1000x128xf32, #tpu.memory_space<vmem>>, vector<1000x128xf32>
    tpu.vector_store %arg9[%swap3A, %swap3A_106], %mul3A_105 {strides = array<i32>} : memref<1000x128xf32, #tpu.memory_space<vmem>>, vector<1000x128xf32>,
    return
  }
  func.func @transform_0(%arg0: i32) -> (i32, i32, i32) {
    %c0_i32 = arith.constant 0 : i32
    %c0_i32_0 = arith.constant 0 : i32
    %c0_i32_1 = arith.constant 0 : i32
    return %c0_i32, %arg0, %c0_i32_0 : i32, i32, i32
  }
  func.func @transform_1(%arg0: i32) -> (i32, i32, i32) {
    %c0_i32 = arith.constant 0 : i32
    %c0_i32_0 = arith.constant 0 : i32
    %c0_i32_1 = arith.constant 0 : i32
    return %c0_i32, %arg0, %c0_i32_0 : i32, i32, i32
  }
  func.func @transform_2(%arg0: i32) -> (i32, i32) {
    %c0_i32 = arith.constant 0 : i32
    %c0_i32_0 = arith.constant 0 : i32
    return %arg0, %c0_i32 : i32, i32
  }
  func.func @transform_3(%arg0: i32) -> (i32, i32) {
    %c0_i32 = arith.constant 0 : i32
    %c0_i32_0 = arith.constant 0 : i32
    %c0_i32_1 = arith.constant 0 : i32
    return %c0_i32, %c0_i32_0 : i32, i32
  }
  func.func @transform_4(%arg0: i32) -> (i32, i32) {
    %c0_i32 = arith.constant 0 : i32
    %c0_i32_0 = arith.constant 0 : i32
    %c0_i32_1 = arith.constant 0 : i32
    return %c0_i32, %c0_i32_0 : i32, i32
  }
  func.func @transform_5(%arg0: i32) -> (i32, i32) {
    %c0_i32 = arith.constant 0 : i32
    %c0_i32_0 = arith.constant 0 : i32
    %c0_i32_1 = arith.constant 0 : i32
    return %c0_i32, %c0_i32_0 : i32, i32
  }
  func.func @transform_6(%arg0: i32) -> (i32, i32) {
    %c0_i32 = arith.constant 0 : i32
    %c0_i32_0 = arith.constant 0 : i32
    %c0_i32_1 = arith.constant 0 : i32
    return %c0_i32, %c0_i32_0 : i32, i32
  }
  func.func @transform_7(%arg0: i32) -> (i32, i32) {
    %c0_i32 = arith.constant 0 : i32
    %c0_i32_0 = arith.constant 0 : i32
    %c0_i32_1 = arith.constant 0 : i32
    return %c0_i32, %c0_i32_0 : i32, i32
  }
  func.func @transform_8(%arg0: i32) -> (i32, i32) {
    %c0_i32 = arith.constant 0 : i32
    %c0_i32_0 = arith.constant 0 : i32
    return %arg0, %c0_i32 : i32, i32
  }
}

</mosaic_0001>

<sc_bundles>
// kernel: kernel.6.cloned.1.call-start
scs
__scs_entry_jumppad:
0x0: {  	(pc) =	sbr.rel $0x88, $3  }
0x1: {  	(tag) =	ssettag $0x0;
	lr =	simm.s32 $0x1  }
0x2: {  	[smem:$0x3F93] =	sst lr;
	_ =	strace $0xD0000000  }
0x3: {  	_ = 	snop  }
0x4: {  	_ = 	snop  }
0x5: {  	_ = 	snop  }
0x6: {  	_ = 	snop  }
0x7: {  	_ = 	snop  }
__scs_overlays_trampoline_lowered:
0x8: {  	[smem:$0x3FA2] =	sst s0  }
0x9: {  	[smem:$0x3FA3] =	sst s1  }
0xa: {  	[smem:$0x3FA4] =	sst s2  }
0xb: {  	[smem:$0x3FA5] =	sst s3  }
0xc: {  	[smem:$0x3FA6] =	sst s4  }
0xd: {  	[smem:$0x3FA7] =	sst s5  }
0xe: {  	[smem:$0x3FA8] =	sst s6  }
0xf: {  	[smem:$0x3FA9] =	sst s7  }
0x10: {  	[smem:$0x3FAA] =	sst s8  }
0x11: {  	[smem:$0x3FAB] =	sst s9;
	s0 =	simm.s32 @!p0 $0x0  }
0x12: {  	s1 =	sld [smem:$0x3F91];
	s0 =	simm.s32 @p0 $0x1  }
0x13: {  	[smem:$0x3FAC] =	sst s0;
	s0 =	simm.s32 @!p1 $0x0  }
0x14: {  	s2 =	sld [smem:$0x3F90];
	s0 =	simm.s32 @p1 $0x1  }
0x15: {  	[smem:$0x3FAD] =	sst s0;
	s0 =	simm.s32 @!p2 $0x0  }
0x16: {  	s3 =	sld [smem:$0x3FDB];
	s0 =	simm.s32 @p2 $0x1  }
0x17: {  	s4 =	simm.s32 $0x1BF5;
	[smem:$0x3FAF] =	sst s0  }
0x18: {  	s0 =	sld [smem:$0x3F92];
	_ =	swait.ge [sflag:s4], $0x0  }
0x19: {  	s7 =	sld [smem:$0x3F93]  }
0x1a: {  	s8 =	sadd.s32 $0xFFFFE003, lr  }
0x1b: {  	s9 =	sadd.s32 $0xFFFFFEF7, lr;
	s5 =	simm.s32 $0xFFFFFFFF;
	p2 =	slt.u32 s8, $0xFFFFF086  }
0x1c: {  	p1 =	slt.u32 s9, $0xF7A;
	s5 =	simm.s32 @!p2 $0x0  }
0x1d: {  	s5 =	simm.s32 @p1 $0x1;
	p0 =	seq.s32 s7, s2  }
0x1e: {  	s7 =	smul.u32 @!p0 $0xF7A, s2;
	p2 =	seq.s32 @!p0 s5, $0x0  }
0x1f: {  	s9 =	smul.u32 $0xF7A, s1;
	s8 =	simm.s32 @!p0 $0x1BF5;
	p2 =	por !p2, p0  }
0x20: {  	[sflag:s8] =	ssyncset.s32 @!p0 $0xFFFFF086;
	s6 =	sadd.s32 @!p0 s3, s7;
	s7 =	simm.s32 @!p0 $0x108  }
0x21: {  	s3 =	sadd.s32 s3, s9;
	s6 =	sadd.s32 @!p0 $0x88, s6;
	s7 =	simm.s32 @p2 $0x1082  }
0x22: {  	[simem:s7], [sflag:s8] =	dma.local @!p0 [hbm:s6], $0xF7A  }
0x23: {  	s9 =	sor.u32 $0xD0000000, s2;
	s6 =	simm.s32 $0x108;
	_ =	swait.ge @!p0 [sflag:s8], $0x0  }
0x24: {  	s3 =	sadd.s32 $0x88, s3;
	s6 =	simm.s32 @!p1 $0x1082;
	[sflag:s4] =	ssyncset.s32 $0xFFFFF086  }
0x25: {  	[simem:s6], [sflag:s4] =	dma.local [hbm:s3], $0xF7A  }
0x26: {  	[smem:$0x3F93] =	sst s1;
	(tag) =	ssettag s2;
	_ =	strace s9  }
0x27: {  	s1 =	sld [smem:$0x3FA3]  }
0x28: {  	s2 =	sld [smem:$0x3FA4]  }
0x29: {  	s4 =	sld [smem:$0x3FA6]  }
0x2a: {  	p0 =	seq.s32 s5, $0x0;
	s5 =	sld [smem:$0x3FA7]  }
0x2b: {  	s6 =	sld [smem:$0x3FA8]  }
0x2c: {  	s7 =	sld [smem:$0x3FA9]  }
0x2d: {  	s3 =	simm.s32 $0x108;
	s8 =	sld [smem:$0x3FAA]  }
0x2e: {  	s3 =	simm.s32 @!p0 $0x1082;
	s9 =	sld [smem:$0x3FAB]  }
0x2f: {  	lr =	sadd.s32 s0, s3;
	s0 =	sld [smem:$0x3FA2]  }
0x30: {  	s3 =	sld [smem:$0x3FA5]  }
0x31: {  	[smem:$0x3FAE] =	sst s10  }
0x32: {  	s10 =	sld [smem:$0x3FAC];
	_ =	sdelay $0x3  }
0x33: {  	p0 =	seq.s32 s10, $0x1;
	s10 =	sld [smem:$0x3FAE];
	_ =	sdelay $0x3  }
0x34: {  	[smem:$0x3FAE] =	sst s10  }
0x35: {  	s10 =	sld [smem:$0x3FAD];
	_ =	sdelay $0x3  }
0x36: {  	p1 =	seq.s32 s10, $0x1;
	s10 =	sld [smem:$0x3FAE];
	_ =	sdelay $0x3  }
0x37: {  	[smem:$0x3FAE] =	sst s10  }
0x38: {  	s10 =	sld [smem:$0x3FAF]  }
0x39: {  	_ = 	snop;
	(pc) =	sbr.ind lr, $3  }
0x3a: {  	_ = 	snop  }
0x3b: {  	_ = 	snop  }
0x3c: {  	p2 =	seq.s32 s10, $0x1;
	s10 =	sld [smem:$0x3FAE]  }
0x3d: {  	_ =	shalt  }
0x3e: {  	_ =	shalt  }
0x3f: {  	_ =	shalt  }
0x40: {  	_ =	shalt  }
0x41: {  	_ =	shalt  }
0x42: {  	_ =	shalt  }
0x43: {  	_ =	shalt  }
0x44: {  	_ =	shalt  }
0x45: {  	_ =	shalt  }
0x46: {  	_ =	shalt  }
0x47: {  	_ =	shalt  }
0x48: {  	_ =	shalt  }
0x49: {  	_ =	shalt  }
0x4a: {  	_ =	shalt  }
0x4b: {  	_ =	shalt  }
0x4c: {  	_ =	shalt  }
0x4d: {  	_ =	shalt  }
0x4e: {  	_ =	shalt  }
0x4f: {  	_ =	shalt  }
0x50: {  	_ =	shalt  }
0x51: {  	_ =	shalt  }
0x52: {  	_ =	shalt  }
0x53: {  	_ =	shalt  }
0x54: {  	_ =	shalt  }
0x55: {  	_ =	shalt  }
0x56: {  	_ =	shalt  }
0x57: {  	_ =	shalt  }
0x58: {  	_ =	shalt  }
0x59: {  	_ =	shalt  }
0x5a: {  	_ =	shalt  }
0x5b: {  	_ =	shalt  }
0x5c: {  	_ =	shalt  }
0x5d: {  	_ =	shalt  }
0x5e: {  	_ =	shalt  }
0x5f: {  	_ =	shalt  }
0x60: {  	_ =	shalt  }
0x61: {  	_ =	shalt  }
0x62: {  	_ =	shalt  }
0x63: {  	_ =	shalt  }
0x64: {  	_ =	shalt  }
0x65: {  	_ =	shalt  }
0x66: {  	_ =	shalt  }
0x67: {  	_ =	shalt  }
0x68: {  	_ =	shalt  }
0x69: {  	_ =	shalt  }
0x6a: {  	_ =	shalt  }
0x6b: {  	_ =	shalt  }
0x6c: {  	_ =	shalt  }
0x6d: {  	_ =	shalt  }
0x6e: {  	_ =	shalt  }
0x6f: {  	_ =	shalt  }
0x70: {  	_ =	shalt  }
0x71: {  	_ =	shalt  }
0x72: {  	_ =	shalt  }
0x73: {  	_ =	shalt  }
0x74: {  	_ =	shalt  }
0x75: {  	_ =	shalt  }
0x76: {  	_ =	shalt  }
0x77: {  	_ =	shalt  }
0x78: {  	_ =	shalt  }
0x79: {  	_ =	shalt  }
0x7a: {  	_ =	shalt  }
0x7b: {  	_ =	shalt  }
0x7c: {  	_ =	shalt  }
0x7d: {  	_ =	shalt  }
0x7e: {  	_ =	shalt  }
0x7f: {  	_ =	shalt  }
0x80: {  	_ =	shalt  }
0x81: {  	_ =	shalt  }
0x82: {  	_ =	shalt  }
0x83: {  	_ =	shalt  }
0x84: {  	_ =	shalt  }
0x85: {  	_ =	shalt  }
0x86: {  	_ =	shalt  }
0x87: {  	_ =	shalt  }
.Lfunc_end0:
.L_simem_size_0:
called_computation_lowered:
.L_overlay_start_0:
0x88: {  	s2 =	sld [smem:$0x3FD9]  }
0x89: {  	s3 =	sld [smem:$0x3FFE];
	_ =	sdelay $0x1  }
0x8a: {  	s1 =	srdreg.scid  }
0x8b: {  	s0 =	sand.u32 $0x1, s1  }
0x8c: {  	s17 =	sshll.u32 s0, $0xA;
	s2 =	sadd.s32 s3, s2  }
0x8d: {  	s2 =	sadd.s32 s2, s17  }
0x8e: {  	[smem:$0x3FBA] =	sst s2  }
0x8f: {  	_ = 	snop  }
0x90: {  	s2 =	sld [smem:$0x3FD0];
	(tm) =	ssettm $0x1  }
0x91: {  	s18 =	sld [smem:$0x3FFB];
	_ =	sdelay $0x3  }
0x92: {  	_ =	strace s18  }
0x93: {  	s3 =	sld [smem:$0x3FFC];
	_ =	sdelay $0x3  }
0x94: {  	_ =	strace s3  }
0x95: {  	s3 =	sld [smem:$0x3FFD];
	_ =	sdelay $0x3  }
0x96: {  	_ =	strace s3  }
0x97: {  	_ =	strace $0x8FFFFFFF  }
0x98: {  	s19 =	sld [smem:$0x3FDB];
	_ =	sdelay $0x1  }
0x99: {  	s4 =	simm.s32 $_scs_section_size  }
0x9a: {  	s5 =	simm.s32 $_size__tile_overlayer_lowered;
	s6 =	simm.s32 $_tile_overlayer_lowered  }
0x9b: {  	s22 =	simm.s32 $0x1BFF;
	s21 =	sshll.u32 s6, $0x1;
	s3 =	sadd.s32 s4, s19  }
0x9c: {  	s7 =	simm.s32 $0x0;
	s20 =	sshll.u32 s5, $0x1;
	s5 =	sadd.s32 s21, s3  }
0x9d: {  	[timem:s7], [sflag:s22] =	dma.local [hbm:s5], s20  }
0x9e: {  	_ =	swait.ge [sflag:s22], s20  }
0x9f: {  	s4 =	ssub.s32 $0x0, s20;
	[sflag:s22] =	ssyncset.done $0x0  }
0xa0: {  	[sflag:s22] =	ssyncadd.s32 s4;
	_ =	sdelay $0x1  }
0xa1: {  	s23 =	simm.s32 $0x1B8B  }
0xa2: {  	_ =	swait.ge [sflag:s23], $0x1  }
0xa3: {  	[sflag:s23] =	ssyncset.done $0x0  }
0xa4: {  	s25 =	simm.s32 $0x1B8E;
	s24 =	sld [smem:$0x3FFE];
	[sflag:s23] =	ssyncadd.s32 $0xFFFFFFFF  }
0xa5: {  	s26 =	simm.s32 $execute0_lowered;
	[smem:$0x3FD2] =	sst s25  }
0xa6: {  	s5 =	sshll.u32 s26, $0x1;
	_ =	strace $0x80000046;
	[dreg:$0x1] =	wrdreg $0xFFFFFFFF  }
0xa7: {  	s28 =	simm.s32 $_size_execute0_lowered;
	s3 =	sadd.s32 s3, s5;
	[dreg:$0x0] =	wrdreg $0x0  }
0xa8: {  	s5 =	sshll.u32 s28, $0x1;
	[dreg:$0x2] =	wrdreg s3  }
0xa9: {  	[dreg:$0x3] =	wrdreg s5  }
0xaa: {  	[dreg:$0x4] =	wrdreg $0xC0  }
0xab: {  	_ =	task [dreg:s7], $0x5FFFF  }
0xac: {  	[dreg:$0x1] =	wrdreg $0xFFFFFFFF  }
0xad: {  	[dreg:$0x0] =	wrdreg $0x60  }
0xae: {  	[dreg:$0x2] =	wrdreg s2  }
0xaf: {  	[dreg:$0x3] =	wrdreg s24  }
0xb0: {  	[dreg:$0x4] =	wrdreg $0xAD800  }
0xb1: {  	[dreg:$0x5] =	wrdreg $0x1E6000  }
0xb2: {  	[dreg:$0x6] =	wrdreg $0x9  }
0xb3: {  	_ =	task.clear_ibuf [dreg:s7], $0x7FFFF;
	_ =	strace $0x90000046  }
0xb4: {  	s29 =	simm.s32 $0x9;
	_ =	strace $0x80000048  }
0xb5: {  	_ =	swait.ge [sflag:s29], $0x1  }
0xb6: {  	[sflag:s29] =	ssyncadd.s32 $0xFFFFFFFF  }
0xb7: {  	_ =	strace $0x90000048  }
0xb8: {  	_ =	sfence  }
0xb9: {  	s30 =	sld [smem:$0x0];
	_ =	sdelay $0x2  }
0xba: {  	s31 =	sshll.u32 s1, $0xD;
	s1 =	sshrl.u32 s1, $0x2  }
0xbb: {  	s3 =	sand.u32 $0x4000, s31;
	s1 =	sadd.s32 s1, s30  }
0xbc: {  	s0 =	sor.u32 s3, s0;
	s1 =	sshll.u32 s1, $0x11  }
0xbd: {  	s0 =	sor.u32 s1, s0  }
0xbe: {  	s0 =	sadd.s32 $0x8F2B, s0  }
0xbf: {  	[sflag:s0] =	ssyncadd.remote.s32 $0x1  }
0xc0: {  	_ =	sfence.sel $0xFFFF  }
0xc1: {  	[dreg:$0x0] =	wrdreg $0xFFFFFFFF;
	(pc) =	sbr.abs _section_cstart, $3  }
0xc2: {  	[dreg:$0x1] =	wrdreg $0xFFFFFFFF  }
0xc3: {  	_ =	task.clear_ibuf [dreg:s7], $0x2FFFF;
	_ =	strace $0x9FFFFFFF  }
0xc4: {  	(tm) =	ssettm $0x7FFFFFFF  }
0xc5: {  	_ =	shalt  }
tec
execute0_lowered:
.L_overlay_start_1:
0x0: {  	(tag) =	ssettag $0x1  }
0x1: {  	s1 =	rddreg [dreg:$0x0]  }
0x2: {  	s0 =	rddreg [dreg:$0x1]  }
0x3: {  	s2 =	rddreg [dreg:$0x2]  }
0x4: {  	s23 =	rddreg [dreg:$0x3];
	s4 =	simm.s32 $0x0;
	s10 =	srdreg.scid  }
0x5: {  	s20 =	stileid.u32;
	[smem:$0x7FF] =	sst s4  }
0x6: {  	s5 =	sadd.s32 $0x15800, s0;
	s7 =	sadd.s32 $0xBA00, s0;
	s12 =	smul.u32 $0x4E000, s20  }
0x7: {  	s9 =	sadd.s32 $0x1C00, s0;
	s10 =	sand.u32 $0x1, s10;
	s15 =	smul.u32 $0x270, s20  }
0x8: {  	s11 =	sshll.u32 s20, $0x1;
	s18 =	smul.u32 $0x13800, s20;
	s31 =	sadd.s32 $0x138000, s2  }
0x9: {  	_ =	strace $0x80000047;
	s13 =	ssub.s32 $0x2, s10;
	s11 =	sor.u32 s10, s11  }
0xa: {  	s22 =	smul.u32 $0x138800, s10;
	[smem:$0x7FD] =	sst s31;
	s14 =	sshrl.u32 s13, $0x1  }
0xb: {  	s12 =	sshrl.u32 s12, $0x2;
	s16 =	smul.u32 $0x2710, s11;
	s29 =	sadd.s32 s15, s23  }
0xc: {  	s11 =	smul.u32 $0x27100, s11;
	s13 =	ssub.s32 s13, s14;
	s25 =	sadd.s32 s12, s2  }
0xd: {  	s18 =	sadd.s32 s18, s22;
	s12 =	sshrl.u32 s22, $0x3;
	[dreg:$0x6] =	wrdreg s29  }
0xe: {  	s17 =	sshrl.u32 s16, $0x3;
	s3 =	sadd.s32 $0x50, s16;
	[dreg:$0x5] =	wrdreg s25  }
0xf: {  	s11 =	sadd.s32 s5, s11;
	s21 =	sadd.s32 $0xA0, s16;
	[smem:$0x7E3] =	sst s3  }
0x10: {  	s22 =	sadd.s32 $0xF0, s16;
	s16 =	smax.u32 s13, $0x1;
	[dreg:$0xc] =	wrdreg s11  }
0x11: {  	p0 =	sne.s32 s20, $0xF;
	s20 =	sadd.s32 $0x2000, s25;
	[dreg:$0x11] =	wrdreg s16  }
0x12: {  	s8 =	sadd.s32 $0x502000, s0;
	s13 =	sadd.s32 $0x6800, s25;
	[dreg:$0x15] =	wrdreg s20  }
0x13: {  	s10 =	smul.u32 $0x2710, s10;
	s24 =	sadd.s32 s7, s17;
	[dreg:$0x1e] =	wrdreg s13  }
0x14: {  	s18 =	sshrl.u32 s18, $0x3;
	s26 =	sadd.s32 s9, s17;
	[dreg:$0x7] =	wrdreg s24  }
0x15: {  	s6 =	sadd.s32 $0x4F7800, s0;
	s18 =	sadd.s32 s8, s18;
	[dreg:$0x8] =	wrdreg s26  }
0x16: {  	s14 =	sadd.s32 s15, s10;
	s15 =	sadd.s32 s6, s17;
	[dreg:$0x9] =	wrdreg s18  }
0x17: {  	s17 =	sadd.s32 $0x800, s25;
	[dreg:$0xd] =	wrdreg s15  }
0x18: {  	s8 =	sadd.s32 s8, s12;
	s12 =	sadd.s32 $0x6000, s25;
	[dreg:$0x12] =	wrdreg s17  }
0x19: {  	s11 =	sshrl.u32 s14, $0x3;
	s14 =	sadd.s32 $0x7000, s25;
	[dreg:$0x1d] =	wrdreg s12  }
0x1a: {  	s16 =	sadd.s32 $0x8000, s25;
	[dreg:$0x1f] =	wrdreg s14  }
0x1b: {  	s20 =	sadd.s32 $0xA000, s25;
	[smem:$0x7E5] =	sst s16  }
0x1c: {  	s19 =	sshrl.u32 s3, $0x3;
	s13 =	sadd.s32 $0xE800, s25;
	[smem:$0x7E9] =	sst s20  }
0x1d: {  	s30 =	sadd.s32 s7, s19;
	[smem:$0x7F2] =	sst s13  }
0x1e: {  	s0 =	sadd.s32 $0x501600, s0;
	s3 =	sadd.s32 s9, s19;
	[dreg:$0xa] =	wrdreg s30  }
0x1f: {  	s11 =	sadd.s32 s0, s11;
	[dreg:$0xb] =	wrdreg s3  }
0x20: {  	s8 =	sadd.s32 $0x27000, s8;
	[dreg:$0xe] =	wrdreg s11  }
0x21: {  	s18 =	sadd.s32 $0x1000, s25;
	[dreg:$0xf] =	wrdreg s8  }
0x22: {  	s19 =	sadd.s32 $0x1800, s25;
	[dreg:$0x13] =	wrdreg s18  }
0x23: {  	s24 =	sadd.s32 $0x2800, s25;
	[dreg:$0x14] =	wrdreg s19  }
0x24: {  	s10 =	sshrl.u32 s10, $0x3;
	s26 =	sadd.s32 $0x3000, s25;
	[dreg:$0x16] =	wrdreg s24  }
0x25: {  	s0 =	sadd.s32 s0, s10;
	s10 =	sadd.s32 $0x5000, s25;
	[dreg:$0x17] =	wrdreg s26  }
0x26: {  	s15 =	sadd.s32 $0x7800, s25;
	[dreg:$0x1b] =	wrdreg s10  }
0x27: {  	s17 =	sadd.s32 $0x8800, s25;
	[smem:$0x7E4] =	sst s15  }
0x28: {  	s12 =	sadd.s32 $0xE000, s25;
	[smem:$0x7E6] =	sst s17  }
0x29: {  	s14 =	sadd.s32 $0xF000, s25;
	[smem:$0x7F1] =	sst s12  }
0x2a: {  	s16 =	sadd.s32 $0x10000, s25;
	[smem:$0x7F3] =	sst s14  }
0x2b: {  	s20 =	sadd.s32 $0x12000, s25;
	[smem:$0x7F5] =	sst s16  }
0x2c: {  	s0 =	sadd.s32 $0x4E0, s0;
	[smem:$0x7F9] =	sst s20  }
0x2d: {  	s30 =	sadd.s32 $0x3800, s25;
	[dreg:$0x10] =	wrdreg s0  }
0x2e: {  	s3 =	sadd.s32 $0x4000, s25;
	[dreg:$0x18] =	wrdreg s30  }
0x2f: {  	s8 =	sadd.s32 $0x4800, s25;
	[dreg:$0x19] =	wrdreg s3  }
0x30: {  	s11 =	sadd.s32 $0x5800, s25;
	[dreg:$0x1a] =	wrdreg s8  }
0x31: {  	s18 =	sadd.s32 $0x9000, s25;
	[dreg:$0x1c] =	wrdreg s11  }
0x32: {  	s19 =	sadd.s32 $0x9800, s25;
	[smem:$0x7E7] =	sst s18  }
0x33: {  	s24 =	sadd.s32 $0xA800, s25;
	[smem:$0x7E8] =	sst s19  }
0x34: {  	s26 =	sadd.s32 $0xB000, s25;
	[smem:$0x7EA] =	sst s24  }
0x35: {  	s10 =	sadd.s32 $0xD000, s25;
	[smem:$0x7EB] =	sst s26  }
0x36: {  	s15 =	sadd.s32 $0xF800, s25;
	[smem:$0x7EF] =	sst s10  }
0x37: {  	s17 =	sadd.s32 $0x10800, s25;
	[smem:$0x7F4] =	sst s15  }
0x38: {  	s30 =	sadd.s32 $0xB800, s25;
	[smem:$0x7F6] =	sst s17  }
0x39: {  	s28 =	simm.s32 $0xA080;
	s3 =	sadd.s32 $0xC000, s25;
	[smem:$0x7EC] =	sst s30  }
0x3a: {  	s13 =	simm.s32 $0xA200;
	s8 =	sadd.s32 $0xC800, s25;
	[smem:$0x7ED] =	sst s3  }
0x3b: {  	s14 =	smov.u32 s23;
	s11 =	sadd.s32 $0xD800, s25;
	[smem:$0x7EE] =	sst s8  }
0x3c: {  	s12 =	simm.s32 $0xA100;
	s18 =	sadd.s32 $0x11000, s25;
	[smem:$0x7F0] =	sst s11  }
0x3d: {  	s16 =	simm.s32 $0xA280;
	s19 =	sadd.s32 $0x11800, s25;
	[smem:$0x7F7] =	sst s18  }
0x3e: {  	s20 =	simm.s32 $0xA000;
	s24 =	sadd.s32 $0x12800, s25;
	[smem:$0x7F8] =	sst s19  }
0x3f: {  	s26 =	sadd.s32 $0x13000, s25;
	s0 =	simm.s32 $0x5;
	[smem:$0x7FA] =	sst s24  }
0x40: {  	s17 =	simm.s32 $0x3;
	[smem:$0x7FB] =	sst s26;
	s3 =	smov.u32 s2  }
0x41: {  	s30 =	sadd.s32 $0x2700, s23;
	s18 =	simm.s32 $0x50;
	s19 =	simm.s32 $0x5000  }
0x42: {  	s23 =	simm.s32 $0x1;
	s24 =	simm.s32 $0x4;
	s26 =	simm.s32 $0x7800  }
0x43: {  	v0 =	vimm.f32 $0.0e+00;
	s8 =	simm.s32 $0x2;
	s2 =	simm.s32 $0x0;
	[smem:$0x7FC] =	sst s30  }
.LBB2_1:
0x44: {  	[smem:$0x7E2] =	sst s2;
	s10 =	simm.s32 $0x0;
	s11 =	simm.s32 $0x200  }
.LBB2_2:
0x45: {  	p1 =	sne.s32 s11, $0x1E00;
	[tilespmem:s10+$0xA370] =	vst v0  }
0x46: {  	[tilespmem:s10+$0xA300] =	vst v0  }
0x47: {  	[tilespmem:s10+$0xA310] =	vst v0  }
.Ltmp0:
0x48: {  	[tilespmem:s10+$0xA320] =	vst v0;
	(pc) =	sbr.rel @p1 .LBB2_2-.Ltmp0, $4  }
0x49: {  	[tilespmem:s10+$0xA330] =	vst v0  }
0x4a: {  	[tilespmem:s10+$0xA340] =	vst v0  }
0x4b: {  	[tilespmem:s10+$0xA350] =	vst v0  }
0x4c: {  	[tilespmem:s10+$0xA360] =	vst v0;
	s10 =	sshra.s32 s11, $0x2;
	s11 =	sadd.s32 $0x200, s11  }
0x4d: {  	[tilespmem:s10+$0xA370] =	vst v0  }
0x4e: {  	[tilespmem:s10+$0xA300] =	vst v0  }
0x4f: {  	[tilespmem:s10+$0xA310] =	vst v0  }
0x50: {  	[tilespmem:s10+$0xA320] =	vst v0  }
0x51: {  	[tilespmem:s10+$0xA330] =	vst v0  }
0x52: {  	[tilespmem:s10+$0xA340] =	vst v0  }
0x53: {  	[tilespmem:s10+$0xA350] =	vst v0  }
0x54: {  	[tilespmem:s10+$0xA360] =	vst v0  }
0x55: {  	[tilespmem:$0xAB00] =	vst v0  }
0x56: {  	[tilespmem:$0xAB10] =	vst v0  }
0x57: {  	[tilespmem:$0xAB20] =	vst v0  }
0x58: {  	[tilespmem:$0xAB30] =	vst v0  }
0x59: {  	[tilespmem:$0xAB40] =	vst v0  }
0x5a: {  	[tilespmem:$0xAB50] =	vst v0  }
0x5b: {  	[tilespmem:$0xAB60] =	vst v0  }
0x5c: {  	[tilespmem:$0xAB70] =	vst v0  }
0x5d: {  	[tilespmem:$0xAB80] =	vst v0  }
0x5e: {  	[tilespmem:$0xAB90] =	vst v0  }
0x5f: {  	[tilespmem:$0xABA0] =	vst v0  }
0x60: {  	[tilespmem:$0xABB0] =	vst v0  }
0x61: {  	[tilespmem:$0xABC0] =	vst v0  }
0x62: {  	[tilespmem:$0xABD0] =	vst v0  }
0x63: {  	[tilespmem:$0xABE0] =	vst v0  }
0x64: {  	[tilespmem:$0xABF0] =	vst v0  }
0x65: {  	[tilespmem:$0xAC00] =	vst v0  }
0x66: {  	[tilespmem:$0xAC10] =	vst v0  }
0x67: {  	[tilespmem:$0xAC20] =	vst v0  }
0x68: {  	[tilespmem:$0xAC30] =	vst v0  }
0x69: {  	[tilespmem:$0xAC40] =	vst v0  }
0x6a: {  	[tilespmem:$0xAC50] =	vst v0  }
0x6b: {  	[tilespmem:$0xAC60] =	vst v0  }
0x6c: {  	[tilespmem:$0xAC70] =	vst v0  }
0x6d: {  	[tilespmem:$0xAC80] =	vst v0  }
0x6e: {  	[tilespmem:$0xAC90] =	vst v0  }
0x6f: {  	[tilespmem:$0xACA0] =	vst v0  }
0x70: {  	[tilespmem:$0xACB0] =	vst v0  }
0x71: {  	[tilespmem:$0xACC0] =	vst v0  }
0x72: {  	[tilespmem:$0xACD0] =	vst v0  }
0x73: {  	[tilespmem:$0xACE0] =	vst v0  }
0x74: {  	[tilespmem:$0xACF0] =	vst v0  }
0x75: {  	[tilespmem:$0xAD00] =	vst v0  }
0x76: {  	[tilespmem:$0xAD10] =	vst v0  }
0x77: {  	[tilespmem:$0xAD20] =	vst v0  }
0x78: {  	[tilespmem:$0xAD30] =	vst v0  }
0x79: {  	[tilespmem:$0xAD40] =	vst v0  }
0x7a: {  	[tilespmem:$0xAD50] =	vst v0  }
0x7b: {  	s11 =	simm.s32 $0xA300;
	[tilespmem:$0xAD60] =	vst v0  }
0x7c: {  	[spmem:s25] =	stream.linear.scatter [tilespmem:s11], [sflag:$0x5], $0x800, $0x38;
	[tilespmem:$0x1E878] =	vst v63  }
0x7d: {  	_ =	swait.ge [sflag:s0], $0x800  }
0x7e: {  	[sflag:s0] =	ssyncset.done $0x0  }
0x7f: {  	s15 =	rddreg [dreg:$0x12];
	[sflag:s0] =	ssyncadd.s32 $0xFFFFF800  }
0x80: {  	[spmem:s15] =	stream.linear.scatter [tilespmem:s11], [sflag:$0x5], $0x800, $0x38;
	[tilespmem:$0x1E878] =	vst v63  }
0x81: {  	_ =	swait.ge [sflag:s0], $0x800  }
0x82: {  	[sflag:s0] =	ssyncset.done $0x0  }
0x83: {  	s25 =	rddreg [dreg:$0x13];
	[sflag:s0] =	ssyncadd.s32 $0xFFFFF800  }
0x84: {  	[spmem:s25] =	stream.linear.scatter [tilespmem:s11], [sflag:$0x5], $0x800, $0x38;
	[tilespmem:$0x1E878] =	vst v63  }
0x85: {  	_ =	swait.ge [sflag:s0], $0x800  }
0x86: {  	[sflag:s0] =	ssyncset.done $0x0  }
0x87: {  	s30 =	rddreg [dreg:$0x14];
	[sflag:s0] =	ssyncadd.s32 $0xFFFFF800  }
0x88: {  	[spmem:s30] =	stream.linear.scatter [tilespmem:s11], [sflag:$0x5], $0x800, $0x38;
	[tilespmem:$0x1E878] =	vst v63  }
0x89: {  	_ =	swait.ge [sflag:s0], $0x800  }
0x8a: {  	[sflag:s0] =	ssyncset.done $0x0  }
0x8b: {  	s2 =	rddreg [dreg:$0x15];
	[sflag:s0] =	ssyncadd.s32 $0xFFFFF800  }
0x8c: {  	[spmem:s2] =	stream.linear.scatter [tilespmem:s11], [sflag:$0x5], $0x800, $0x38;
	[tilespmem:$0x1E878] =	vst v63  }
0x8d: {  	_ =	swait.ge [sflag:s0], $0x800  }
0x8e: {  	[sflag:s0] =	ssyncset.done $0x0  }
0x8f: {  	s15 =	rddreg [dreg:$0x16];
	[sflag:s0] =	ssyncadd.s32 $0xFFFFF800  }
0x90: {  	[spmem:s15] =	stream.linear.scatter [tilespmem:s11], [sflag:$0x5], $0x800, $0x38;
	[tilespmem:$0x1E878] =	vst v63  }
0x91: {  	_ =	swait.ge [sflag:s0], $0x800  }
0x92: {  	[sflag:s0] =	ssyncset.done $0x0  }
0x93: {  	s25 =	rddreg [dreg:$0x17];
	[sflag:s0] =	ssyncadd.s32 $0xFFFFF800  }
0x94: {  	[spmem:s25] =	stream.linear.scatter [tilespmem:s11], [sflag:$0x5], $0x800, $0x38;
	[tilespmem:$0x1E878] =	vst v63  }
0x95: {  	_ =	swait.ge [sflag:s0], $0x800  }
0x96: {  	[sflag:s0] =	ssyncset.done $0x0  }
0x97: {  	s30 =	rddreg [dreg:$0x18];
	[sflag:s0] =	ssyncadd.s32 $0xFFFFF800  }
0x98: {  	[spmem:s30] =	stream.linear.scatter [tilespmem:s11], [sflag:$0x5], $0x800, $0x38;
	[tilespmem:$0x1E878] =	vst v63  }
0x99: {  	_ =	swait.ge [sflag:s0], $0x800  }
0x9a: {  	[sflag:s0] =	ssyncset.done $0x0  }
0x9b: {  	s2 =	rddreg [dreg:$0x19];
	[sflag:s0] =	ssyncadd.s32 $0xFFFFF800  }
0x9c: {  	[spmem:s2] =	stream.linear.scatter [tilespmem:s11], [sflag:$0x5], $0x800, $0x38;
	[tilespmem:$0x1E878] =	vst v63  }
0x9d: {  	_ =	swait.ge [sflag:s0], $0x800  }
0x9e: {  	[sflag:s0] =	ssyncset.done $0x0  }
0x9f: {  	s15 =	rddreg [dreg:$0x1a];
	[sflag:s0] =	ssyncadd.s32 $0xFFFFF800  }
0xa0: {  	[spmem:s15] =	stream.linear.scatter [tilespmem:s11], [sflag:$0x5], $0x800, $0x38;
	[tilespmem:$0x1E878] =	vst v63  }
0xa1: {  	_ =	swait.ge [sflag:s0], $0x800  }
0xa2: {  	[sflag:s0] =	ssyncset.done $0x0  }
0xa3: {  	s25 =	rddreg [dreg:$0x1b];
	[sflag:s0] =	ssyncadd.s32 $0xFFFFF800  }
0xa4: {  	[spmem:s25] =	stream.linear.scatter [tilespmem:s11], [sflag:$0x5], $0x800, $0x38;
	[tilespmem:$0x1E878] =	vst v63  }
0xa5: {  	_ =	swait.ge [sflag:s0], $0x800  }
0xa6: {  	[sflag:s0] =	ssyncset.done $0x0  }
0xa7: {  	s30 =	rddreg [dreg:$0x1c];
	[sflag:s0] =	ssyncadd.s32 $0xFFFFF800  }
0xa8: {  	[spmem:s30] =	stream.linear.scatter [tilespmem:s11], [sflag:$0x5], $0x800, $0x38;
	[tilespmem:$0x1E878] =	vst v63  }
0xa9: {  	_ =	swait.ge [sflag:s0], $0x800  }
0xaa: {  	[sflag:s0] =	ssyncset.done $0x0  }
0xab: {  	s2 =	rddreg [dreg:$0x1d];
	[sflag:s0] =	ssyncadd.s32 $0xFFFFF800  }
0xac: {  	[spmem:s2] =	stream.linear.scatter [tilespmem:s11], [sflag:$0x5], $0x800, $0x38;
	[tilespmem:$0x1E878] =	vst v63  }
0xad: {  	_ =	swait.ge [sflag:s0], $0x800  }
0xae: {  	[sflag:s0] =	ssyncset.done $0x0  }
0xaf: {  	s15 =	rddreg [dreg:$0x1e];
	[sflag:s0] =	ssyncadd.s32 $0xFFFFF800  }
0xb0: {  	[spmem:s15] =	stream.linear.scatter [tilespmem:s11], [sflag:$0x5], $0x800, $0x38;
	[tilespmem:$0x1E878] =	vst v63  }
0xb1: {  	_ =	swait.ge [sflag:s0], $0x800  }
0xb2: {  	[sflag:s0] =	ssyncset.done $0x0  }
0xb3: {  	s25 =	rddreg [dreg:$0x1f];
	[sflag:s0] =	ssyncadd.s32 $0xFFFFF800  }
0xb4: {  	[spmem:s25] =	stream.linear.scatter [tilespmem:s11], [sflag:$0x5], $0x800, $0x38;
	[tilespmem:$0x1E878] =	vst v63  }
0xb5: {  	_ =	swait.ge [sflag:s0], $0x800  }
0xb6: {  	s30 =	sld [smem:$0x7E4]  }
0xb7: {  	[sflag:s0] =	ssyncset.done $0x0  }
0xb8: {  	[sflag:s0] =	ssyncadd.s32 $0xFFFFF800  }
0xb9: {  	[spmem:s30] =	stream.linear.scatter [tilespmem:s11], [sflag:$0x5], $0x800, $0x38;
	[tilespmem:$0x1E878] =	vst v63  }
0xba: {  	_ =	swait.ge [sflag:s0], $0x800  }
0xbb: {  	s2 =	sld [smem:$0x7E5]  }
0xbc: {  	[sflag:s0] =	ssyncset.done $0x0  }
0xbd: {  	[sflag:s0] =	ssyncadd.s32 $0xFFFFF800  }
0xbe: {  	[spmem:s2] =	stream.linear.scatter [tilespmem:s11], [sflag:$0x5], $0x800, $0x38;
	[tilespmem:$0x1E878] =	vst v63  }
0xbf: {  	_ =	swait.ge [sflag:s0], $0x800  }
0xc0: {  	s15 =	sld [smem:$0x7E6]  }
0xc1: {  	[sflag:s0] =	ssyncset.done $0x0  }
0xc2: {  	[sflag:s0] =	ssyncadd.s32 $0xFFFFF800  }
0xc3: {  	[spmem:s15] =	stream.linear.scatter [tilespmem:s11], [sflag:$0x5], $0x800, $0x38;
	[tilespmem:$0x1E878] =	vst v63  }
0xc4: {  	_ =	swait.ge [sflag:s0], $0x800  }
0xc5: {  	s25 =	sld [smem:$0x7E7]  }
0xc6: {  	[sflag:s0] =	ssyncset.done $0x0  }
0xc7: {  	[sflag:s0] =	ssyncadd.s32 $0xFFFFF800  }
0xc8: {  	[spmem:s25] =	stream.linear.scatter [tilespmem:s11], [sflag:$0x5], $0x800, $0x38;
	[tilespmem:$0x1E878] =	vst v63  }
0xc9: {  	_ =	swait.ge [sflag:s0], $0x800  }
0xca: {  	s30 =	sld [smem:$0x7E8]  }
0xcb: {  	[sflag:s0] =	ssyncset.done $0x0  }
0xcc: {  	[sflag:s0] =	ssyncadd.s32 $0xFFFFF800  }
0xcd: {  	[spmem:s30] =	stream.linear.scatter [tilespmem:s11], [sflag:$0x5], $0x800, $0x38;
	[tilespmem:$0x1E878] =	vst v63  }
0xce: {  	_ =	swait.ge [sflag:s0], $0x800  }
0xcf: {  	s2 =	sld [smem:$0x7E9]  }
0xd0: {  	[sflag:s0] =	ssyncset.done $0x0  }
0xd1: {  	[sflag:s0] =	ssyncadd.s32 $0xFFFFF800  }
0xd2: {  	[spmem:s2] =	stream.linear.scatter [tilespmem:s11], [sflag:$0x5], $0x800, $0x38;
	[tilespmem:$0x1E878] =	vst v63  }
0xd3: {  	_ =	swait.ge [sflag:s0], $0x800  }
0xd4: {  	s15 =	sld [smem:$0x7EA]  }
0xd5: {  	[sflag:s0] =	ssyncset.done $0x0  }
0xd6: {  	[sflag:s0] =	ssyncadd.s32 $0xFFFFF800  }
0xd7: {  	[spmem:s15] =	stream.linear.scatter [tilespmem:s11], [sflag:$0x5], $0x800, $0x38;
	[tilespmem:$0x1E878] =	vst v63  }
0xd8: {  	_ =	swait.ge [sflag:s0], $0x800  }
0xd9: {  	s25 =	sld [smem:$0x7EB]  }
0xda: {  	[sflag:s0] =	ssyncset.done $0x0  }
0xdb: {  	[sflag:s0] =	ssyncadd.s32 $0xFFFFF800  }
0xdc: {  	[spmem:s25] =	stream.linear.scatter [tilespmem:s11], [sflag:$0x5], $0x800, $0x38;
	[tilespmem:$0x1E878] =	vst v63  }
0xdd: {  	_ =	swait.ge [sflag:s0], $0x800  }
0xde: {  	s30 =	sld [smem:$0x7EC]  }
0xdf: {  	[sflag:s0] =	ssyncset.done $0x0  }
0xe0: {  	[sflag:s0] =	ssyncadd.s32 $0xFFFFF800  }
0xe1: {  	[spmem:s30] =	stream.linear.scatter [tilespmem:s11], [sflag:$0x5], $0x800, $0x38;
	[tilespmem:$0x1E878] =	vst v63  }
0xe2: {  	_ =	swait.ge [sflag:s0], $0x800  }
0xe3: {  	s2 =	sld [smem:$0x7ED]  }
0xe4: {  	[sflag:s0] =	ssyncset.done $0x0  }
0xe5: {  	[sflag:s0] =	ssyncadd.s32 $0xFFFFF800  }
0xe6: {  	[spmem:s2] =	stream.linear.scatter [tilespmem:s11], [sflag:$0x5], $0x800, $0x38;
	[tilespmem:$0x1E878] =	vst v63  }
0xe7: {  	_ =	swait.ge [sflag:s0], $0x800  }
0xe8: {  	s15 =	sld [smem:$0x7EE]  }
0xe9: {  	[sflag:s0] =	ssyncset.done $0x0  }
0xea: {  	[sflag:s0] =	ssyncadd.s32 $0xFFFFF800  }
0xeb: {  	[spmem:s15] =	stream.linear.scatter [tilespmem:s11], [sflag:$0x5], $0x800, $0x38;
	[tilespmem:$0x1E878] =	vst v63  }
0xec: {  	_ =	swait.ge [sflag:s0], $0x800  }
0xed: {  	s25 =	sld [smem:$0x7EF]  }
0xee: {  	[sflag:s0] =	ssyncset.done $0x0  }
0xef: {  	[sflag:s0] =	ssyncadd.s32 $0xFFFFF800  }
0xf0: {  	[spmem:s25] =	stream.linear.scatter [tilespmem:s11], [sflag:$0x5], $0x800, $0x38;
	[tilespmem:$0x1E878] =	vst v63  }
0xf1: {  	_ =	swait.ge [sflag:s0], $0x800  }
0xf2: {  	s30 =	sld [smem:$0x7F0]  }
0xf3: {  	[sflag:s0] =	ssyncset.done $0x0  }
0xf4: {  	[sflag:s0] =	ssyncadd.s32 $0xFFFFF800  }
0xf5: {  	[spmem:s30] =	stream.linear.scatter [tilespmem:s11], [sflag:$0x5], $0x800, $0x38;
	[tilespmem:$0x1E878] =	vst v63  }
0xf6: {  	_ =	swait.ge [sflag:s0], $0x800  }
0xf7: {  	s2 =	sld [smem:$0x7F1]  }
0xf8: {  	[sflag:s0] =	ssyncset.done $0x0  }
0xf9: {  	[sflag:s0] =	ssyncadd.s32 $0xFFFFF800  }
0xfa: {  	[spmem:s2] =	stream.linear.scatter [tilespmem:s11], [sflag:$0x5], $0x800, $0x38;
	[tilespmem:$0x1E878] =	vst v63  }
0xfb: {  	_ =	swait.ge [sflag:s0], $0x800  }
0xfc: {  	s15 =	sld [smem:$0x7F2]  }
0xfd: {  	[sflag:s0] =	ssyncset.done $0x0  }
0xfe: {  	[sflag:s0] =	ssyncadd.s32 $0xFFFFF800  }
0xff: {  	[spmem:s15] =	stream.linear.scatter [tilespmem:s11], [sflag:$0x5], $0x800, $0x38;
	[tilespmem:$0x1E878] =	vst v63  }
0x100: {  	_ =	swait.ge [sflag:s0], $0x800  }
0x101: {  	s25 =	sld [smem:$0x7F3]  }
0x102: {  	[sflag:s0] =	ssyncset.done $0x0  }
0x103: {  	[sflag:s0] =	ssyncadd.s32 $0xFFFFF800  }
0x104: {  	[spmem:s25] =	stream.linear.scatter [tilespmem:s11], [sflag:$0x5], $0x800, $0x38;
	[tilespmem:$0x1E878] =	vst v63  }
0x105: {  	_ =	swait.ge [sflag:s0], $0x800  }
0x106: {  	s30 =	sld [smem:$0x7F4]  }
0x107: {  	[sflag:s0] =	ssyncset.done $0x0  }
0x108: {  	[sflag:s0] =	ssyncadd.s32 $0xFFFFF800  }
0x109: {  	[spmem:s30] =	stream.linear.scatter [tilespmem:s11], [sflag:$0x5], $0x800, $0x38;
	[tilespmem:$0x1E878] =	vst v63  }
0x10a: {  	_ =	swait.ge [sflag:s0], $0x800  }
0x10b: {  	s2 =	sld [smem:$0x7F5]  }
0x10c: {  	[sflag:s0] =	ssyncset.done $0x0  }
0x10d: {  	[sflag:s0] =	ssyncadd.s32 $0xFFFFF800  }
0x10e: {  	[spmem:s2] =	stream.linear.scatter [tilespmem:s11], [sflag:$0x5], $0x800, $0x38;
	[tilespmem:$0x1E878] =	vst v63  }
0x10f: {  	_ =	swait.ge [sflag:s0], $0x800  }
0x110: {  	s15 =	sld [smem:$0x7F6]  }
0x111: {  	[sflag:s0] =	ssyncset.done $0x0  }
0x112: {  	[sflag:s0] =	ssyncadd.s32 $0xFFFFF800  }
0x113: {  	[spmem:s15] =	stream.linear.scatter [tilespmem:s11], [sflag:$0x5], $0x800, $0x38;
	[tilespmem:$0x1E878] =	vst v63  }
0x114: {  	_ =	swait.ge [sflag:s0], $0x800  }
0x115: {  	s25 =	sld [smem:$0x7F7]  }
0x116: {  	[sflag:s0] =	ssyncset.done $0x0  }
0x117: {  	[sflag:s0] =	ssyncadd.s32 $0xFFFFF800  }
0x118: {  	[spmem:s25] =	stream.linear.scatter [tilespmem:s11], [sflag:$0x5], $0x800, $0x38;
	[tilespmem:$0x1E878] =	vst v63  }
0x119: {  	_ =	swait.ge [sflag:s0], $0x800  }
0x11a: {  	s30 =	sld [smem:$0x7F8]  }
0x11b: {  	[sflag:s0] =	ssyncset.done $0x0  }
0x11c: {  	[sflag:s0] =	ssyncadd.s32 $0xFFFFF800  }
0x11d: {  	[spmem:s30] =	stream.linear.scatter [tilespmem:s11], [sflag:$0x5], $0x800, $0x38;
	[tilespmem:$0x1E878] =	vst v63  }
0x11e: {  	_ =	swait.ge [sflag:s0], $0x800  }
0x11f: {  	s2 =	sld [smem:$0x7F9]  }
0x120: {  	[sflag:s0] =	ssyncset.done $0x0  }
0x121: {  	[sflag:s0] =	ssyncadd.s32 $0xFFFFF800  }
0x122: {  	[spmem:s2] =	stream.linear.scatter [tilespmem:s11], [sflag:$0x5], $0x800, $0x38;
	[tilespmem:$0x1E878] =	vst v63  }
0x123: {  	_ =	swait.ge [sflag:s0], $0x800  }
0x124: {  	s15 =	sld [smem:$0x7FA]  }
0x125: {  	[sflag:s0] =	ssyncset.done $0x0  }
0x126: {  	[sflag:s0] =	ssyncadd.s32 $0xFFFFF800  }
0x127: {  	[spmem:s15] =	stream.linear.scatter [tilespmem:s11], [sflag:$0x5], $0x800, $0x38;
	[tilespmem:$0x1E878] =	vst v63  }
0x128: {  	_ =	swait.ge [sflag:s0], $0x800  }
0x129: {  	s25 =	sld [smem:$0x7FB]  }
0x12a: {  	[sflag:s0] =	ssyncset.done $0x0  }
0x12b: {  	[sflag:s0] =	ssyncadd.s32 $0xFFFFF800  }
0x12c: {  	[spmem:s25] =	stream.linear.scatter [tilespmem:s11], [sflag:$0x5], $0x800, $0x38;
	[tilespmem:$0x1E878] =	vst v63  }
0x12d: {  	_ =	swait.ge [sflag:s0], $0x800  }
0x12e: {  	[sflag:s0] =	ssyncset.done $0x0  }
0x12f: {  	s30 =	simm.s32 $0xAB00;
	[sflag:s0] =	ssyncadd.s32 $0xFFFFF800  }
0x130: {  	[spmem:s29] =	stream.linear.scatter [tilespmem:s30], [sflag:$0x5], $0x270, $0x38;
	[tilespmem:$0x1E878] =	vst v63  }
0x131: {  	_ =	swait.ge [sflag:s0], $0x270  }
0x132: {  	[sflag:s0] =	ssyncset.done $0x0  }
0x133: {  	s10 =	simm.s32 @!p0 $0xA300;
	[sflag:s0] =	ssyncadd.s32 $0xFFFFFD90  }
0x134: {  	[spmem:s31] =	stream.linear.scatter @!p0 [tilespmem:s10], [sflag:$0x5], $0x800, $0x38;
	[tilespmem:$0x1E878] =	vst v63  }
0x135: {  	s10 =	simm.s32 @!p0 $0x5  }
0x136: {  	_ =	swait.ge @!p0 [sflag:s10], $0x800  }
0x137: {  	s15 =	sld [smem:$0x7FC]  }
0x138: {  	[sflag:s10] =	ssyncset.done @!p0 $0x0  }
0x139: {  	s11 =	simm.s32 @!p0 $0xAB00;
	[sflag:s10] =	ssyncadd.s32 @!p0 $0xFFFFF800  }
0x13a: {  	[spmem:s15] =	stream.linear.scatter @!p0 [tilespmem:s11], [sflag:$0x5], $0x10, $0x38;
	[tilespmem:$0x1E878] =	vst v63  }
0x13b: {  	_ =	swait.ge @!p0 [sflag:s10], $0x10  }
0x13c: {  	[sflag:s10] =	ssyncset.done @!p0 $0x0  }
0x13d: {  	[sflag:s10] =	ssyncadd.s32 @!p0 $0xFFFFFFF0  }
0x13e: {  	[bflag:$0x0] =	sbarrier.arrive $0xFFFF  }
0x13f: {  	s29 =	simm.s32 $0x0;
	s31 =	rddreg [dreg:$0x7]  }
0x140: {  	[tilespmem:s12], [sflag:$0x3] =	stream.linear.gather [hbm4b:s31+s29], $0x50, $0x38;
	[tilespmem:$0x1E878] =	vst v63  }
0x141: {  	s2 =	rddreg [dreg:$0x8]  }
0x142: {  	[tilespmem:s13], [sflag:$0x3] =	stream.linear.gather [hbm4b:s2+s29], $0x50, $0x38;
	[tilespmem:$0x1E878] =	vst v63  }
0x143: {  	s15 =	simm.s32 $0xA180;
	s11 =	rddreg [dreg:$0xa]  }
0x144: {  	[tilespmem:s15], [sflag:$0x4] =	stream.linear.gather [hbm4b:s11+s29], $0x50, $0x38;
	[tilespmem:$0x1E878] =	vst v63  }
0x145: {  	s25 =	rddreg [dreg:$0xb]  }
0x146: {  	[tilespmem:s16], [sflag:$0x4] =	stream.linear.gather [hbm4b:s25+s29], $0x50, $0x38;
	[tilespmem:$0x1E878] =	vst v63  }
0x147: {  	_ =	swait.ge [sflag:s17], $0x50  }
0x148: {  	[sflag:s17] =	ssyncset.done $0x0  }
0x149: {  	[sflag:s17] =	ssyncadd.s32 $0xFFFFFFB0  }
0x14a: {  	_ =	swait.ge [sflag:s17], $0x50  }
0x14b: {  	[sflag:s17] =	ssyncset.done $0x0  }
0x14c: {  	[sflag:s17] =	ssyncadd.s32 $0xFFFFFFB0  }
0x14d: {  	[tilespmem:s29], [sflag:$0x1] =	stream.indirect.gather [hbm4b:s1+s18], $0x80, s12, s18, $0xb8;
	[tilespmem:$0x1E878] =	vst v63  }
0x14e: {  	s30 =	rddreg [dreg:$0xc]  }
0x14f: {  	[tilespmem:s19], [sflag:$0x1] =	stream.linear.gather [hbm4b:s30+s29], $0x2800, $0x38;
	[tilespmem:$0x1E878] =	vst v63  }
0x150: {  	s31 =	rddreg [dreg:$0xd]  }
0x151: {  	[tilespmem:s20], [sflag:$0x1] =	stream.linear.gather [hbm4b:s31+s29], $0x50, $0x38;
	[tilespmem:$0x1E878] =	vst v63  }
.LBB2_4:
0x152: {  	_ =	swait.ge [sflag:s23], $0x2800  }
0x153: {  	[sflag:s23] =	ssyncset.done $0x0  }
0x154: {  	[sflag:s23] =	ssyncadd.s32 $0xFFFFD800  }
0x155: {  	_ =	swait.ge [sflag:s23], $0x2800  }
0x156: {  	[sflag:s23] =	ssyncset.done $0x0  }
0x157: {  	[sflag:s23] =	ssyncadd.s32 $0xFFFFD800  }
0x158: {  	_ =	swait.ge [sflag:s23], $0x50  }
0x159: {  	[sflag:s23] =	ssyncset.done $0x0  }
0x15a: {  	s10 =	simm.s32 $0x0;
	[sflag:s23] =	ssyncadd.s32 $0xFFFFFFB0  }
0x15b: {  	v8 =	vld [tilespmem:s10+$0x0]  }
0x15c: {  	v12 =	vld [tilespmem:s10+$0x10]  }
0x15d: {  	v6 =	vld [tilespmem:s10+$0x20]  }
0x15e: {  	v5 =	vld [tilespmem:s10+$0x30]  }
0x15f: {  	v4 =	vld [tilespmem:s10+$0x40]  }
0x160: {  	v3 =	vld [tilespmem:s10+$0x50]  }
0x161: {  	v2 =	vld [tilespmem:s10+$0x60]  }
0x162: {  	v1 =	vld [tilespmem:s10+$0x70]  }
0x163: {  	v13 =	vld [tilespmem:s10+$0x5000]  }
0x164: {  	v14 =	vld [tilespmem:s10+$0x5010]  }
0x165: {  	v11 =	vld [tilespmem:s10+$0x5020]  }
0x166: {  	v10 =	vld [tilespmem:s10+$0x5030]  }
0x167: {  	v9 =	vld [tilespmem:s10+$0x5040]  }
0x168: {  	v7 =	vld [tilespmem:s10+$0x5050];
	v13 =	vmul.f32 v8, v13  }
0x169: {  	s2 =	smov.u32 s1;
	s11 =	simm.s32 $0x200;
	v12 =	vmul.f32 v12, v14;
	v8 =	vld [tilespmem:s10+$0x5060]  }
.LBB2_5:
0x16a: {  	s15 =	sshra.s32 s11, $0x2;
	p1 =	sne.s32 s11, $0x9E00;
	[tilespmem:s10+$0x5000] =	vst v13;
	v6 =	vmul.f32 v6, v11;
	v11 =	vld [tilespmem:s10+$0x5070]  }
0x16b: {  	v13 =	vld [tilespmem:s15+$0x0];
	[tilespmem:s10+$0x5010] =	vst v12;
	v5 =	vmul.f32 v5, v10  }
0x16c: {  	v12 =	vld [tilespmem:s15+$0x10];
	[tilespmem:s10+$0x5020] =	vst v6;
	v4 =	vmul.f32 v4, v9  }
0x16d: {  	v6 =	vld [tilespmem:s15+$0x20];
	[tilespmem:s10+$0x5030] =	vst v5;
	v3 =	vmul.f32 v3, v7  }
0x16e: {  	v5 =	vld [tilespmem:s15+$0x30];
	[tilespmem:s10+$0x5040] =	vst v4;
	v2 =	vmul.f32 v2, v8  }
0x16f: {  	v4 =	vld [tilespmem:s15+$0x40];
	[tilespmem:s10+$0x5050] =	vst v3;
	v1 =	vmul.f32 v1, v11  }
0x170: {  	v3 =	vld [tilespmem:s15+$0x50];
	[tilespmem:s10+$0x5060] =	vst v2  }
0x171: {  	v2 =	vld [tilespmem:s15+$0x60];
	[tilespmem:s10+$0x5070] =	vst v1;
	s10 =	smov.u32 s15  }
0x172: {  	v1 =	vld [tilespmem:s10+$0x70]  }
0x173: {  	v7 =	vld [tilespmem:s10+$0x5000]  }
0x174: {  	v8 =	vld [tilespmem:s10+$0x5010]  }
.Ltmp1:
0x175: {  	v11 =	vld [tilespmem:s10+$0x5020];
	(pc) =	sbr.rel @p1 .LBB2_5-.Ltmp1, $4  }
0x176: {  	v10 =	vld [tilespmem:s10+$0x5030]  }
0x177: {  	v9 =	vld [tilespmem:s10+$0x5040]  }
0x178: {  	v13 =	vmul.f32 v13, v7;
	v7 =	vld [tilespmem:s10+$0x5050]  }
0x179: {  	s11 =	sadd.s32 $0x200, s11;
	v12 =	vmul.f32 v12, v8;
	v8 =	vld [tilespmem:s10+$0x5060]  }
0x17a: {  	[tilespmem:s10+$0x5000] =	vst v13;
	v6 =	vmul.f32 v6, v11;
	v11 =	vld [tilespmem:s10+$0x5070]  }
0x17b: {  	[tilespmem:s10+$0x5010] =	vst v12;
	v5 =	vmul.f32 v5, v10  }
0x17c: {  	[tilespmem:s10+$0x5020] =	vst v6;
	v4 =	vmul.f32 v4, v9  }
0x17d: {  	[tilespmem:s10+$0x5030] =	vst v5;
	v3 =	vmul.f32 v3, v7  }
0x17e: {  	[tilespmem:s10+$0x5040] =	vst v4;
	v2 =	vmul.f32 v2, v8  }
0x17f: {  	[tilespmem:s10+$0x5050] =	vst v3;
	v1 =	vmul.f32 v1, v11  }
0x180: {  	[tilespmem:s10+$0x5060] =	vst v2  }
0x181: {  	[tilespmem:s10+$0x5070] =	vst v1  }
0x182: {  	[spmem:s3] =	stream.indirect.scatter.add.f32 [tilespmem:s19], [sflag:$0x5], $0x80, s13, s18, $0xb8;
	[tilespmem:$0x1E878] =	vst v63  }
0x183: {  	_ =	swait.ge [sflag:s0], $0x2800  }
0x184: {  	[sflag:s0] =	ssyncset.done $0x0  }
0x185: {  	s11 =	smul.u32 $0xA0, s29;
	[sflag:s0] =	ssyncadd.s32 $0xFFFFD800  }
0x186: {  	[spmem:s14] =	stream.indirect.scatter.add.f32 [tilespmem:s20], [sflag:$0x5], $0x1, s13, s18, $0xb8;
	[tilespmem:$0x1E878] =	vst v63  }
0x187: {  	s10 =	sadd.s32 s11, s21;
	_ =	swait.ge [sflag:s0], $0x50  }
0x188: {  	s30 =	sshrl.u32 s10, $0x3;
	[sflag:s0] =	ssyncset.done $0x0  }
0x189: {  	s25 =	simm.s32 $0x0;
	s15 =	sadd.s32 s7, s30;
	[sflag:s0] =	ssyncadd.s32 $0xFFFFFFB0  }
0x18a: {  	[tilespmem:s12], [sflag:$0x3] =	stream.linear.gather [hbm4b:s15+s25], $0x50, $0x38;
	[tilespmem:$0x1E878] =	vst v63  }
0x18b: {  	s1 =	sadd.s32 s9, s30  }
0x18c: {  	[tilespmem:s13], [sflag:$0x3] =	stream.linear.gather [hbm4b:s1+s25], $0x50, $0x38;
	[tilespmem:$0x1E878] =	vst v63  }
0x18d: {  	_ =	swait.ge [sflag:s24], $0x50  }
0x18e: {  	[sflag:s24] =	ssyncset.done $0x0  }
0x18f: {  	[sflag:s24] =	ssyncadd.s32 $0xFFFFFFB0  }
0x190: {  	_ =	swait.ge [sflag:s24], $0x50  }
0x191: {  	s1 =	sld [smem:$0x7E3];
	_ =	sdelay $0x1  }
0x192: {  	s31 =	simm.s32 $0xA180;
	[sflag:s24] =	ssyncset.done $0x0  }
0x193: {  	[sflag:s24] =	ssyncadd.s32 $0xFFFFFFB0;
	s15 =	sadd.s32 s1, s11;
	s1 =	simm.s32 $0x2800  }
0x194: {  	[tilespmem:s1], [sflag:$0x2] =	stream.indirect.gather [hbm4b:s2+s18], $0x80, s31, s18, $0xb8;
	[tilespmem:$0x1E878] =	vst v63  }
0x195: {  	s1 =	smov.u32 s2;
	s2 =	sshll.u32 s15, $0x4  }
0x196: {  	s15 =	sshrl.u32 s15, $0x3;
	s31 =	sadd.s32 s5, s2  }
0x197: {  	[tilespmem:s26], [sflag:$0x2] =	stream.linear.gather [hbm4b:s31+s25], $0x2800, $0x38;
	[tilespmem:$0x1E878] =	vst v63  }
0x198: {  	s15 =	sadd.s32 s6, s15  }
0x199: {  	[tilespmem:s28], [sflag:$0x2] =	stream.linear.gather [hbm4b:s15+s25], $0x50, $0x38;
	[tilespmem:$0x1E878] =	vst v63  }
0x19a: {  	_ =	swait.ge [sflag:s8], $0x2800  }
0x19b: {  	[sflag:s8] =	ssyncset.done $0x0  }
0x19c: {  	[sflag:s8] =	ssyncadd.s32 $0xFFFFD800  }
0x19d: {  	_ =	swait.ge [sflag:s8], $0x2800  }
0x19e: {  	[sflag:s8] =	ssyncset.done $0x0  }
0x19f: {  	[sflag:s8] =	ssyncadd.s32 $0xFFFFD800  }
0x1a0: {  	_ =	swait.ge [sflag:s8], $0x50  }
0x1a1: {  	[sflag:s8] =	ssyncset.done $0x0  }
0x1a2: {  	s25 =	simm.s32 $0x0;
	[sflag:s8] =	ssyncadd.s32 $0xFFFFFFB0  }
0x1a3: {  	v8 =	vld [tilespmem:s25+$0x2800]  }
0x1a4: {  	v12 =	vld [tilespmem:s25+$0x2810]  }
0x1a5: {  	v6 =	vld [tilespmem:s25+$0x2820]  }
0x1a6: {  	v5 =	vld [tilespmem:s25+$0x2830]  }
0x1a7: {  	v4 =	vld [tilespmem:s25+$0x2840]  }
0x1a8: {  	v3 =	vld [tilespmem:s25+$0x2850]  }
0x1a9: {  	v2 =	vld [tilespmem:s25+$0x2860]  }
0x1aa: {  	v1 =	vld [tilespmem:s25+$0x2870]  }
0x1ab: {  	v13 =	vld [tilespmem:s25+$0x7800]  }
0x1ac: {  	v14 =	vld [tilespmem:s25+$0x7810]  }
0x1ad: {  	v11 =	vld [tilespmem:s25+$0x7820]  }
0x1ae: {  	v10 =	vld [tilespmem:s25+$0x7830]  }
0x1af: {  	v9 =	vld [tilespmem:s25+$0x7840]  }
0x1b0: {  	v7 =	vld [tilespmem:s25+$0x7850];
	v13 =	vmul.f32 v8, v13  }
0x1b1: {  	s15 =	simm.s32 $0x200;
	v12 =	vmul.f32 v12, v14;
	v8 =	vld [tilespmem:s25+$0x7860]  }
.LBB2_7:
0x1b2: {  	s31 =	sshra.s32 s15, $0x2;
	p1 =	sne.s32 s15, $0x9E00;
	[tilespmem:s25+$0x7800] =	vst v13;
	v6 =	vmul.f32 v6, v11;
	v11 =	vld [tilespmem:s25+$0x7870]  }
0x1b3: {  	v13 =	vld [tilespmem:s31+$0x2800];
	[tilespmem:s25+$0x7810] =	vst v12;
	v5 =	vmul.f32 v5, v10  }
0x1b4: {  	v12 =	vld [tilespmem:s31+$0x2810];
	[tilespmem:s25+$0x7820] =	vst v6;
	v4 =	vmul.f32 v4, v9  }
0x1b5: {  	v6 =	vld [tilespmem:s31+$0x2820];
	[tilespmem:s25+$0x7830] =	vst v5;
	v3 =	vmul.f32 v3, v7  }
0x1b6: {  	v5 =	vld [tilespmem:s31+$0x2830];
	[tilespmem:s25+$0x7840] =	vst v4;
	v2 =	vmul.f32 v2, v8  }
0x1b7: {  	v4 =	vld [tilespmem:s31+$0x2840];
	[tilespmem:s25+$0x7850] =	vst v3;
	v1 =	vmul.f32 v1, v11  }
0x1b8: {  	v3 =	vld [tilespmem:s31+$0x2850];
	[tilespmem:s25+$0x7860] =	vst v2  }
0x1b9: {  	v2 =	vld [tilespmem:s31+$0x2860];
	[tilespmem:s25+$0x7870] =	vst v1;
	s25 =	smov.u32 s31  }
0x1ba: {  	v1 =	vld [tilespmem:s25+$0x2870]  }
0x1bb: {  	v7 =	vld [tilespmem:s25+$0x7800]  }
0x1bc: {  	v8 =	vld [tilespmem:s25+$0x7810]  }
.Ltmp2:
0x1bd: {  	v11 =	vld [tilespmem:s25+$0x7820];
	(pc) =	sbr.rel @p1 .LBB2_7-.Ltmp2, $4  }
0x1be: {  	v10 =	vld [tilespmem:s25+$0x7830]  }
0x1bf: {  	v9 =	vld [tilespmem:s25+$0x7840]  }
0x1c0: {  	v13 =	vmul.f32 v13, v7;
	v7 =	vld [tilespmem:s25+$0x7850]  }
0x1c1: {  	s15 =	sadd.s32 $0x200, s15;
	v12 =	vmul.f32 v12, v8;
	v8 =	vld [tilespmem:s25+$0x7860]  }
0x1c2: {  	[tilespmem:s25+$0x7800] =	vst v13;
	v6 =	vmul.f32 v6, v11;
	v63 =	vld [tilespmem:s25+$0x7870]  }
0x1c3: {  	[tilespmem:s25+$0x7810] =	vst v12;
	v5 =	vmul.f32 v5, v10  }
0x1c4: {  	[tilespmem:s25+$0x7820] =	vst v6;
	v4 =	vmul.f32 v4, v9  }
0x1c5: {  	[tilespmem:s25+$0x7830] =	vst v5;
	v3 =	vmul.f32 v3, v7  }
0x1c6: {  	[tilespmem:s25+$0x7840] =	vst v4;
	v2 =	vmul.f32 v2, v8  }
0x1c7: {  	[tilespmem:s25+$0x7850] =	vst v3;
	v1 =	vmul.f32 v1, v63  }
0x1c8: {  	[tilespmem:s25+$0x7860] =	vst v2  }
0x1c9: {  	[tilespmem:s25+$0x7870] =	vst v1  }
0x1ca: {  	[spmem:s3] =	stream.indirect.scatter.add.f32 [tilespmem:s26], [sflag:$0x5], $0x80, s16, s18, $0xb8;
	[tilespmem:$0x1E878] =	vst v63  }
0x1cb: {  	_ =	swait.ge [sflag:s0], $0x2800  }
0x1cc: {  	[sflag:s0] =	ssyncset.done $0x0  }
0x1cd: {  	p1 =	seq.s32 s29, $0x3D;
	[sflag:s0] =	ssyncadd.s32 $0xFFFFD800  }
0x1ce: {  	[spmem:s14] =	stream.indirect.scatter.add.f32 [tilespmem:s28], [sflag:$0x5], $0x1, s16, s18, $0xb8;
	[tilespmem:$0x1E878] =	vst v63  }
0x1cf: {  	s11 =	sadd.s32 @!p1 s11, s22;
	_ =	swait.ge [sflag:s0], $0x50  }
0x1d0: {  	s31 =	simm.s32 @!p1 $0xA180;
	s11 =	sshrl.u32 @!p1 s11, $0x3;
	[sflag:s0] =	ssyncset.done $0x0  }
0x1d1: {  	s15 =	sadd.s32 @!p1 s7, s11;
	s25 =	simm.s32 @!p1 $0x0;
	[sflag:s0] =	ssyncadd.s32 $0xFFFFFFB0  }
0x1d2: {  	[tilespmem:s31], [sflag:$0x4] =	stream.linear.gather @!p1 [hbm4b:s15+s25], $0x50, $0x38;
	[tilespmem:$0x1E878] =	vst v63  }
0x1d3: {  	s11 =	sadd.s32 @!p1 s9, s11;
	s15 =	simm.s32 @!p1 $0xA280  }
0x1d4: {  	[tilespmem:s15], [sflag:$0x4] =	stream.linear.gather @!p1 [hbm4b:s11+s25], $0x50, $0x38;
	[tilespmem:$0x1E878] =	vst v63  }
0x1d5: {  	_ =	swait.ge [sflag:s17], $0x50  }
0x1d6: {  	[sflag:s17] =	ssyncset.done $0x0  }
0x1d7: {  	[sflag:s17] =	ssyncadd.s32 $0xFFFFFFB0  }
0x1d8: {  	_ =	swait.ge [sflag:s17], $0x50  }
0x1d9: {  	s29 =	sadd.s32 $0x1, s29;
	[sflag:s17] =	ssyncset.done $0x0  }
0x1da: {  	p1 =	sne.s32 s29, $0x3E;
	[sflag:s17] =	ssyncadd.s32 $0xFFFFFFB0  }
0x1db: {  	[tilespmem:s4], [sflag:$0x1] =	stream.indirect.gather [hbm4b:s1+s18], $0x80, s12, s18, $0xb8;
	[tilespmem:$0x1E878] =	vst v63  }
.Ltmp3:
0x1dc: {  	s10 =	sshll.u32 s10, $0x4;
	(pc) =	sbr.rel @p1 .LBB2_4-.Ltmp3, $4  }
0x1dd: {  	s10 =	sadd.s32 s5, s10  }
0x1de: {  	[tilespmem:s19], [sflag:$0x1] =	stream.linear.gather [hbm4b:s10+s4], $0x2800, $0x38;
	[tilespmem:$0x1E878] =	vst v63  }
0x1df: {  	s31 =	sadd.s32 s6, s30  }
0x1e0: {  	[tilespmem:s20], [sflag:$0x1] =	stream.linear.gather [hbm4b:s31+s4], $0x50, $0x38;
	[tilespmem:$0x1E878] =	vst v63  }
0x1e1: {  	_ =	swait.ge [sflag:s23], $0x2800  }
0x1e2: {  	[sflag:s23] =	ssyncset.done $0x0  }
0x1e3: {  	[sflag:s23] =	ssyncadd.s32 $0xFFFFD800  }
0x1e4: {  	_ =	swait.ge [sflag:s23], $0x2800  }
0x1e5: {  	[sflag:s23] =	ssyncset.done $0x0  }
0x1e6: {  	[sflag:s23] =	ssyncadd.s32 $0xFFFFD800  }
0x1e7: {  	_ =	swait.ge [sflag:s23], $0x50  }
0x1e8: {  	[sflag:s23] =	ssyncset.done $0x0  }
0x1e9: {  	s10 =	simm.s32 $0x0;
	[sflag:s23] =	ssyncadd.s32 $0xFFFFFFB0  }
0x1ea: {  	v8 =	vld [tilespmem:s10+$0x0]  }
0x1eb: {  	v12 =	vld [tilespmem:s10+$0x10]  }
0x1ec: {  	v6 =	vld [tilespmem:s10+$0x20]  }
0x1ed: {  	v5 =	vld [tilespmem:s10+$0x30]  }
0x1ee: {  	v4 =	vld [tilespmem:s10+$0x40]  }
0x1ef: {  	v3 =	vld [tilespmem:s10+$0x50]  }
0x1f0: {  	v2 =	vld [tilespmem:s10+$0x60]  }
0x1f1: {  	v1 =	vld [tilespmem:s10+$0x70]  }
0x1f2: {  	v13 =	vld [tilespmem:s10+$0x5000]  }
0x1f3: {  	v14 =	vld [tilespmem:s10+$0x5010]  }
0x1f4: {  	v11 =	vld [tilespmem:s10+$0x5020]  }
0x1f5: {  	v10 =	vld [tilespmem:s10+$0x5030]  }
0x1f6: {  	v9 =	vld [tilespmem:s10+$0x5040]  }
0x1f7: {  	v7 =	vld [tilespmem:s10+$0x5050];
	v13 =	vmul.f32 v8, v13  }
0x1f8: {  	s11 =	simm.s32 $0x200;
	v12 =	vmul.f32 v12, v14;
	v8 =	vld [tilespmem:s10+$0x5060]  }
.LBB2_10:
0x1f9: {  	s15 =	sshra.s32 s11, $0x2;
	p1 =	sne.s32 s11, $0x9E00;
	[tilespmem:s10+$0x5000] =	vst v13;
	v6 =	vmul.f32 v6, v11;
	v11 =	vld [tilespmem:s10+$0x5070]  }
0x1fa: {  	v13 =	vld [tilespmem:s15+$0x0];
	[tilespmem:s10+$0x5010] =	vst v12;
	v5 =	vmul.f32 v5, v10  }
0x1fb: {  	v12 =	vld [tilespmem:s15+$0x10];
	[tilespmem:s10+$0x5020] =	vst v6;
	v4 =	vmul.f32 v4, v9  }
0x1fc: {  	v6 =	vld [tilespmem:s15+$0x20];
	[tilespmem:s10+$0x5030] =	vst v5;
	v3 =	vmul.f32 v3, v7  }
0x1fd: {  	v5 =	vld [tilespmem:s15+$0x30];
	[tilespmem:s10+$0x5040] =	vst v4;
	v2 =	vmul.f32 v2, v8  }
0x1fe: {  	v4 =	vld [tilespmem:s15+$0x40];
	[tilespmem:s10+$0x5050] =	vst v3;
	v1 =	vmul.f32 v1, v11  }
0x1ff: {  	v3 =	vld [tilespmem:s15+$0x50];
	[tilespmem:s10+$0x5060] =	vst v2  }
0x200: {  	v2 =	vld [tilespmem:s15+$0x60];
	[tilespmem:s10+$0x5070] =	vst v1;
	s10 =	smov.u32 s15  }
0x201: {  	v1 =	vld [tilespmem:s10+$0x70]  }
0x202: {  	v7 =	vld [tilespmem:s10+$0x5000]  }
0x203: {  	v8 =	vld [tilespmem:s10+$0x5010]  }
.Ltmp4:
0x204: {  	v11 =	vld [tilespmem:s10+$0x5020];
	(pc) =	sbr.rel @p1 .LBB2_10-.Ltmp4, $4  }
0x205: {  	v10 =	vld [tilespmem:s10+$0x5030]  }
0x206: {  	v9 =	vld [tilespmem:s10+$0x5040]  }
0x207: {  	v13 =	vmul.f32 v13, v7;
	v7 =	vld [tilespmem:s10+$0x5050]  }
0x208: {  	s11 =	sadd.s32 $0x200, s11;
	v12 =	vmul.f32 v12, v8;
	v8 =	vld [tilespmem:s10+$0x5060]  }
0x209: {  	[tilespmem:s10+$0x5000] =	vst v13;
	v6 =	vmul.f32 v6, v11;
	v63 =	vld [tilespmem:s10+$0x5070]  }
0x20a: {  	[tilespmem:s10+$0x5010] =	vst v12;
	v5 =	vmul.f32 v5, v10  }
0x20b: {  	[tilespmem:s10+$0x5020] =	vst v6;
	v4 =	vmul.f32 v4, v9  }
0x20c: {  	[tilespmem:s10+$0x5030] =	vst v5;
	v3 =	vmul.f32 v3, v7  }
0x20d: {  	[tilespmem:s10+$0x5040] =	vst v4;
	v2 =	vmul.f32 v2, v8  }
0x20e: {  	[tilespmem:s10+$0x5050] =	vst v3;
	v1 =	vmul.f32 v1, v63  }
0x20f: {  	[tilespmem:s10+$0x5060] =	vst v2  }
0x210: {  	[tilespmem:s10+$0x5070] =	vst v1  }
0x211: {  	[spmem:s3] =	stream.indirect.scatter.add.f32 [tilespmem:s19], [sflag:$0x5], $0x80, s13, s18, $0xb8;
	[tilespmem:$0x1E878] =	vst v63  }
0x212: {  	_ =	swait.ge [sflag:s0], $0x2800  }
0x213: {  	[sflag:s0] =	ssyncset.done $0x0  }
0x214: {  	[sflag:s0] =	ssyncadd.s32 $0xFFFFD800  }
0x215: {  	[spmem:s14] =	stream.indirect.scatter.add.f32 [tilespmem:s20], [sflag:$0x5], $0x1, s13, s18, $0xb8;
	[tilespmem:$0x1E878] =	vst v63  }
0x216: {  	_ =	swait.ge [sflag:s0], $0x50  }
0x217: {  	[sflag:s0] =	ssyncset.done $0x0  }
0x218: {  	[sflag:s0] =	ssyncadd.s32 $0xFFFFFFB0  }
0x219: {  	s25 =	stileid.u32;
	[bflag:$0x0] =	sbarrier.arrive $0xFFFF  }
0x21a: {  	s10 =	sshll.u32 s25, $0x6;
	s25 =	rddreg [dreg:$0x5]  }
0x21b: {  	s10 =	sor.u32 $0x1C05, s10;
	s15 =	rddreg [dreg:$0x9];
	s11 =	sshrl.u32 s25, $0x3  }
0x21c: {  	[hbm:s15], [sflag:s10] =	dma.local [spmem:s11], $0x2700  }
0x21d: {  	_ =	swait.ge [sflag:s0], $0x2700  }
0x21e: {  	[sflag:s0] =	ssyncset.done $0x0  }
0x21f: {  	s30 =	simm.s32 $0xAB00;
	s29 =	rddreg [dreg:$0x6];
	[sflag:s0] =	ssyncadd.s32 $0xFFFFD900  }
0x220: {  	[tilespmem:s30], [sflag:$0x5] =	stream.linear.gather [spmem:s29], $0x270, $0x38;
	[tilespmem:$0x1E878] =	vst v63  }
0x221: {  	_ =	swait.ge [sflag:s0], $0x270  }
0x222: {  	[sflag:s0] =	ssyncset.done $0x0  }
0x223: {  	s2 =	rddreg [dreg:$0xe];
	[sflag:s0] =	ssyncadd.s32 $0xFFFFFD90  }
0x224: {  	[hbm4b:s2+s4] =	stream.linear.scatter [tilespmem:s30], [sflag:$0x5], $0x270, $0x38;
	[tilespmem:$0x1E878] =	vst v63  }
0x225: {  	_ =	swait.ge [sflag:s0], $0x270  }
0x226: {  	s31 =	sld [smem:$0x7FD];
	_ =	sdelay $0x1  }
0x227: {  	[sflag:s0] =	ssyncset.done $0x0  }
0x228: {  	s15 =	rddreg [dreg:$0xf];
	[sflag:s0] =	ssyncadd.s32 $0xFFFFFD90;
	s11 =	sshrl.u32 @!p0 s31, $0x3  }
0x229: {  	[hbm:s15], [sflag:s10] =	dma.local @!p0 [spmem:s11], $0x100  }
0x22a: {  	s10 =	simm.s32 @!p0 $0x5  }
0x22b: {  	_ =	swait.ge @!p0 [sflag:s10], $0x100  }
0x22c: {  	s15 =	sld [smem:$0x7FC]  }
0x22d: {  	[sflag:s10] =	ssyncset.done @!p0 $0x0  }
0x22e: {  	s11 =	simm.s32 @!p0 $0xAB00;
	[sflag:s10] =	ssyncadd.s32 @!p0 $0xFFFFFF00  }
0x22f: {  	[tilespmem:s11], [sflag:$0x5] =	stream.linear.gather @!p0 [spmem:s15], $0x10, $0x38;
	[tilespmem:$0x1E878] =	vst v63  }
0x230: {  	_ =	swait.ge @!p0 [sflag:s10], $0x10  }
0x231: {  	[sflag:s10] =	ssyncset.done @!p0 $0x0  }
0x232: {  	s15 =	simm.s32 @!p0 $0x0;
	s30 =	rddreg [dreg:$0x10];
	[sflag:s10] =	ssyncadd.s32 @!p0 $0xFFFFFFF0  }
0x233: {  	[hbm4b:s30+s15] =	stream.linear.scatter @!p0 [tilespmem:s11], [sflag:$0x5], $0x10, $0x38;
	[tilespmem:$0x1E878] =	vst v63  }
0x234: {  	_ =	swait.ge @!p0 [sflag:s10], $0x10  }
0x235: {  	s2 =	sld [smem:$0x7E2];
	_ =	sdelay $0x2  }
0x236: {  	s30 =	rddreg [dreg:$0x11];
	s2 =	sadd.s32 $0x1, s2  }
0x237: {  	p1 =	sne.s32 s2, s30  }
.Ltmp5:
0x238: {  	_ = 	snop;
	(pc) =	sbr.rel @p1 .LBB2_1-.Ltmp5, $3  }
0x239: {  	_ =	sdelay $0x1  }
0x23a: {  	[sflag:s10] =	ssyncset.done @!p0 $0x0  }
0x23b: {  	[sflag:s10] =	ssyncadd.s32 @!p0 $0xFFFFFFF0  }
0x23c: {  	_ =	sfence.sel $0x180000  }
0x23d: {  	[bflag:$0x0] =	sbarrier.arrive $0xFFFF  }
0x23e: {  	_ =	strace $0x90000047  }
0x23f: {  	s0 =	stileid.u32;
	[bflag:$0x2] =	sbarrier.arrive $0xFFFF  }
0x240: {  	p0 =	sne.s32 s0, $0x0;
	s0 =	rddreg [dreg:$0x4]  }
0x241: {  	s0 =	sadd.s32 @!p0 $0x100000, s0  }
0x242: {  	[sflag:s0] =	ssyncadd.tile.s32 @!p0 $0x1;
	_ =	shalt  }
.Lfunc_end2:
_tile_overlayer_lowered:
.L_overlay_start_2:
0x243: {  	(tag) =	ssettag $0x2  }
0x244: {  	s0 =	rddreg [dreg:$0x0];
	s2 =	stileid.u32  }
0x245: {  	s1 =	rddreg [dreg:$0x1];
	p0 =	sne.s32 s2, $0x0  }
0x246: {  	s3 =	rddreg [dreg:$0x2];
	[bflag:$0x3] =	sbarrier.arrive $0xFFFF;
	s2 =	simm.s32 @!p0 $0x1C05  }
0x247: {  	[timem:s3], [sflag:s2] =	dma.local @!p0 [hbm:s0], s1  }
0x248: {  	s0 =	simm.s32 @!p0 $0x5  }
0x249: {  	_ =	swait.ge @!p0 [sflag:s0], s1  }
0x24a: {  	s1 =	ssub.s32 @!p0 $0x0, s1;
	[sflag:s0] =	ssyncset.done @!p0 $0x0  }
0x24b: {  	[sflag:s0] =	ssyncadd.s32 @!p0 s1  }
0x24c: {  	[bflag:$0x3] =	sbarrier.arrive $0xFFFF  }
0x24d: {  	_ =	shalt  }

</sc_bundles>
